<compile_context>
chip_gen: v7x
topology: tpu7x:2x2x1
jax: 0.10.2.dev20260603
libtpu: 0.0.44.dev20260713+nightly
codegen_flags: <defaults>
</compile_context>

<pallas_src>
import functools

import jax
import jax.numpy as jnp
from jax import lax
from jax.experimental import pallas as pl
from jax.experimental.pallas import tpu as pltpu
from jax.experimental.pallas import tpu_sc as plsc

VOCAB = 1000000
EMBED = 64
BATCH = 16384
POS = 10
NEG = 50

NC = 2
NS = 16
NW = NC * NS

CH = 512

N_IN = BATCH
N_POS = BATCH * POS
N_NEG = BATCH * NEG

TL = 16384
BL = 16384

NTB = (VOCAB + TL - 1) // TL
VPAD = NTB * TL



def _tt_body(x_ref, o_ref):
    x = x_ref[...]
    a = x[:, : TL // 2].T
    b = x[:, TL // 2:].T
    o_ref[...] = jnp.concatenate([a, b], axis=1)


def _tc_table_transpose(tab_t):
    return pl.pallas_call(
        _tt_body,
        grid=(NTB,),
        in_specs=[pl.BlockSpec((EMBED, TL), lambda i: (0, i))],
        out_specs=pl.BlockSpec((TL // 2, 2 * EMBED), lambda i: (i, 0)),
        out_shape=jax.ShapeDtypeStruct((VPAD // 2, 2 * EMBED), jnp.float32),
    )(tab_t)


def _to_body(x_ref, o_ref):
    x = x_ref[...]
    a = x[:, :EMBED].T
    b = x[:, EMBED:].T
    o_ref[0, :, :] = jnp.concatenate([a, b], axis=1)


def _tc_out_transpose3(g2, k):
    nb = BATCH // BL
    return pl.pallas_call(
        _to_body,
        grid=(k, nb),
        in_specs=[pl.BlockSpec((BL // 2, 2 * EMBED),
                               lambda i, j: (i * nb + j, 0))],
        out_specs=pl.BlockSpec((1, EMBED, BL), lambda i, j: (i, 0, j)),
        out_shape=jax.ShapeDtypeStruct((k, EMBED, BATCH), jnp.float32),
    )(g2)


def _to2_body(x_ref, o_ref):
    x = x_ref[...]
    a = x[:, :EMBED].T
    b = x[:, EMBED:].T
    o_ref[...] = jnp.concatenate([a, b], axis=1)


def _tc_out_transpose2(g2):
    nb = BATCH // BL
    return pl.pallas_call(
        _to2_body,
        grid=(nb,),
        in_specs=[pl.BlockSpec((BL // 2, 2 * EMBED), lambda j: (j, 0))],
        out_specs=pl.BlockSpec((EMBED, BL), lambda j: (0, j)),
        out_shape=jax.ShapeDtypeStruct((EMBED, BATCH), jnp.float32),
    )(g2)



def _pi(r):
    blk = (r // TL) * TL
    q = r % TL
    return blk + 2 * (q % (TL // 2)) + q // (TL // 2)


def _sigma(lbl_k_major, k):
    x = lbl_k_major.reshape(k, BATCH // BL, 2, BL // 2)
    return x.swapaxes(2, 3).reshape(-1)



def _gather_desc(table, idx_vmem, rows_v, sem, c):
    return pltpu.make_async_copy(
        table.at[idx_vmem.at[pl.ds(c * CH, CH)]], rows_v, sem)


def _store_desc(out_hbm, rows_v, sem, base, c):
    return pltpu.make_async_copy(
        rows_v, out_hbm.at[pl.ds(base + c * CH, CH)], sem)


def _gather_range(table, idx_vmem, out_hbm, rows_a, rows_b,
                  gsa, gsb, ssa, ssb, base, nch):
    if nch == 1:
        _gather_desc(table, idx_vmem, rows_a, gsa, 0).start()
        _gather_desc(table, idx_vmem, rows_a, gsa, 0).wait()
        pltpu.sync_copy(rows_a, out_hbm.at[pl.ds(base, CH)])
        return

    _gather_desc(table, idx_vmem, rows_a, gsa, 0).start()

    def pair(p, carry):
        g = 2 * p
        _gather_desc(table, idx_vmem, rows_b, gsb, g + 1).start()
        _gather_desc(table, idx_vmem, rows_a, gsa, g).wait()
        _store_desc(out_hbm, rows_a, ssa, base, g).start()

        @pl.when(g + 2 < nch)
        def _():
            _store_desc(out_hbm, rows_a, ssa, base, g).wait()
            _gather_desc(table, idx_vmem, rows_a, gsa, g + 2).start()

        _gather_desc(table, idx_vmem, rows_b, gsb, g + 1).wait()
        _store_desc(out_hbm, rows_b, ssb, base, g + 1).start()
        _store_desc(out_hbm, rows_b, ssb, base, g + 1).wait()
        return carry

    lax.fori_loop(0, nch // 2, pair, None)
    _store_desc(out_hbm, rows_a, ssa, base, nch - 2).wait()


def _pi_vec(r):
    blk = r & ~(TL - 1)
    q = r & (TL - 1)
    lo = q & (TL // 2 - 1)
    hi = q >> ((TL // 2).bit_length() - 1)
    return blk + 2 * lo + hi


def _stage_sigma(lbl, idx_v, half_v, half_w, gsem_a, gsem_b, wbase, nch):

    def descs(c, hv, sem):
        srow = wbase + c * CH
        i = srow // BATCH
        p0 = (srow % BATCH) // 2
        nat = pl.multiple_of(i * BATCH + p0, CH // 2)
        return (
            pltpu.make_async_copy(lbl.at[pl.ds(nat, CH // 2)],
                                  hv.at[pl.ds(0, CH // 2)], sem),
            pltpu.make_async_copy(lbl.at[pl.ds(nat + BATCH // 2, CH // 2)],
                                  hv.at[pl.ds(CH // 2, CH // 2)], sem),
        )

    def issue(c, hv, sem):
        d0, d1 = descs(c, hv, sem)
        d0.start()
        d1.start()

    def wait(c, hv, sem):
        d0, d1 = descs(c, hv, sem)
        d0.wait()
        d1.wait()

    def interleave(c, hv):
        def vec(s, carry2):
            l = pl.multiple_of(s * 16, 16)
            ii = lax.iota(jnp.int32, 16)
            x = _pi_vec(hv[pl.ds(l, 16)])
            y = _pi_vec(hv[pl.ds(CH // 2 + l, 16)])
            dst = c * CH + 2 * (l + ii)
            plsc.store_scatter(idx_v, [dst], x)
            plsc.store_scatter(idx_v, [dst + 1], y)
            return carry2

        lax.fori_loop(0, CH // 32, vec, None)

    issue(0, half_v, gsem_a)

    def pair(p, carry):
        c = 2 * p

        @pl.when(c + 1 < nch)
        def _():
            issue(c + 1, half_w, gsem_b)

        wait(c, half_v, gsem_a)
        interleave(c, half_v)

        @pl.when(c + 2 < nch)
        def _():
            issue(c + 2, half_v, gsem_a)

        @pl.when(c + 1 < nch)
        def _():
            wait(c + 1, half_w, gsem_b)
            interleave(c + 1, half_w)

        return carry

    lax.fori_loop(0, (nch + 1) // 2, pair, None)


def _body_posneg(out_table, pos_lbl, neg_lbl,
                 out_pos, out_neg,
                 idx_pos_v, idx_neg_v, half_v, half_w, rows_a, rows_b,
                 gsa, gsb, ssa, ssb):
    wid = lax.axis_index("s") * NC + lax.axis_index("c")

    pos_pw = N_POS // NW
    neg_pw = N_NEG // NW

    _stage_sigma(pos_lbl, idx_pos_v, half_v, half_w, gsa, gsb,
                 wid * pos_pw, pos_pw // CH)
    _stage_sigma(neg_lbl, idx_neg_v, half_v, half_w, gsa, gsb,
                 wid * neg_pw, neg_pw // CH)

    _gather_range(out_table, idx_pos_v, out_pos, rows_a, rows_b,
                  gsa, gsb, ssa, ssb, wid * pos_pw, pos_pw // CH)
    _gather_range(out_table, idx_neg_v, out_neg, rows_a, rows_b,
                  gsa, gsb, ssa, ssb, wid * neg_pw, neg_pw // CH)


def _body_in(in_table, in_lbl, out_in, idx_in_v, half_v, half_w, rows_a,
             rows_b, gsa, gsb, ssa, ssb):
    wid = lax.axis_index("s") * NC + lax.axis_index("c")
    in_pw = N_IN // NW
    _stage_sigma(in_lbl, idx_in_v, half_v, half_w, gsa, gsb,
                 wid * in_pw, in_pw // CH)
    _gather_range(in_table, idx_in_v, out_in, rows_a, rows_b,
                  gsa, gsb, ssa, ssb, wid * in_pw, in_pw // CH)


def _sc_gather_posneg(out_table, pos_lbl, neg_lbl):
    mesh = plsc.VectorSubcoreMesh(core_axis_name="c", subcore_axis_name="s")
    f = pl.kernel(
        _body_posneg,
        out_type=[
            jax.ShapeDtypeStruct((N_POS, EMBED), jnp.float32),
            jax.ShapeDtypeStruct((N_NEG, EMBED), jnp.float32),
        ],
        mesh=mesh,
        compiler_params=pltpu.CompilerParams(use_tc_tiling_on_sc=False, needs_layout_passes=False),
        scratch_types=[
            pltpu.VMEM((N_POS // NW,), jnp.int32),
            pltpu.VMEM((N_NEG // NW,), jnp.int32),
            pltpu.VMEM((CH,), jnp.int32),
            pltpu.VMEM((CH,), jnp.int32),
            pltpu.VMEM((CH, EMBED), jnp.float32),
            pltpu.VMEM((CH, EMBED), jnp.float32),
            pltpu.SemaphoreType.DMA,
            pltpu.SemaphoreType.DMA,
            pltpu.SemaphoreType.DMA,
            pltpu.SemaphoreType.DMA,
        ],
    )
    return f(out_table, pos_lbl, neg_lbl)


def _sc_gather_in(in_table, in_lbl):
    mesh = plsc.VectorSubcoreMesh(core_axis_name="c", subcore_axis_name="s")
    f = pl.kernel(
        _body_in,
        out_type=[jax.ShapeDtypeStruct((N_IN, EMBED), jnp.float32)],
        mesh=mesh,
        compiler_params=pltpu.CompilerParams(use_tc_tiling_on_sc=False, needs_layout_passes=False),
        scratch_types=[
            pltpu.VMEM((N_IN // NW,), jnp.int32),
            pltpu.VMEM((CH,), jnp.int32),
            pltpu.VMEM((CH,), jnp.int32),
            pltpu.VMEM((CH, EMBED), jnp.float32),
            pltpu.VMEM((CH, EMBED), jnp.float32),
            pltpu.SemaphoreType.DMA,
            pltpu.SemaphoreType.DMA,
            pltpu.SemaphoreType.DMA,
            pltpu.SemaphoreType.DMA,
        ],
    )
    return f(in_table, in_lbl)


@jax.jit
def _run(input_labels, pos_labels, neg_labels, in_table, out_table):
    in_pairs = _tc_table_transpose(in_table.T)
    out_pairs = _tc_table_transpose(out_table.T)
    in_rm = in_pairs.reshape(VPAD, EMBED)
    out_rm = out_pairs.reshape(VPAD, EMBED)

    in_lbl = input_labels.astype(jnp.int32)
    pos_lbl = pos_labels.astype(jnp.int32).T.reshape(-1)
    neg_lbl = neg_labels.astype(jnp.int32).T.reshape(-1)

    (g_in,) = _sc_gather_in(in_rm, in_lbl)
    g_pos, g_neg = _sc_gather_posneg(out_rm, pos_lbl, neg_lbl)

    o_in = _tc_out_transpose2(g_in.reshape(BATCH // 2, 2 * EMBED))
    o_pos = _tc_out_transpose3(g_pos.reshape(N_POS // 2, 2 * EMBED), POS)
    o_neg = _tc_out_transpose3(g_neg.reshape(N_NEG // 2, 2 * EMBED), NEG)

    return (o_in.T,
            o_pos.transpose(2, 0, 1),
            o_neg.transpose(2, 0, 1))


def kernel(input_labels, pos_labels, neg_labels, in_table, out_table):
    return _run(input_labels, pos_labels, neg_labels, in_table, out_table)

# --- scband reference (transcript-rebuilt; emitter-appended) ---
"""Pipeline reference for scband-embedding-model-78237124264064 (READ-ONLY COPY).

The authoritative reference and input builder live on the scoring server;
editing this copy changes nothing except your own understanding.
"""

import jax, jax.numpy as jnp
import numpy as np

VOCAB = 1000000
EMBED = 64
BATCH = 16384
POS = 10
NEG = 50


def setup_inputs(seed: int = 0) -> dict:
    key = jax.random.key(seed)
    k1, k2, k3, k4, k5 = jax.random.split(key, 5)
    initrange = 0.5 / EMBED
    input_labels = jax.random.randint(k1, (BATCH,), 0, VOCAB)
    pos_labels = jax.random.randint(k2, (BATCH, POS), 0, VOCAB)
    neg_labels = jax.random.randint(k3, (BATCH, NEG), 0, VOCAB)
    in_table = jax.random.uniform(k4, (VOCAB, EMBED), dtype=jnp.float32, minval=-initrange, maxval=initrange)
    out_table = jax.random.uniform(k5, (VOCAB, EMBED), dtype=jnp.float32, minval=-initrange, maxval=initrange)
    return {
        "input_labels": input_labels,
        "pos_labels": pos_labels,
        "neg_labels": neg_labels,
        "in_table": in_table,
        "out_table": out_table,
    }


def reference(input_labels, pos_labels, neg_labels, in_table, out_table):
    # in_embed(input_labels)
    input_embedding = jnp.take(in_table, input_labels, axis=0)      # [B, E]
    # out_embed(pos_labels)
    pos_embedding = jnp.take(out_table, pos_labels, axis=0)         # [B, 2C, E]
    # out_embed(neg_labels)
    neg_embedding = jnp.take(out_table, neg_labels, axis=0)         # [B, C*K, E]
    return (input_embedding, pos_embedding, neg_embedding)

if __name__ == "__main__":
    import jax
    _d = setup_inputs()
    print(jax.jit(kernel)(*tuple(_d.values())))

</pallas_src>

<mosaic_0001>
#map = affine_map<(d0, d1) -> (0, 0)>
#map1 = affine_map<(d0, d1) -> (0)>
module attributes {stable_mosaic.version = 14 : i64} {
  func.func @_body_posneg(%arg0: i32, %arg1: i32, %arg2: memref<1015808x64xf32, #tpu.memory_space<hbm>>, %arg3: memref<163840xi32, #tpu.memory_space<hbm>>, %arg4: memref<819200xi32, #tpu.memory_space<hbm>>, %arg5: memref<163840x64xf32, #tpu.memory_space<hbm>>, %arg6: memref<819200x64xf32, #tpu.memory_space<hbm>>, %arg7: memref<5120xi32, #tpu.memory_space<vmem>>, %arg8: memref<25600xi32, #tpu.memory_space<vmem>>, %arg9: memref<512xi32, #tpu.memory_space<vmem>>, %arg10: memref<512xi32, #tpu.memory_space<vmem>>, %arg11: memref<512x64xf32, #tpu.memory_space<vmem>>, %arg12: memref<512x64xf32, #tpu.memory_space<vmem>>, %arg13: memref<!tpu.dma_semaphore, #tpu.memory_space<semaphore_mem>>, %arg14: memref<!tpu.dma_semaphore, #tpu.memory_space<semaphore_mem>>, %arg15: memref<!tpu.dma_semaphore, #tpu.memory_space<semaphore_mem>>, %arg16: memref<!tpu.dma_semaphore, #tpu.memory_space<semaphore_mem>>) attributes {dimension_semantics = [#tpu.dimension_semantics<core_parallel>, #tpu.dimension_semantics<subcore_parallel>], iteration_bounds = array<i64: 2, 16>, scalar_prefetch = 0 : i64, scratch_operands = 10 : i64, tpu.core_type = #tpu.core_type<sc_vector_subcore>, window_params = [{transform_indices = #map}, {transform_indices = #map1}, {transform_indices = #map1}, {transform_indices = #map}, {transform_indices = #map}]} {
    %mul3A = arith.constant 2 : i32
    %mul3A_0 = arith.muli %arg1, %mul3A : i32
    %add3A = arith.addi %mul3A_0, %arg0 : i32
    %mul3A_1 = arith.constant 5120 : i32
    %mul3A_2 = arith.muli %add3A, %mul3A_1 : i32
    %add3A_3 = arith.constant 0 : i32
    %add3A_4 = arith.addi %mul3A_2, %add3A_3 : i32
    %jit3A = arith.constant 16384 : i32
    %div3A = arith.divsi %add3A_4, %jit3A : i32
    %sign3A = arith.constant 0 : i32
    %sign3A_5 = arith.cmpi sgt, %add3A_4, %sign3A : i32
    %sign3A_6 = arith.extui %sign3A_5 : i1 to i32
    %sign3A_7 = arith.constant 0 : i32
    %sign3A_8 = arith.cmpi slt, %add3A_4, %sign3A_7 : i32
    %sign3A_9 = arith.extui %sign3A_8 : i1 to i32
    %sign3A_10 = arith.subi %sign3A_6, %sign3A_9 : i32
    %sign3A_11 = arith.constant 0 : i32
    %sign3A_12 = arith.cmpi sgt, %jit3A, %sign3A_11 : i32
    %sign3A_13 = arith.extui %sign3A_12 : i1 to i32
    %sign3A_14 = arith.constant 0 : i32
    %sign3A_15 = arith.cmpi slt, %jit3A, %sign3A_14 : i32
    %sign3A_16 = arith.extui %sign3A_15 : i1 to i32
    %sign3A_17 = arith.subi %sign3A_13, %sign3A_16 : i32
    %ne3A = arith.cmpi ne, %sign3A_10, %sign3A_17 : i32
    %rem3A = arith.remsi %add3A_4, %jit3A : i32
    %ne3A_18 = arith.constant 0 : i32
    %ne3A_19 = arith.cmpi ne, %rem3A, %ne3A_18 : i32
    %and3A = arith.andi %ne3A, %ne3A_19 : i1
    %sub3A = arith.constant 1 : i32
    %sub3A_20 = arith.subi %div3A, %sub3A : i32
    %select_n3A = arith.select %and3A, %sub3A_20, %div3A : i32
    %jit3A_21 = arith.constant 16384 : i32
    %eq3A = arith.constant 0 : i32
    %eq3A_22 = arith.cmpi eq, %jit3A_21, %eq3A : i32
    %jit3A_23 = arith.constant 1 : i32
    %select_n3A_24 = arith.select %eq3A_22, %jit3A_23, %jit3A_21 : i32
    %rem3A_25 = arith.remsi %add3A_4, %select_n3A_24 : i32
    %ne3A_26 = arith.constant 0 : i32
    %ne3A_27 = arith.cmpi ne, %rem3A_25, %ne3A_26 : i32
    %lt3A = arith.constant 0 : i32
    %lt3A_28 = arith.cmpi slt, %rem3A_25, %lt3A : i32
    %lt3A_29 = arith.constant 0 : i32
    %lt3A_30 = arith.cmpi slt, %select_n3A_24, %lt3A_29 : i32
    %ne3A_31 = arith.xori %lt3A_28, %lt3A_30 : i1
    %and3A_32 = arith.andi %ne3A_31, %ne3A_27 : i1
    %add3A_33 = arith.addi %rem3A_25, %select_n3A_24 : i32
    %select_n3A_34 = arith.select %and3A_32, %add3A_33, %rem3A_25 : i32
    %jit3A_35 = arith.constant 2 : i32
    %div3A_36 = arith.divsi %select_n3A_34, %jit3A_35 : i32
    %sign3A_37 = arith.constant 0 : i32
    %sign3A_38 = arith.cmpi sgt, %select_n3A_34, %sign3A_37 : i32
    %sign3A_39 = arith.extui %sign3A_38 : i1 to i32
    %sign3A_40 = arith.constant 0 : i32
    %sign3A_41 = arith.cmpi slt, %select_n3A_34, %sign3A_40 : i32
    %sign3A_42 = arith.extui %sign3A_41 : i1 to i32
    %sign3A_43 = arith.subi %sign3A_39, %sign3A_42 : i32
    %sign3A_44 = arith.constant 0 : i32
    %sign3A_45 = arith.cmpi sgt, %jit3A_35, %sign3A_44 : i32
    %sign3A_46 = arith.extui %sign3A_45 : i1 to i32
    %sign3A_47 = arith.constant 0 : i32
    %sign3A_48 = arith.cmpi slt, %jit3A_35, %sign3A_47 : i32
    %sign3A_49 = arith.extui %sign3A_48 : i1 to i32
    %sign3A_50 = arith.subi %sign3A_46, %sign3A_49 : i32
    %ne3A_51 = arith.cmpi ne, %sign3A_43, %sign3A_50 : i32
    %rem3A_52 = arith.remsi %select_n3A_34, %jit3A_35 : i32
    %ne3A_53 = arith.constant 0 : i32
    %ne3A_54 = arith.cmpi ne, %rem3A_52, %ne3A_53 : i32
    %and3A_55 = arith.andi %ne3A_51, %ne3A_54 : i1
    %sub3A_56 = arith.constant 1 : i32
    %sub3A_57 = arith.subi %div3A_36, %sub3A_56 : i32
    %select_n3A_58 = arith.select %and3A_55, %sub3A_57, %div3A_36 : i32
    %mul3A_59 = arith.constant 16384 : i32
    %mul3A_60 = arith.muli %select_n3A, %mul3A_59 : i32
    %add3A_61 = arith.addi %mul3A_60, %select_n3A_58 : i32
    %multiple_of3A = tpu.assume_multiple %add3A_61, 256 : i32
    %add3A_62 = arith.constant 8192 : i32
    %add3A_63 = arith.addi %multiple_of3A, %add3A_62 : i32
    %dma_start3A = arith.constant 0 : i32
    %dma_start3A_64 = tpu.memref_slice %arg9[%dma_start3A] : memref<512xi32, #tpu.memory_space<vmem>> -> memref<256xi32, #tpu.memory_space<vmem>>
    %dma_start3A_65 = tpu.memref_slice %arg3[%multiple_of3A] : memref<163840xi32, #tpu.memory_space<hbm>> -> memref<256xi32, #tpu.memory_space<hbm>>
    %dma_start3A_66 = arith.constant 0 : i32
    %dma_start3A_67 = tpu.memref_slice %arg9[%dma_start3A_66] : memref<512xi32, #tpu.memory_space<vmem>> -> memref<256xi32, #tpu.memory_space<vmem>>
    %dma_start3A_68 = tpu.memref_slice %arg3[%multiple_of3A] : memref<163840xi32, #tpu.memory_space<hbm>> -> memref<256xi32, #tpu.memory_space<hbm>>
    tpu.enqueue_dma source(%dma_start3A_68 : memref<256xi32, #tpu.memory_space<hbm>>) target(%dma_start3A_67 : memref<256xi32, #tpu.memory_space<vmem>>) target_semaphore(%arg13 : memref<!tpu.dma_semaphore, #tpu.memory_space<semaphore_mem>>)
    %dma_start3A_69 = arith.constant 256 : i32
    %dma_start3A_70 = tpu.memref_slice %arg9[%dma_start3A_69] : memref<512xi32, #tpu.memory_space<vmem>> -> memref<256xi32, #tpu.memory_space<vmem>>
    %dma_start3A_71 = tpu.memref_slice %arg3[%add3A_63] : memref<163840xi32, #tpu.memory_space<hbm>> -> memref<256xi32, #tpu.memory_space<hbm>>
    %dma_start3A_72 = arith.constant 256 : i32
    %dma_start3A_73 = tpu.memref_slice %arg9[%dma_start3A_72] : memref<512xi32, #tpu.memory_space<vmem>> -> memref<256xi32, #tpu.memory_space<vmem>>
    %dma_start3A_74 = tpu.memref_slice %arg3[%add3A_63] : memref<163840xi32, #tpu.memory_space<hbm>> -> memref<256xi32, #tpu.memory_space<hbm>>
    tpu.enqueue_dma source(%dma_start3A_74 : memref<256xi32, #tpu.memory_space<hbm>>) target(%dma_start3A_73 : memref<256xi32, #tpu.memory_space<vmem>>) target_semaphore(%arg13 : memref<!tpu.dma_semaphore, #tpu.memory_space<semaphore_mem>>)
    %scan3A = arith.constant 0 : i32
    %scan3A_75 = arith.constant 5 : i32
    %scan3A_76 = arith.addi %scan3A, %scan3A_75 : i32
    %scan3A_77 = arith.constant 1 : i32
    scf.for %scan3A_205 = %scan3A to %scan3A_76 step %scan3A_77  : i32 {
      %mul3A_206 = arith.constant 2 : i32
      %mul3A_207 = arith.muli %mul3A_206, %scan3A_205 : i32
      %add3A_208 = arith.constant 1 : i32
      %add3A_209 = arith.addi %mul3A_207, %add3A_208 : i32
      %lt3A_210 = arith.constant 10 : i32
      %lt3A_211 = arith.cmpi slt, %add3A_209, %lt3A_210 : i32
      %convert_element_type3A = arith.extui %lt3A_211 : i1 to i32
      %cond3A = arith.constant 0 : i32
      %cond3A_212 = arith.cmpi ne, %convert_element_type3A, %cond3A : i32
      scf.if %cond3A_212 {
        %add3A_317 = arith.constant 1 : i32
        %add3A_318 = arith.addi %mul3A_207, %add3A_317 : i32
        %mul3A_319 = arith.constant 512 : i32
        %mul3A_320 = arith.muli %add3A_318, %mul3A_319 : i32
        %add3A_321 = arith.addi %mul3A_2, %mul3A_320 : i32
        %jit3A_322 = arith.constant 16384 : i32
        %div3A_323 = arith.divsi %add3A_321, %jit3A_322 : i32
        %sign3A_324 = arith.constant 0 : i32
        %sign3A_325 = arith.cmpi sgt, %add3A_321, %sign3A_324 : i32
        %sign3A_326 = arith.extui %sign3A_325 : i1 to i32
        %sign3A_327 = arith.constant 0 : i32
        %sign3A_328 = arith.cmpi slt, %add3A_321, %sign3A_327 : i32
        %sign3A_329 = arith.extui %sign3A_328 : i1 to i32
        %sign3A_330 = arith.subi %sign3A_326, %sign3A_329 : i32
        %sign3A_331 = arith.constant 0 : i32
        %sign3A_332 = arith.cmpi sgt, %jit3A_322, %sign3A_331 : i32
        %sign3A_333 = arith.extui %sign3A_332 : i1 to i32
        %sign3A_334 = arith.constant 0 : i32
        %sign3A_335 = arith.cmpi slt, %jit3A_322, %sign3A_334 : i32
        %sign3A_336 = arith.extui %sign3A_335 : i1 to i32
        %sign3A_337 = arith.subi %sign3A_333, %sign3A_336 : i32
        %ne3A_338 = arith.cmpi ne, %sign3A_330, %sign3A_337 : i32
        %rem3A_339 = arith.remsi %add3A_321, %jit3A_322 : i32
        %ne3A_340 = arith.constant 0 : i32
        %ne3A_341 = arith.cmpi ne, %rem3A_339, %ne3A_340 : i32
        %and3A_342 = arith.andi %ne3A_338, %ne3A_341 : i1
        %sub3A_343 = arith.constant 1 : i32
        %sub3A_344 = arith.subi %div3A_323, %sub3A_343 : i32
        %select_n3A_345 = arith.select %and3A_342, %sub3A_344, %div3A_323 : i32
        %jit3A_346 = arith.constant 16384 : i32
        %eq3A_347 = arith.constant 0 : i32
        %eq3A_348 = arith.cmpi eq, %jit3A_346, %eq3A_347 : i32
        %jit3A_349 = arith.constant 1 : i32
        %select_n3A_350 = arith.select %eq3A_348, %jit3A_349, %jit3A_346 : i32
        %rem3A_351 = arith.remsi %add3A_321, %select_n3A_350 : i32
        %ne3A_352 = arith.constant 0 : i32
        %ne3A_353 = arith.cmpi ne, %rem3A_351, %ne3A_352 : i32
        %lt3A_354 = arith.constant 0 : i32
        %lt3A_355 = arith.cmpi slt, %rem3A_351, %lt3A_354 : i32
        %lt3A_356 = arith.constant 0 : i32
        %lt3A_357 = arith.cmpi slt, %select_n3A_350, %lt3A_356 : i32
        %ne3A_358 = arith.xori %lt3A_355, %lt3A_357 : i1
        %and3A_359 = arith.andi %ne3A_358, %ne3A_353 : i1
        %add3A_360 = arith.addi %rem3A_351, %select_n3A_350 : i32
        %select_n3A_361 = arith.select %and3A_359, %add3A_360, %rem3A_351 : i32
        %jit3A_362 = arith.constant 2 : i32
        %div3A_363 = arith.divsi %select_n3A_361, %jit3A_362 : i32
        %sign3A_364 = arith.constant 0 : i32
        %sign3A_365 = arith.cmpi sgt, %select_n3A_361, %sign3A_364 : i32
        %sign3A_366 = arith.extui %sign3A_365 : i1 to i32
        %sign3A_367 = arith.constant 0 : i32
        %sign3A_368 = arith.cmpi slt, %select_n3A_361, %sign3A_367 : i32
        %sign3A_369 = arith.extui %sign3A_368 : i1 to i32
        %sign3A_370 = arith.subi %sign3A_366, %sign3A_369 : i32
        %sign3A_371 = arith.constant 0 : i32
        %sign3A_372 = arith.cmpi sgt, %jit3A_362, %sign3A_371 : i32
        %sign3A_373 = arith.extui %sign3A_372 : i1 to i32
        %sign3A_374 = arith.constant 0 : i32
        %sign3A_375 = arith.cmpi slt, %jit3A_362, %sign3A_374 : i32
        %sign3A_376 = arith.extui %sign3A_375 : i1 to i32
        %sign3A_377 = arith.subi %sign3A_373, %sign3A_376 : i32
        %ne3A_378 = arith.cmpi ne, %sign3A_370, %sign3A_377 : i32
        %rem3A_379 = arith.remsi %select_n3A_361, %jit3A_362 : i32
        %ne3A_380 = arith.constant 0 : i32
        %ne3A_381 = arith.cmpi ne, %rem3A_379, %ne3A_380 : i32
        %and3A_382 = arith.andi %ne3A_378, %ne3A_381 : i1
        %sub3A_383 = arith.constant 1 : i32
        %sub3A_384 = arith.subi %div3A_363, %sub3A_383 : i32
        %select_n3A_385 = arith.select %and3A_382, %sub3A_384, %div3A_363 : i32
        %mul3A_386 = arith.constant 16384 : i32
        %mul3A_387 = arith.muli %select_n3A_345, %mul3A_386 : i32
        %add3A_388 = arith.addi %mul3A_387, %select_n3A_385 : i32
        %multiple_of3A_389 = tpu.assume_multiple %add3A_388, 256 : i32
        %add3A_390 = arith.constant 8192 : i32
        %add3A_391 = arith.addi %multiple_of3A_389, %add3A_390 : i32
        %dma_start3A_392 = arith.constant 0 : i32
        %dma_start3A_393 = tpu.memref_slice %arg10[%dma_start3A_392] : memref<512xi32, #tpu.memory_space<vmem>> -> memref<256xi32, #tpu.memory_space<vmem>>
        %dma_start3A_394 = tpu.memref_slice %arg3[%multiple_of3A_389] : memref<163840xi32, #tpu.memory_space<hbm>> -> memref<256xi32, #tpu.memory_space<hbm>>
        %dma_start3A_395 = arith.constant 0 : i32
        %dma_start3A_396 = tpu.memref_slice %arg10[%dma_start3A_395] : memref<512xi32, #tpu.memory_space<vmem>> -> memref<256xi32, #tpu.memory_space<vmem>>
        %dma_start3A_397 = tpu.memref_slice %arg3[%multiple_of3A_389] : memref<163840xi32, #tpu.memory_space<hbm>> -> memref<256xi32, #tpu.memory_space<hbm>>
        tpu.enqueue_dma source(%dma_start3A_397 : memref<256xi32, #tpu.memory_space<hbm>>) target(%dma_start3A_396 : memref<256xi32, #tpu.memory_space<vmem>>) target_semaphore(%arg14 : memref<!tpu.dma_semaphore, #tpu.memory_space<semaphore_mem>>)
        %dma_start3A_398 = arith.constant 256 : i32
        %dma_start3A_399 = tpu.memref_slice %arg10[%dma_start3A_398] : memref<512xi32, #tpu.memory_space<vmem>> -> memref<256xi32, #tpu.memory_space<vmem>>
        %dma_start3A_400 = tpu.memref_slice %arg3[%add3A_391] : memref<163840xi32, #tpu.memory_space<hbm>> -> memref<256xi32, #tpu.memory_space<hbm>>
        %dma_start3A_401 = arith.constant 256 : i32
        %dma_start3A_402 = tpu.memref_slice %arg10[%dma_start3A_401] : memref<512xi32, #tpu.memory_space<vmem>> -> memref<256xi32, #tpu.memory_space<vmem>>
        %dma_start3A_403 = tpu.memref_slice %arg3[%add3A_391] : memref<163840xi32, #tpu.memory_space<hbm>> -> memref<256xi32, #tpu.memory_space<hbm>>
        tpu.enqueue_dma source(%dma_start3A_403 : memref<256xi32, #tpu.memory_space<hbm>>) target(%dma_start3A_402 : memref<256xi32, #tpu.memory_space<vmem>>) target_semaphore(%arg14 : memref<!tpu.dma_semaphore, #tpu.memory_space<semaphore_mem>>)
      } else {
      }
      %mul3A_213 = arith.constant 512 : i32
      %mul3A_214 = arith.muli %mul3A_207, %mul3A_213 : i32
      %add3A_215 = arith.addi %mul3A_2, %mul3A_214 : i32
      %jit3A_216 = arith.constant 16384 : i32
      %div3A_217 = arith.divsi %add3A_215, %jit3A_216 : i32
      %sign3A_218 = arith.constant 0 : i32
      %sign3A_219 = arith.cmpi sgt, %add3A_215, %sign3A_218 : i32
      %sign3A_220 = arith.extui %sign3A_219 : i1 to i32
      %sign3A_221 = arith.constant 0 : i32
      %sign3A_222 = arith.cmpi slt, %add3A_215, %sign3A_221 : i32
      %sign3A_223 = arith.extui %sign3A_222 : i1 to i32
      %sign3A_224 = arith.subi %sign3A_220, %sign3A_223 : i32
      %sign3A_225 = arith.constant 0 : i32
      %sign3A_226 = arith.cmpi sgt, %jit3A_216, %sign3A_225 : i32
      %sign3A_227 = arith.extui %sign3A_226 : i1 to i32
      %sign3A_228 = arith.constant 0 : i32
      %sign3A_229 = arith.cmpi slt, %jit3A_216, %sign3A_228 : i32
      %sign3A_230 = arith.extui %sign3A_229 : i1 to i32
      %sign3A_231 = arith.subi %sign3A_227, %sign3A_230 : i32
      %ne3A_232 = arith.cmpi ne, %sign3A_224, %sign3A_231 : i32
      %rem3A_233 = arith.remsi %add3A_215, %jit3A_216 : i32
      %ne3A_234 = arith.constant 0 : i32
      %ne3A_235 = arith.cmpi ne, %rem3A_233, %ne3A_234 : i32
      %and3A_236 = arith.andi %ne3A_232, %ne3A_235 : i1
      %sub3A_237 = arith.constant 1 : i32
      %sub3A_238 = arith.subi %div3A_217, %sub3A_237 : i32
      %select_n3A_239 = arith.select %and3A_236, %sub3A_238, %div3A_217 : i32
      %jit3A_240 = arith.constant 16384 : i32
      %eq3A_241 = arith.constant 0 : i32
      %eq3A_242 = arith.cmpi eq, %jit3A_240, %eq3A_241 : i32
      %jit3A_243 = arith.constant 1 : i32
      %select_n3A_244 = arith.select %eq3A_242, %jit3A_243, %jit3A_240 : i32
      %rem3A_245 = arith.remsi %add3A_215, %select_n3A_244 : i32
      %ne3A_246 = arith.constant 0 : i32
      %ne3A_247 = arith.cmpi ne, %rem3A_245, %ne3A_246 : i32
      %lt3A_248 = arith.constant 0 : i32
      %lt3A_249 = arith.cmpi slt, %rem3A_245, %lt3A_248 : i32
      %lt3A_250 = arith.constant 0 : i32
      %lt3A_251 = arith.cmpi slt, %select_n3A_244, %lt3A_250 : i32
      %ne3A_252 = arith.xori %lt3A_249, %lt3A_251 : i1
      %and3A_253 = arith.andi %ne3A_252, %ne3A_247 : i1
      %add3A_254 = arith.addi %rem3A_245, %select_n3A_244 : i32
      %select_n3A_255 = arith.select %and3A_253, %add3A_254, %rem3A_245 : i32
      %jit3A_256 = arith.constant 2 : i32
      %div3A_257 = arith.divsi %select_n3A_255, %jit3A_256 : i32
      %sign3A_258 = arith.constant 0 : i32
      %sign3A_259 = arith.cmpi sgt, %select_n3A_255, %sign3A_258 : i32
      %sign3A_260 = arith.extui %sign3A_259 : i1 to i32
      %sign3A_261 = arith.constant 0 : i32
      %sign3A_262 = arith.cmpi slt, %select_n3A_255, %sign3A_261 : i32
      %sign3A_263 = arith.extui %sign3A_262 : i1 to i32
      %sign3A_264 = arith.subi %sign3A_260, %sign3A_263 : i32
      %sign3A_265 = arith.constant 0 : i32
      %sign3A_266 = arith.cmpi sgt, %jit3A_256, %sign3A_265 : i32
      %sign3A_267 = arith.extui %sign3A_266 : i1 to i32
      %sign3A_268 = arith.constant 0 : i32
      %sign3A_269 = arith.cmpi slt, %jit3A_256, %sign3A_268 : i32
      %sign3A_270 = arith.extui %sign3A_269 : i1 to i32
      %sign3A_271 = arith.subi %sign3A_267, %sign3A_270 : i32
      %ne3A_272 = arith.cmpi ne, %sign3A_264, %sign3A_271 : i32
      %rem3A_273 = arith.remsi %select_n3A_255, %jit3A_256 : i32
      %ne3A_274 = arith.constant 0 : i32
      %ne3A_275 = arith.cmpi ne, %rem3A_273, %ne3A_274 : i32
      %and3A_276 = arith.andi %ne3A_272, %ne3A_275 : i1
      %sub3A_277 = arith.constant 1 : i32
      %sub3A_278 = arith.subi %div3A_257, %sub3A_277 : i32
      %select_n3A_279 = arith.select %and3A_276, %sub3A_278, %div3A_257 : i32
      %mul3A_280 = arith.constant 16384 : i32
      %mul3A_281 = arith.muli %select_n3A_239, %mul3A_280 : i32
      %add3A_282 = arith.addi %mul3A_281, %select_n3A_279 : i32
      %multiple_of3A_283 = tpu.assume_multiple %add3A_282, 256 : i32
      %add3A_284 = arith.constant 8192 : i32
      %add3A_285 = arith.addi %multiple_of3A_283, %add3A_284 : i32
      %dma_wait3A_286 = arith.constant 0 : i32
      %dma_wait3A_287 = tpu.memref_slice %arg9[%dma_wait3A_286] : memref<512xi32, #tpu.memory_space<vmem>> -> memref<256xi32, #tpu.memory_space<vmem>>
      %dma_wait3A_288 = tpu.memref_slice %arg3[%multiple_of3A_283] : memref<163840xi32, #tpu.memory_space<hbm>> -> memref<256xi32, #tpu.memory_space<hbm>>
      %dma_wait3A_289 = arith.constant 0 : i32
      %dma_wait3A_290 = tpu.memref_slice %arg9[%dma_wait3A_289] : memref<512xi32, #tpu.memory_space<vmem>> -> memref<256xi32, #tpu.memory_space<vmem>>
      %dma_wait3A_291 = tpu.memref_slice %arg3[%multiple_of3A_283] : memref<163840xi32, #tpu.memory_space<hbm>> -> memref<256xi32, #tpu.memory_space<hbm>>
      tpu.wait_dma2 semaphore(%arg13 : memref<!tpu.dma_semaphore, #tpu.memory_space<semaphore_mem>>) src(%dma_wait3A_291 : memref<256xi32, #tpu.memory_space<hbm>>) dst(%dma_wait3A_290 : memref<256xi32, #tpu.memory_space<vmem>>)
      %dma_wait3A_292 = arith.constant 256 : i32
      %dma_wait3A_293 = tpu.memref_slice %arg9[%dma_wait3A_292] : memref<512xi32, #tpu.memory_space<vmem>> -> memref<256xi32, #tpu.memory_space<vmem>>
      %dma_wait3A_294 = tpu.memref_slice %arg3[%add3A_285] : memref<163840xi32, #tpu.memory_space<hbm>> -> memref<256xi32, #tpu.memory_space<hbm>>
      %dma_wait3A_295 = arith.constant 256 : i32
      %dma_wait3A_296 = tpu.memref_slice %arg9[%dma_wait3A_295] : memref<512xi32, #tpu.memory_space<vmem>> -> memref<256xi32, #tpu.memory_space<vmem>>
      %dma_wait3A_297 = tpu.memref_slice %arg3[%add3A_285] : memref<163840xi32, #tpu.memory_space<hbm>> -> memref<256xi32, #tpu.memory_space<hbm>>
      tpu.wait_dma2 semaphore(%arg13 : memref<!tpu.dma_semaphore, #tpu.memory_space<semaphore_mem>>) src(%dma_wait3A_297 : memref<256xi32, #tpu.memory_space<hbm>>) dst(%dma_wait3A_296 : memref<256xi32, #tpu.memory_space<vmem>>)
      %scan3A_298 = arith.constant 0 : i32
      %scan3A_299 = arith.constant 16 : i32
      %scan3A_300 = arith.addi %scan3A_298, %scan3A_299 : i32
      %scan3A_301 = arith.constant 1 : i32
      scf.for %scan3A_317 = %scan3A_298 to %scan3A_300 step %scan3A_301  : i32 {
        %mul3A_318 = arith.constant 16 : i32
        %mul3A_319 = arith.muli %scan3A_317, %mul3A_318 : i32
        %multiple_of3A_320 = tpu.assume_multiple %mul3A_319, 16 : i32
        %iota3A = tpu.iota {dimensions = array<i32: 0>} : vector<16xi32>
        %get3A = arith.index_cast %multiple_of3A_320 : i32 to index
        %get3A_321 = tpu.vector_load %arg9[%get3A] {strides = array<i32>} : memref<512xi32, #tpu.memory_space<vmem>>, vector<16xi32>,
        %and3A_322 = arith.constant -16384 : i32
        %and3A_323 = vector.broadcast %and3A_322 : i32 to vector<16xi32>
        %and3A_324 = arith.andi %get3A_321, %and3A_323 : vector<16xi32>
        %and3A_325 = arith.constant 16383 : i32
        %and3A_326 = vector.broadcast %and3A_325 : i32 to vector<16xi32>
        %and3A_327 = arith.andi %get3A_321, %and3A_326 : vector<16xi32>
        %and3A_328 = arith.constant 8191 : i32
        %and3A_329 = vector.broadcast %and3A_328 : i32 to vector<16xi32>
        %and3A_330 = arith.andi %and3A_327, %and3A_329 : vector<16xi32>
        %shift_right_arithmetic3A = arith.constant 13 : i32
        %shift_right_arithmetic3A_331 = vector.broadcast %shift_right_arithmetic3A : i32 to vector<16xi32>
        %shift_right_arithmetic3A_332 = arith.shrsi %and3A_327, %shift_right_arithmetic3A_331 : vector<16xi32>
        %mul3A_333 = arith.constant 2 : i32
        %mul3A_334 = vector.broadcast %mul3A_333 : i32 to vector<16xi32>
        %mul3A_335 = arith.muli %mul3A_334, %and3A_330 : vector<16xi32>
        %add3A_336 = arith.addi %and3A_324, %mul3A_335 : vector<16xi32>
        %add3A_337 = arith.addi %add3A_336, %shift_right_arithmetic3A_332 : vector<16xi32>
        %add3A_338 = arith.constant 256 : i32
        %add3A_339 = arith.addi %add3A_338, %multiple_of3A_320 : i32
        %get3A_340 = arith.index_cast %add3A_339 : i32 to index
        %get3A_341 = tpu.vector_load %arg9[%get3A_340] {strides = array<i32>} : memref<512xi32, #tpu.memory_space<vmem>>, vector<16xi32>,
        %and3A_342 = arith.constant -16384 : i32
        %and3A_343 = vector.broadcast %and3A_342 : i32 to vector<16xi32>
        %and3A_344 = arith.andi %get3A_341, %and3A_343 : vector<16xi32>
        %and3A_345 = arith.constant 16383 : i32
        %and3A_346 = vector.broadcast %and3A_345 : i32 to vector<16xi32>
        %and3A_347 = arith.andi %get3A_341, %and3A_346 : vector<16xi32>
        %and3A_348 = arith.constant 8191 : i32
        %and3A_349 = vector.broadcast %and3A_348 : i32 to vector<16xi32>
        %and3A_350 = arith.andi %and3A_347, %and3A_349 : vector<16xi32>
        %shift_right_arithmetic3A_351 = arith.constant 13 : i32
        %shift_right_arithmetic3A_352 = vector.broadcast %shift_right_arithmetic3A_351 : i32 to vector<16xi32>
        %shift_right_arithmetic3A_353 = arith.shrsi %and3A_347, %shift_right_arithmetic3A_352 : vector<16xi32>
        %mul3A_354 = arith.constant 2 : i32
        %mul3A_355 = vector.broadcast %mul3A_354 : i32 to vector<16xi32>
        %mul3A_356 = arith.muli %mul3A_355, %and3A_350 : vector<16xi32>
        %add3A_357 = arith.addi %and3A_344, %mul3A_356 : vector<16xi32>
        %add3A_358 = arith.addi %add3A_357, %shift_right_arithmetic3A_353 : vector<16xi32>
        %mul3A_359 = arith.constant 512 : i32
        %mul3A_360 = arith.muli %mul3A_207, %mul3A_359 : i32
        %add3A_361 = vector.broadcast %multiple_of3A_320 : i32 to vector<16xi32>
        %add3A_362 = arith.addi %add3A_361, %iota3A : vector<16xi32>
        %mul3A_363 = arith.constant 2 : i32
        %mul3A_364 = vector.broadcast %mul3A_363 : i32 to vector<16xi32>
        %mul3A_365 = arith.muli %mul3A_364, %add3A_362 : vector<16xi32>
        %add3A_366 = vector.broadcast %mul3A_360 : i32 to vector<16xi32>
        %add3A_367 = arith.addi %add3A_366, %mul3A_365 : vector<16xi32>
        tpu.vector_store_idx %arg7[%add3A_367], %add3A_337 : memref<5120xi32, #tpu.memory_space<vmem>>[vector<16xi32>], vector<16xi32>,
        %add3A_368 = arith.constant 1 : i32
        %add3A_369 = vector.broadcast %add3A_368 : i32 to vector<16xi32>
        %add3A_370 = arith.addi %add3A_367, %add3A_369 : vector<16xi32>
        tpu.vector_store_idx %arg7[%add3A_370], %add3A_358 : memref<5120xi32, #tpu.memory_space<vmem>>[vector<16xi32>], vector<16xi32>,
      }
      %scan3A_302 = arith.constant 16 : i32
      %add3A_303 = arith.constant 2 : i32
      %add3A_304 = arith.addi %mul3A_207, %add3A_303 : i32
      %lt3A_305 = arith.constant 10 : i32
      %lt3A_306 = arith.cmpi slt, %add3A_304, %lt3A_305 : i32
      %convert_element_type3A_307 = arith.extui %lt3A_306 : i1 to i32
      %cond3A_308 = arith.constant 0 : i32
      %cond3A_309 = arith.cmpi ne, %convert_element_type3A_307, %cond3A_308 : i32
      scf.if %cond3A_309 {
        %add3A_317 = arith.constant 2 : i32
        %add3A_318 = arith.addi %mul3A_207, %add3A_317 : i32
        %mul3A_319 = arith.constant 512 : i32
        %mul3A_320 = arith.muli %add3A_318, %mul3A_319 : i32
        %add3A_321 = arith.addi %mul3A_2, %mul3A_320 : i32
        %jit3A_322 = arith.constant 16384 : i32
        %div3A_323 = arith.divsi %add3A_321, %jit3A_322 : i32
        %sign3A_324 = arith.constant 0 : i32
        %sign3A_325 = arith.cmpi sgt, %add3A_321, %sign3A_324 : i32
        %sign3A_326 = arith.extui %sign3A_325 : i1 to i32
        %sign3A_327 = arith.constant 0 : i32
        %sign3A_328 = arith.cmpi slt, %add3A_321, %sign3A_327 : i32
        %sign3A_329 = arith.extui %sign3A_328 : i1 to i32
        %sign3A_330 = arith.subi %sign3A_326, %sign3A_329 : i32
        %sign3A_331 = arith.constant 0 : i32
        %sign3A_332 = arith.cmpi sgt, %jit3A_322, %sign3A_331 : i32
        %sign3A_333 = arith.extui %sign3A_332 : i1 to i32
        %sign3A_334 = arith.constant 0 : i32
        %sign3A_335 = arith.cmpi slt, %jit3A_322, %sign3A_334 : i32
        %sign3A_336 = arith.extui %sign3A_335 : i1 to i32
        %sign3A_337 = arith.subi %sign3A_333, %sign3A_336 : i32
        %ne3A_338 = arith.cmpi ne, %sign3A_330, %sign3A_337 : i32
        %rem3A_339 = arith.remsi %add3A_321, %jit3A_322 : i32
        %ne3A_340 = arith.constant 0 : i32
        %ne3A_341 = arith.cmpi ne, %rem3A_339, %ne3A_340 : i32
        %and3A_342 = arith.andi %ne3A_338, %ne3A_341 : i1
        %sub3A_343 = arith.constant 1 : i32
        %sub3A_344 = arith.subi %div3A_323, %sub3A_343 : i32
        %select_n3A_345 = arith.select %and3A_342, %sub3A_344, %div3A_323 : i32
        %jit3A_346 = arith.constant 16384 : i32
        %eq3A_347 = arith.constant 0 : i32
        %eq3A_348 = arith.cmpi eq, %jit3A_346, %eq3A_347 : i32
        %jit3A_349 = arith.constant 1 : i32
        %select_n3A_350 = arith.select %eq3A_348, %jit3A_349, %jit3A_346 : i32
        %rem3A_351 = arith.remsi %add3A_321, %select_n3A_350 : i32
        %ne3A_352 = arith.constant 0 : i32
        %ne3A_353 = arith.cmpi ne, %rem3A_351, %ne3A_352 : i32
        %lt3A_354 = arith.constant 0 : i32
        %lt3A_355 = arith.cmpi slt, %rem3A_351, %lt3A_354 : i32
        %lt3A_356 = arith.constant 0 : i32
        %lt3A_357 = arith.cmpi slt, %select_n3A_350, %lt3A_356 : i32
        %ne3A_358 = arith.xori %lt3A_355, %lt3A_357 : i1
        %and3A_359 = arith.andi %ne3A_358, %ne3A_353 : i1
        %add3A_360 = arith.addi %rem3A_351, %select_n3A_350 : i32
        %select_n3A_361 = arith.select %and3A_359, %add3A_360, %rem3A_351 : i32
        %jit3A_362 = arith.constant 2 : i32
        %div3A_363 = arith.divsi %select_n3A_361, %jit3A_362 : i32
        %sign3A_364 = arith.constant 0 : i32
        %sign3A_365 = arith.cmpi sgt, %select_n3A_361, %sign3A_364 : i32
        %sign3A_366 = arith.extui %sign3A_365 : i1 to i32
        %sign3A_367 = arith.constant 0 : i32
        %sign3A_368 = arith.cmpi slt, %select_n3A_361, %sign3A_367 : i32
        %sign3A_369 = arith.extui %sign3A_368 : i1 to i32
        %sign3A_370 = arith.subi %sign3A_366, %sign3A_369 : i32
        %sign3A_371 = arith.constant 0 : i32
        %sign3A_372 = arith.cmpi sgt, %jit3A_362, %sign3A_371 : i32
        %sign3A_373 = arith.extui %sign3A_372 : i1 to i32
        %sign3A_374 = arith.constant 0 : i32
        %sign3A_375 = arith.cmpi slt, %jit3A_362, %sign3A_374 : i32
        %sign3A_376 = arith.extui %sign3A_375 : i1 to i32
        %sign3A_377 = arith.subi %sign3A_373, %sign3A_376 : i32
        %ne3A_378 = arith.cmpi ne, %sign3A_370, %sign3A_377 : i32
        %rem3A_379 = arith.remsi %select_n3A_361, %jit3A_362 : i32
        %ne3A_380 = arith.constant 0 : i32
        %ne3A_381 = arith.cmpi ne, %rem3A_379, %ne3A_380 : i32
        %and3A_382 = arith.andi %ne3A_378, %ne3A_381 : i1
        %sub3A_383 = arith.constant 1 : i32
        %sub3A_384 = arith.subi %div3A_363, %sub3A_383 : i32
        %select_n3A_385 = arith.select %and3A_382, %sub3A_384, %div3A_363 : i32
        %mul3A_386 = arith.constant 16384 : i32
        %mul3A_387 = arith.muli %select_n3A_345, %mul3A_386 : i32
        %add3A_388 = arith.addi %mul3A_387, %select_n3A_385 : i32
        %multiple_of3A_389 = tpu.assume_multiple %add3A_388, 256 : i32
        %add3A_390 = arith.constant 8192 : i32
        %add3A_391 = arith.addi %multiple_of3A_389, %add3A_390 : i32
        %dma_start3A_392 = arith.constant 0 : i32
        %dma_start3A_393 = tpu.memref_slice %arg9[%dma_start3A_392] : memref<512xi32, #tpu.memory_space<vmem>> -> memref<256xi32, #tpu.memory_space<vmem>>
        %dma_start3A_394 = tpu.memref_slice %arg3[%multiple_of3A_389] : memref<163840xi32, #tpu.memory_space<hbm>> -> memref<256xi32, #tpu.memory_space<hbm>>
        %dma_start3A_395 = arith.constant 0 : i32
        %dma_start3A_396 = tpu.memref_slice %arg9[%dma_start3A_395] : memref<512xi32, #tpu.memory_space<vmem>> -> memref<256xi32, #tpu.memory_space<vmem>>
        %dma_start3A_397 = tpu.memref_slice %arg3[%multiple_of3A_389] : memref<163840xi32, #tpu.memory_space<hbm>> -> memref<256xi32, #tpu.memory_space<hbm>>
        tpu.enqueue_dma source(%dma_start3A_397 : memref<256xi32, #tpu.memory_space<hbm>>) target(%dma_start3A_396 : memref<256xi32, #tpu.memory_space<vmem>>) target_semaphore(%arg13 : memref<!tpu.dma_semaphore, #tpu.memory_space<semaphore_mem>>)
        %dma_start3A_398 = arith.constant 256 : i32
        %dma_start3A_399 = tpu.memref_slice %arg9[%dma_start3A_398] : memref<512xi32, #tpu.memory_space<vmem>> -> memref<256xi32, #tpu.memory_space<vmem>>
        %dma_start3A_400 = tpu.memref_slice %arg3[%add3A_391] : memref<163840xi32, #tpu.memory_space<hbm>> -> memref<256xi32, #tpu.memory_space<hbm>>
        %dma_start3A_401 = arith.constant 256 : i32
        %dma_start3A_402 = tpu.memref_slice %arg9[%dma_start3A_401] : memref<512xi32, #tpu.memory_space<vmem>> -> memref<256xi32, #tpu.memory_space<vmem>>
        %dma_start3A_403 = tpu.memref_slice %arg3[%add3A_391] : memref<163840xi32, #tpu.memory_space<hbm>> -> memref<256xi32, #tpu.memory_space<hbm>>
        tpu.enqueue_dma source(%dma_start3A_403 : memref<256xi32, #tpu.memory_space<hbm>>) target(%dma_start3A_402 : memref<256xi32, #tpu.memory_space<vmem>>) target_semaphore(%arg13 : memref<!tpu.dma_semaphore, #tpu.memory_space<semaphore_mem>>)
      } else {
      }
      %add3A_310 = arith.constant 1 : i32
      %add3A_311 = arith.addi %mul3A_207, %add3A_310 : i32
      %lt3A_312 = arith.constant 10 : i32
      %lt3A_313 = arith.cmpi slt, %add3A_311, %lt3A_312 : i32
      %convert_element_type3A_314 = arith.extui %lt3A_313 : i1 to i32
      %cond3A_315 = arith.constant 0 : i32
      %cond3A_316 = arith.cmpi ne, %convert_element_type3A_314, %cond3A_315 : i32
      scf.if %cond3A_316 {
        %add3A_317 = arith.constant 1 : i32
        %add3A_318 = arith.addi %mul3A_207, %add3A_317 : i32
        %mul3A_319 = arith.constant 512 : i32
        %mul3A_320 = arith.muli %add3A_318, %mul3A_319 : i32
        %add3A_321 = arith.addi %mul3A_2, %mul3A_320 : i32
        %jit3A_322 = arith.constant 16384 : i32
        %div3A_323 = arith.divsi %add3A_321, %jit3A_322 : i32
        %sign3A_324 = arith.constant 0 : i32
        %sign3A_325 = arith.cmpi sgt, %add3A_321, %sign3A_324 : i32
        %sign3A_326 = arith.extui %sign3A_325 : i1 to i32
        %sign3A_327 = arith.constant 0 : i32
        %sign3A_328 = arith.cmpi slt, %add3A_321, %sign3A_327 : i32
        %sign3A_329 = arith.extui %sign3A_328 : i1 to i32
        %sign3A_330 = arith.subi %sign3A_326, %sign3A_329 : i32
        %sign3A_331 = arith.constant 0 : i32
        %sign3A_332 = arith.cmpi sgt, %jit3A_322, %sign3A_331 : i32
        %sign3A_333 = arith.extui %sign3A_332 : i1 to i32
        %sign3A_334 = arith.constant 0 : i32
        %sign3A_335 = arith.cmpi slt, %jit3A_322, %sign3A_334 : i32
        %sign3A_336 = arith.extui %sign3A_335 : i1 to i32
        %sign3A_337 = arith.subi %sign3A_333, %sign3A_336 : i32
        %ne3A_338 = arith.cmpi ne, %sign3A_330, %sign3A_337 : i32
        %rem3A_339 = arith.remsi %add3A_321, %jit3A_322 : i32
        %ne3A_340 = arith.constant 0 : i32
        %ne3A_341 = arith.cmpi ne, %rem3A_339, %ne3A_340 : i32
        %and3A_342 = arith.andi %ne3A_338, %ne3A_341 : i1
        %sub3A_343 = arith.constant 1 : i32
        %sub3A_344 = arith.subi %div3A_323, %sub3A_343 : i32
        %select_n3A_345 = arith.select %and3A_342, %sub3A_344, %div3A_323 : i32
        %jit3A_346 = arith.constant 16384 : i32
        %eq3A_347 = arith.constant 0 : i32
        %eq3A_348 = arith.cmpi eq, %jit3A_346, %eq3A_347 : i32
        %jit3A_349 = arith.constant 1 : i32
        %select_n3A_350 = arith.select %eq3A_348, %jit3A_349, %jit3A_346 : i32
        %rem3A_351 = arith.remsi %add3A_321, %select_n3A_350 : i32
        %ne3A_352 = arith.constant 0 : i32
        %ne3A_353 = arith.cmpi ne, %rem3A_351, %ne3A_352 : i32
        %lt3A_354 = arith.constant 0 : i32
        %lt3A_355 = arith.cmpi slt, %rem3A_351, %lt3A_354 : i32
        %lt3A_356 = arith.constant 0 : i32
        %lt3A_357 = arith.cmpi slt, %select_n3A_350, %lt3A_356 : i32
        %ne3A_358 = arith.xori %lt3A_355, %lt3A_357 : i1
        %and3A_359 = arith.andi %ne3A_358, %ne3A_353 : i1
        %add3A_360 = arith.addi %rem3A_351, %select_n3A_350 : i32
        %select_n3A_361 = arith.select %and3A_359, %add3A_360, %rem3A_351 : i32
        %jit3A_362 = arith.constant 2 : i32
        %div3A_363 = arith.divsi %select_n3A_361, %jit3A_362 : i32
        %sign3A_364 = arith.constant 0 : i32
        %sign3A_365 = arith.cmpi sgt, %select_n3A_361, %sign3A_364 : i32
        %sign3A_366 = arith.extui %sign3A_365 : i1 to i32
        %sign3A_367 = arith.constant 0 : i32
        %sign3A_368 = arith.cmpi slt, %select_n3A_361, %sign3A_367 : i32
        %sign3A_369 = arith.extui %sign3A_368 : i1 to i32
        %sign3A_370 = arith.subi %sign3A_366, %sign3A_369 : i32
        %sign3A_371 = arith.constant 0 : i32
        %sign3A_372 = arith.cmpi sgt, %jit3A_362, %sign3A_371 : i32
        %sign3A_373 = arith.extui %sign3A_372 : i1 to i32
        %sign3A_374 = arith.constant 0 : i32
        %sign3A_375 = arith.cmpi slt, %jit3A_362, %sign3A_374 : i32
        %sign3A_376 = arith.extui %sign3A_375 : i1 to i32
        %sign3A_377 = arith.subi %sign3A_373, %sign3A_376 : i32
        %ne3A_378 = arith.cmpi ne, %sign3A_370, %sign3A_377 : i32
        %rem3A_379 = arith.remsi %select_n3A_361, %jit3A_362 : i32
        %ne3A_380 = arith.constant 0 : i32
        %ne3A_381 = arith.cmpi ne, %rem3A_379, %ne3A_380 : i32
        %and3A_382 = arith.andi %ne3A_378, %ne3A_381 : i1
        %sub3A_383 = arith.constant 1 : i32
        %sub3A_384 = arith.subi %div3A_363, %sub3A_383 : i32
        %select_n3A_385 = arith.select %and3A_382, %sub3A_384, %div3A_363 : i32
        %mul3A_386 = arith.constant 16384 : i32
        %mul3A_387 = arith.muli %select_n3A_345, %mul3A_386 : i32
        %add3A_388 = arith.addi %mul3A_387, %select_n3A_385 : i32
        %multiple_of3A_389 = tpu.assume_multiple %add3A_388, 256 : i32
        %add3A_390 = arith.constant 8192 : i32
        %add3A_391 = arith.addi %multiple_of3A_389, %add3A_390 : i32
        %dma_wait3A_392 = arith.constant 0 : i32
        %dma_wait3A_393 = tpu.memref_slice %arg10[%dma_wait3A_392] : memref<512xi32, #tpu.memory_space<vmem>> -> memref<256xi32, #tpu.memory_space<vmem>>
        %dma_wait3A_394 = tpu.memref_slice %arg3[%multiple_of3A_389] : memref<163840xi32, #tpu.memory_space<hbm>> -> memref<256xi32, #tpu.memory_space<hbm>>
        %dma_wait3A_395 = arith.constant 0 : i32
        %dma_wait3A_396 = tpu.memref_slice %arg10[%dma_wait3A_395] : memref<512xi32, #tpu.memory_space<vmem>> -> memref<256xi32, #tpu.memory_space<vmem>>
        %dma_wait3A_397 = tpu.memref_slice %arg3[%multiple_of3A_389] : memref<163840xi32, #tpu.memory_space<hbm>> -> memref<256xi32, #tpu.memory_space<hbm>>
        tpu.wait_dma2 semaphore(%arg14 : memref<!tpu.dma_semaphore, #tpu.memory_space<semaphore_mem>>) src(%dma_wait3A_397 : memref<256xi32, #tpu.memory_space<hbm>>) dst(%dma_wait3A_396 : memref<256xi32, #tpu.memory_space<vmem>>)
        %dma_wait3A_398 = arith.constant 256 : i32
        %dma_wait3A_399 = tpu.memref_slice %arg10[%dma_wait3A_398] : memref<512xi32, #tpu.memory_space<vmem>> -> memref<256xi32, #tpu.memory_space<vmem>>
        %dma_wait3A_400 = tpu.memref_slice %arg3[%add3A_391] : memref<163840xi32, #tpu.memory_space<hbm>> -> memref<256xi32, #tpu.memory_space<hbm>>
        %dma_wait3A_401 = arith.constant 256 : i32
        %dma_wait3A_402 = tpu.memref_slice %arg10[%dma_wait3A_401] : memref<512xi32, #tpu.memory_space<vmem>> -> memref<256xi32, #tpu.memory_space<vmem>>
        %dma_wait3A_403 = tpu.memref_slice %arg3[%add3A_391] : memref<163840xi32, #tpu.memory_space<hbm>> -> memref<256xi32, #tpu.memory_space<hbm>>
        tpu.wait_dma2 semaphore(%arg14 : memref<!tpu.dma_semaphore, #tpu.memory_space<semaphore_mem>>) src(%dma_wait3A_403 : memref<256xi32, #tpu.memory_space<hbm>>) dst(%dma_wait3A_402 : memref<256xi32, #tpu.memory_space<vmem>>)
        %add3A_404 = arith.constant 1 : i32
        %add3A_405 = arith.addi %mul3A_207, %add3A_404 : i32
        %scan3A_406 = arith.constant 0 : i32
        %scan3A_407 = arith.constant 16 : i32
        %scan3A_408 = arith.addi %scan3A_406, %scan3A_407 : i32
        %scan3A_409 = arith.constant 1 : i32
        scf.for %scan3A_411 = %scan3A_406 to %scan3A_408 step %scan3A_409  : i32 {
          %mul3A_412 = arith.constant 16 : i32
          %mul3A_413 = arith.muli %scan3A_411, %mul3A_412 : i32
          %multiple_of3A_414 = tpu.assume_multiple %mul3A_413, 16 : i32
          %iota3A = tpu.iota {dimensions = array<i32: 0>} : vector<16xi32>
          %get3A = arith.index_cast %multiple_of3A_414 : i32 to index
          %get3A_415 = tpu.vector_load %arg10[%get3A] {strides = array<i32>} : memref<512xi32, #tpu.memory_space<vmem>>, vector<16xi32>,
          %and3A_416 = arith.constant -16384 : i32
          %and3A_417 = vector.broadcast %and3A_416 : i32 to vector<16xi32>
          %and3A_418 = arith.andi %get3A_415, %and3A_417 : vector<16xi32>
          %and3A_419 = arith.constant 16383 : i32
          %and3A_420 = vector.broadcast %and3A_419 : i32 to vector<16xi32>
          %and3A_421 = arith.andi %get3A_415, %and3A_420 : vector<16xi32>
          %and3A_422 = arith.constant 8191 : i32
          %and3A_423 = vector.broadcast %and3A_422 : i32 to vector<16xi32>
          %and3A_424 = arith.andi %and3A_421, %and3A_423 : vector<16xi32>
          %shift_right_arithmetic3A = arith.constant 13 : i32
          %shift_right_arithmetic3A_425 = vector.broadcast %shift_right_arithmetic3A : i32 to vector<16xi32>
          %shift_right_arithmetic3A_426 = arith.shrsi %and3A_421, %shift_right_arithmetic3A_425 : vector<16xi32>
          %mul3A_427 = arith.constant 2 : i32
          %mul3A_428 = vector.broadcast %mul3A_427 : i32 to vector<16xi32>
          %mul3A_429 = arith.muli %mul3A_428, %and3A_424 : vector<16xi32>
          %add3A_430 = arith.addi %and3A_418, %mul3A_429 : vector<16xi32>
          %add3A_431 = arith.addi %add3A_430, %shift_right_arithmetic3A_426 : vector<16xi32>
          %add3A_432 = arith.constant 256 : i32
          %add3A_433 = arith.addi %add3A_432, %multiple_of3A_414 : i32
          %get3A_434 = arith.index_cast %add3A_433 : i32 to index
          %get3A_435 = tpu.vector_load %arg10[%get3A_434] {strides = array<i32>} : memref<512xi32, #tpu.memory_space<vmem>>, vector<16xi32>,
          %and3A_436 = arith.constant -16384 : i32
          %and3A_437 = vector.broadcast %and3A_436 : i32 to vector<16xi32>
          %and3A_438 = arith.andi %get3A_435, %and3A_437 : vector<16xi32>
          %and3A_439 = arith.constant 16383 : i32
          %and3A_440 = vector.broadcast %and3A_439 : i32 to vector<16xi32>
          %and3A_441 = arith.andi %get3A_435, %and3A_440 : vector<16xi32>
          %and3A_442 = arith.constant 8191 : i32
          %and3A_443 = vector.broadcast %and3A_442 : i32 to vector<16xi32>
          %and3A_444 = arith.andi %and3A_441, %and3A_443 : vector<16xi32>
          %shift_right_arithmetic3A_445 = arith.constant 13 : i32
          %shift_right_arithmetic3A_446 = vector.broadcast %shift_right_arithmetic3A_445 : i32 to vector<16xi32>
          %shift_right_arithmetic3A_447 = arith.shrsi %and3A_441, %shift_right_arithmetic3A_446 : vector<16xi32>
          %mul3A_448 = arith.constant 2 : i32
          %mul3A_449 = vector.broadcast %mul3A_448 : i32 to vector<16xi32>
          %mul3A_450 = arith.muli %mul3A_449, %and3A_444 : vector<16xi32>
          %add3A_451 = arith.addi %and3A_438, %mul3A_450 : vector<16xi32>
          %add3A_452 = arith.addi %add3A_451, %shift_right_arithmetic3A_447 : vector<16xi32>
          %mul3A_453 = arith.constant 512 : i32
          %mul3A_454 = arith.muli %add3A_405, %mul3A_453 : i32
          %add3A_455 = vector.broadcast %multiple_of3A_414 : i32 to vector<16xi32>
          %add3A_456 = arith.addi %add3A_455, %iota3A : vector<16xi32>
          %mul3A_457 = arith.constant 2 : i32
          %mul3A_458 = vector.broadcast %mul3A_457 : i32 to vector<16xi32>
          %mul3A_459 = arith.muli %mul3A_458, %add3A_456 : vector<16xi32>
          %add3A_460 = vector.broadcast %mul3A_454 : i32 to vector<16xi32>
          %add3A_461 = arith.addi %add3A_460, %mul3A_459 : vector<16xi32>
          tpu.vector_store_idx %arg7[%add3A_461], %add3A_431 : memref<5120xi32, #tpu.memory_space<vmem>>[vector<16xi32>], vector<16xi32>,
          %add3A_462 = arith.constant 1 : i32
          %add3A_463 = vector.broadcast %add3A_462 : i32 to vector<16xi32>
          %add3A_464 = arith.addi %add3A_461, %add3A_463 : vector<16xi32>
          tpu.vector_store_idx %arg7[%add3A_464], %add3A_452 : memref<5120xi32, #tpu.memory_space<vmem>>[vector<16xi32>], vector<16xi32>,
        }
        %scan3A_410 = arith.constant 16 : i32
      } else {
      }
    }
    %scan3A_78 = arith.constant 5 : i32
    %mul3A_79 = arith.constant 25600 : i32
    %mul3A_80 = arith.muli %add3A, %mul3A_79 : i32
    %add3A_81 = arith.constant 0 : i32
    %add3A_82 = arith.addi %mul3A_80, %add3A_81 : i32
    %jit3A_83 = arith.constant 16384 : i32
    %div3A_84 = arith.divsi %add3A_82, %jit3A_83 : i32
    %sign3A_85 = arith.constant 0 : i32
    %sign3A_86 = arith.cmpi sgt, %add3A_82, %sign3A_85 : i32
    %sign3A_87 = arith.extui %sign3A_86 : i1 to i32
    %sign3A_88 = arith.constant 0 : i32
    %sign3A_89 = arith.cmpi slt, %add3A_82, %sign3A_88 : i32
    %sign3A_90 = arith.extui %sign3A_89 : i1 to i32
    %sign3A_91 = arith.subi %sign3A_87, %sign3A_90 : i32
    %sign3A_92 = arith.constant 0 : i32
    %sign3A_93 = arith.cmpi sgt, %jit3A_83, %sign3A_92 : i32
    %sign3A_94 = arith.extui %sign3A_93 : i1 to i32
    %sign3A_95 = arith.constant 0 : i32
    %sign3A_96 = arith.cmpi slt, %jit3A_83, %sign3A_95 : i32
    %sign3A_97 = arith.extui %sign3A_96 : i1 to i32
    %sign3A_98 = arith.subi %sign3A_94, %sign3A_97 : i32
    %ne3A_99 = arith.cmpi ne, %sign3A_91, %sign3A_98 : i32
    %rem3A_100 = arith.remsi %add3A_82, %jit3A_83 : i32
    %ne3A_101 = arith.constant 0 : i32
    %ne3A_102 = arith.cmpi ne, %rem3A_100, %ne3A_101 : i32
    %and3A_103 = arith.andi %ne3A_99, %ne3A_102 : i1
    %sub3A_104 = arith.constant 1 : i32
    %sub3A_105 = arith.subi %div3A_84, %sub3A_104 : i32
    %select_n3A_106 = arith.select %and3A_103, %sub3A_105, %div3A_84 : i32
    %jit3A_107 = arith.constant 16384 : i32
    %eq3A_108 = arith.constant 0 : i32
    %eq3A_109 = arith.cmpi eq, %jit3A_107, %eq3A_108 : i32
    %jit3A_110 = arith.constant 1 : i32
    %select_n3A_111 = arith.select %eq3A_109, %jit3A_110, %jit3A_107 : i32
    %rem3A_112 = arith.remsi %add3A_82, %select_n3A_111 : i32
    %ne3A_113 = arith.constant 0 : i32
    %ne3A_114 = arith.cmpi ne, %rem3A_112, %ne3A_113 : i32
    %lt3A_115 = arith.constant 0 : i32
    %lt3A_116 = arith.cmpi slt, %rem3A_112, %lt3A_115 : i32
    %lt3A_117 = arith.constant 0 : i32
    %lt3A_118 = arith.cmpi slt, %select_n3A_111, %lt3A_117 : i32
    %ne3A_119 = arith.xori %lt3A_116, %lt3A_118 : i1
    %and3A_120 = arith.andi %ne3A_119, %ne3A_114 : i1
    %add3A_121 = arith.addi %rem3A_112, %select_n3A_111 : i32
    %select_n3A_122 = arith.select %and3A_120, %add3A_121, %rem3A_112 : i32
    %jit3A_123 = arith.constant 2 : i32
    %div3A_124 = arith.divsi %select_n3A_122, %jit3A_123 : i32
    %sign3A_125 = arith.constant 0 : i32
    %sign3A_126 = arith.cmpi sgt, %select_n3A_122, %sign3A_125 : i32
    %sign3A_127 = arith.extui %sign3A_126 : i1 to i32
    %sign3A_128 = arith.constant 0 : i32
    %sign3A_129 = arith.cmpi slt, %select_n3A_122, %sign3A_128 : i32
    %sign3A_130 = arith.extui %sign3A_129 : i1 to i32
    %sign3A_131 = arith.subi %sign3A_127, %sign3A_130 : i32
    %sign3A_132 = arith.constant 0 : i32
    %sign3A_133 = arith.cmpi sgt, %jit3A_123, %sign3A_132 : i32
    %sign3A_134 = arith.extui %sign3A_133 : i1 to i32
    %sign3A_135 = arith.constant 0 : i32
    %sign3A_136 = arith.cmpi slt, %jit3A_123, %sign3A_135 : i32
    %sign3A_137 = arith.extui %sign3A_136 : i1 to i32
    %sign3A_138 = arith.subi %sign3A_134, %sign3A_137 : i32
    %ne3A_139 = arith.cmpi ne, %sign3A_131, %sign3A_138 : i32
    %rem3A_140 = arith.remsi %select_n3A_122, %jit3A_123 : i32
    %ne3A_141 = arith.constant 0 : i32
    %ne3A_142 = arith.cmpi ne, %rem3A_140, %ne3A_141 : i32
    %and3A_143 = arith.andi %ne3A_139, %ne3A_142 : i1
    %sub3A_144 = arith.constant 1 : i32
    %sub3A_145 = arith.subi %div3A_124, %sub3A_144 : i32
    %select_n3A_146 = arith.select %and3A_143, %sub3A_145, %div3A_124 : i32
    %mul3A_147 = arith.constant 16384 : i32
    %mul3A_148 = arith.muli %select_n3A_106, %mul3A_147 : i32
    %add3A_149 = arith.addi %mul3A_148, %select_n3A_146 : i32
    %multiple_of3A_150 = tpu.assume_multiple %add3A_149, 256 : i32
    %add3A_151 = arith.constant 8192 : i32
    %add3A_152 = arith.addi %multiple_of3A_150, %add3A_151 : i32
    %dma_start3A_153 = arith.constant 0 : i32
    %dma_start3A_154 = tpu.memref_slice %arg9[%dma_start3A_153] : memref<512xi32, #tpu.memory_space<vmem>> -> memref<256xi32, #tpu.memory_space<vmem>>
    %dma_start3A_155 = tpu.memref_slice %arg4[%multiple_of3A_150] : memref<819200xi32, #tpu.memory_space<hbm>> -> memref<256xi32, #tpu.memory_space<hbm>>
    %dma_start3A_156 = arith.constant 0 : i32
    %dma_start3A_157 = tpu.memref_slice %arg9[%dma_start3A_156] : memref<512xi32, #tpu.memory_space<vmem>> -> memref<256xi32, #tpu.memory_space<vmem>>
    %dma_start3A_158 = tpu.memref_slice %arg4[%multiple_of3A_150] : memref<819200xi32, #tpu.memory_space<hbm>> -> memref<256xi32, #tpu.memory_space<hbm>>
    tpu.enqueue_dma source(%dma_start3A_158 : memref<256xi32, #tpu.memory_space<hbm>>) target(%dma_start3A_157 : memref<256xi32, #tpu.memory_space<vmem>>) target_semaphore(%arg13 : memref<!tpu.dma_semaphore, #tpu.memory_space<semaphore_mem>>)
    %dma_start3A_159 = arith.constant 256 : i32
    %dma_start3A_160 = tpu.memref_slice %arg9[%dma_start3A_159] : memref<512xi32, #tpu.memory_space<vmem>> -> memref<256xi32, #tpu.memory_space<vmem>>
    %dma_start3A_161 = tpu.memref_slice %arg4[%add3A_152] : memref<819200xi32, #tpu.memory_space<hbm>> -> memref<256xi32, #tpu.memory_space<hbm>>
    %dma_start3A_162 = arith.constant 256 : i32
    %dma_start3A_163 = tpu.memref_slice %arg9[%dma_start3A_162] : memref<512xi32, #tpu.memory_space<vmem>> -> memref<256xi32, #tpu.memory_space<vmem>>
    %dma_start3A_164 = tpu.memref_slice %arg4[%add3A_152] : memref<819200xi32, #tpu.memory_space<hbm>> -> memref<256xi32, #tpu.memory_space<hbm>>
    tpu.enqueue_dma source(%dma_start3A_164 : memref<256xi32, #tpu.memory_space<hbm>>) target(%dma_start3A_163 : memref<256xi32, #tpu.memory_space<vmem>>) target_semaphore(%arg13 : memref<!tpu.dma_semaphore, #tpu.memory_space<semaphore_mem>>)
    %scan3A_165 = arith.constant 0 : i32
    %scan3A_166 = arith.constant 25 : i32
    %scan3A_167 = arith.addi %scan3A_165, %scan3A_166 : i32
    %scan3A_168 = arith.constant 1 : i32
    scf.for %scan3A_205 = %scan3A_165 to %scan3A_167 step %scan3A_168  : i32 {
      %mul3A_206 = arith.constant 2 : i32
      %mul3A_207 = arith.muli %mul3A_206, %scan3A_205 : i32
      %add3A_208 = arith.constant 1 : i32
      %add3A_209 = arith.addi %mul3A_207, %add3A_208 : i32
      %lt3A_210 = arith.constant 50 : i32
      %lt3A_211 = arith.cmpi slt, %add3A_209, %lt3A_210 : i32
      %convert_element_type3A = arith.extui %lt3A_211 : i1 to i32
      %cond3A = arith.constant 0 : i32
      %cond3A_212 = arith.cmpi ne, %convert_element_type3A, %cond3A : i32
      scf.if %cond3A_212 {
        %add3A_317 = arith.constant 1 : i32
        %add3A_318 = arith.addi %mul3A_207, %add3A_317 : i32
        %mul3A_319 = arith.constant 512 : i32
        %mul3A_320 = arith.muli %add3A_318, %mul3A_319 : i32
        %add3A_321 = arith.addi %mul3A_80, %mul3A_320 : i32
        %jit3A_322 = arith.constant 16384 : i32
        %div3A_323 = arith.divsi %add3A_321, %jit3A_322 : i32
        %sign3A_324 = arith.constant 0 : i32
        %sign3A_325 = arith.cmpi sgt, %add3A_321, %sign3A_324 : i32
        %sign3A_326 = arith.extui %sign3A_325 : i1 to i32
        %sign3A_327 = arith.constant 0 : i32
        %sign3A_328 = arith.cmpi slt, %add3A_321, %sign3A_327 : i32
        %sign3A_329 = arith.extui %sign3A_328 : i1 to i32
        %sign3A_330 = arith.subi %sign3A_326, %sign3A_329 : i32
        %sign3A_331 = arith.constant 0 : i32
        %sign3A_332 = arith.cmpi sgt, %jit3A_322, %sign3A_331 : i32
        %sign3A_333 = arith.extui %sign3A_332 : i1 to i32
        %sign3A_334 = arith.constant 0 : i32
        %sign3A_335 = arith.cmpi slt, %jit3A_322, %sign3A_334 : i32
        %sign3A_336 = arith.extui %sign3A_335 : i1 to i32
        %sign3A_337 = arith.subi %sign3A_333, %sign3A_336 : i32
        %ne3A_338 = arith.cmpi ne, %sign3A_330, %sign3A_337 : i32
        %rem3A_339 = arith.remsi %add3A_321, %jit3A_322 : i32
        %ne3A_340 = arith.constant 0 : i32
        %ne3A_341 = arith.cmpi ne, %rem3A_339, %ne3A_340 : i32
        %and3A_342 = arith.andi %ne3A_338, %ne3A_341 : i1
        %sub3A_343 = arith.constant 1 : i32
        %sub3A_344 = arith.subi %div3A_323, %sub3A_343 : i32
        %select_n3A_345 = arith.select %and3A_342, %sub3A_344, %div3A_323 : i32
        %jit3A_346 = arith.constant 16384 : i32
        %eq3A_347 = arith.constant 0 : i32
        %eq3A_348 = arith.cmpi eq, %jit3A_346, %eq3A_347 : i32
        %jit3A_349 = arith.constant 1 : i32
        %select_n3A_350 = arith.select %eq3A_348, %jit3A_349, %jit3A_346 : i32
        %rem3A_351 = arith.remsi %add3A_321, %select_n3A_350 : i32
        %ne3A_352 = arith.constant 0 : i32
        %ne3A_353 = arith.cmpi ne, %rem3A_351, %ne3A_352 : i32
        %lt3A_354 = arith.constant 0 : i32
        %lt3A_355 = arith.cmpi slt, %rem3A_351, %lt3A_354 : i32
        %lt3A_356 = arith.constant 0 : i32
        %lt3A_357 = arith.cmpi slt, %select_n3A_350, %lt3A_356 : i32
        %ne3A_358 = arith.xori %lt3A_355, %lt3A_357 : i1
        %and3A_359 = arith.andi %ne3A_358, %ne3A_353 : i1
        %add3A_360 = arith.addi %rem3A_351, %select_n3A_350 : i32
        %select_n3A_361 = arith.select %and3A_359, %add3A_360, %rem3A_351 : i32
        %jit3A_362 = arith.constant 2 : i32
        %div3A_363 = arith.divsi %select_n3A_361, %jit3A_362 : i32
        %sign3A_364 = arith.constant 0 : i32
        %sign3A_365 = arith.cmpi sgt, %select_n3A_361, %sign3A_364 : i32
        %sign3A_366 = arith.extui %sign3A_365 : i1 to i32
        %sign3A_367 = arith.constant 0 : i32
        %sign3A_368 = arith.cmpi slt, %select_n3A_361, %sign3A_367 : i32
        %sign3A_369 = arith.extui %sign3A_368 : i1 to i32
        %sign3A_370 = arith.subi %sign3A_366, %sign3A_369 : i32
        %sign3A_371 = arith.constant 0 : i32
        %sign3A_372 = arith.cmpi sgt, %jit3A_362, %sign3A_371 : i32
        %sign3A_373 = arith.extui %sign3A_372 : i1 to i32
        %sign3A_374 = arith.constant 0 : i32
        %sign3A_375 = arith.cmpi slt, %jit3A_362, %sign3A_374 : i32
        %sign3A_376 = arith.extui %sign3A_375 : i1 to i32
        %sign3A_377 = arith.subi %sign3A_373, %sign3A_376 : i32
        %ne3A_378 = arith.cmpi ne, %sign3A_370, %sign3A_377 : i32
        %rem3A_379 = arith.remsi %select_n3A_361, %jit3A_362 : i32
        %ne3A_380 = arith.constant 0 : i32
        %ne3A_381 = arith.cmpi ne, %rem3A_379, %ne3A_380 : i32
        %and3A_382 = arith.andi %ne3A_378, %ne3A_381 : i1
        %sub3A_383 = arith.constant 1 : i32
        %sub3A_384 = arith.subi %div3A_363, %sub3A_383 : i32
        %select_n3A_385 = arith.select %and3A_382, %sub3A_384, %div3A_363 : i32
        %mul3A_386 = arith.constant 16384 : i32
        %mul3A_387 = arith.muli %select_n3A_345, %mul3A_386 : i32
        %add3A_388 = arith.addi %mul3A_387, %select_n3A_385 : i32
        %multiple_of3A_389 = tpu.assume_multiple %add3A_388, 256 : i32
        %add3A_390 = arith.constant 8192 : i32
        %add3A_391 = arith.addi %multiple_of3A_389, %add3A_390 : i32
        %dma_start3A_392 = arith.constant 0 : i32
        %dma_start3A_393 = tpu.memref_slice %arg10[%dma_start3A_392] : memref<512xi32, #tpu.memory_space<vmem>> -> memref<256xi32, #tpu.memory_space<vmem>>
        %dma_start3A_394 = tpu.memref_slice %arg4[%multiple_of3A_389] : memref<819200xi32, #tpu.memory_space<hbm>> -> memref<256xi32, #tpu.memory_space<hbm>>
        %dma_start3A_395 = arith.constant 0 : i32
        %dma_start3A_396 = tpu.memref_slice %arg10[%dma_start3A_395] : memref<512xi32, #tpu.memory_space<vmem>> -> memref<256xi32, #tpu.memory_space<vmem>>
        %dma_start3A_397 = tpu.memref_slice %arg4[%multiple_of3A_389] : memref<819200xi32, #tpu.memory_space<hbm>> -> memref<256xi32, #tpu.memory_space<hbm>>
        tpu.enqueue_dma source(%dma_start3A_397 : memref<256xi32, #tpu.memory_space<hbm>>) target(%dma_start3A_396 : memref<256xi32, #tpu.memory_space<vmem>>) target_semaphore(%arg14 : memref<!tpu.dma_semaphore, #tpu.memory_space<semaphore_mem>>)
        %dma_start3A_398 = arith.constant 256 : i32
        %dma_start3A_399 = tpu.memref_slice %arg10[%dma_start3A_398] : memref<512xi32, #tpu.memory_space<vmem>> -> memref<256xi32, #tpu.memory_space<vmem>>
        %dma_start3A_400 = tpu.memref_slice %arg4[%add3A_391] : memref<819200xi32, #tpu.memory_space<hbm>> -> memref<256xi32, #tpu.memory_space<hbm>>
        %dma_start3A_401 = arith.constant 256 : i32
        %dma_start3A_402 = tpu.memref_slice %arg10[%dma_start3A_401] : memref<512xi32, #tpu.memory_space<vmem>> -> memref<256xi32, #tpu.memory_space<vmem>>
        %dma_start3A_403 = tpu.memref_slice %arg4[%add3A_391] : memref<819200xi32, #tpu.memory_space<hbm>> -> memref<256xi32, #tpu.memory_space<hbm>>
        tpu.enqueue_dma source(%dma_start3A_403 : memref<256xi32, #tpu.memory_space<hbm>>) target(%dma_start3A_402 : memref<256xi32, #tpu.memory_space<vmem>>) target_semaphore(%arg14 : memref<!tpu.dma_semaphore, #tpu.memory_space<semaphore_mem>>)
      } else {
      }
      %mul3A_213 = arith.constant 512 : i32
      %mul3A_214 = arith.muli %mul3A_207, %mul3A_213 : i32
      %add3A_215 = arith.addi %mul3A_80, %mul3A_214 : i32
      %jit3A_216 = arith.constant 16384 : i32
      %div3A_217 = arith.divsi %add3A_215, %jit3A_216 : i32
      %sign3A_218 = arith.constant 0 : i32
      %sign3A_219 = arith.cmpi sgt, %add3A_215, %sign3A_218 : i32
      %sign3A_220 = arith.extui %sign3A_219 : i1 to i32
      %sign3A_221 = arith.constant 0 : i32
      %sign3A_222 = arith.cmpi slt, %add3A_215, %sign3A_221 : i32
      %sign3A_223 = arith.extui %sign3A_222 : i1 to i32
      %sign3A_224 = arith.subi %sign3A_220, %sign3A_223 : i32
      %sign3A_225 = arith.constant 0 : i32
      %sign3A_226 = arith.cmpi sgt, %jit3A_216, %sign3A_225 : i32
      %sign3A_227 = arith.extui %sign3A_226 : i1 to i32
      %sign3A_228 = arith.constant 0 : i32
      %sign3A_229 = arith.cmpi slt, %jit3A_216, %sign3A_228 : i32
      %sign3A_230 = arith.extui %sign3A_229 : i1 to i32
      %sign3A_231 = arith.subi %sign3A_227, %sign3A_230 : i32
      %ne3A_232 = arith.cmpi ne, %sign3A_224, %sign3A_231 : i32
      %rem3A_233 = arith.remsi %add3A_215, %jit3A_216 : i32
      %ne3A_234 = arith.constant 0 : i32
      %ne3A_235 = arith.cmpi ne, %rem3A_233, %ne3A_234 : i32
      %and3A_236 = arith.andi %ne3A_232, %ne3A_235 : i1
      %sub3A_237 = arith.constant 1 : i32
      %sub3A_238 = arith.subi %div3A_217, %sub3A_237 : i32
      %select_n3A_239 = arith.select %and3A_236, %sub3A_238, %div3A_217 : i32
      %jit3A_240 = arith.constant 16384 : i32
      %eq3A_241 = arith.constant 0 : i32
      %eq3A_242 = arith.cmpi eq, %jit3A_240, %eq3A_241 : i32
      %jit3A_243 = arith.constant 1 : i32
      %select_n3A_244 = arith.select %eq3A_242, %jit3A_243, %jit3A_240 : i32
      %rem3A_245 = arith.remsi %add3A_215, %select_n3A_244 : i32
      %ne3A_246 = arith.constant 0 : i32
      %ne3A_247 = arith.cmpi ne, %rem3A_245, %ne3A_246 : i32
      %lt3A_248 = arith.constant 0 : i32
      %lt3A_249 = arith.cmpi slt, %rem3A_245, %lt3A_248 : i32
      %lt3A_250 = arith.constant 0 : i32
      %lt3A_251 = arith.cmpi slt, %select_n3A_244, %lt3A_250 : i32
      %ne3A_252 = arith.xori %lt3A_249, %lt3A_251 : i1
      %and3A_253 = arith.andi %ne3A_252, %ne3A_247 : i1
      %add3A_254 = arith.addi %rem3A_245, %select_n3A_244 : i32
      %select_n3A_255 = arith.select %and3A_253, %add3A_254, %rem3A_245 : i32
      %jit3A_256 = arith.constant 2 : i32
      %div3A_257 = arith.divsi %select_n3A_255, %jit3A_256 : i32
      %sign3A_258 = arith.constant 0 : i32
      %sign3A_259 = arith.cmpi sgt, %select_n3A_255, %sign3A_258 : i32
      %sign3A_260 = arith.extui %sign3A_259 : i1 to i32
      %sign3A_261 = arith.constant 0 : i32
      %sign3A_262 = arith.cmpi slt, %select_n3A_255, %sign3A_261 : i32
      %sign3A_263 = arith.extui %sign3A_262 : i1 to i32
      %sign3A_264 = arith.subi %sign3A_260, %sign3A_263 : i32
      %sign3A_265 = arith.constant 0 : i32
      %sign3A_266 = arith.cmpi sgt, %jit3A_256, %sign3A_265 : i32
      %sign3A_267 = arith.extui %sign3A_266 : i1 to i32
      %sign3A_268 = arith.constant 0 : i32
      %sign3A_269 = arith.cmpi slt, %jit3A_256, %sign3A_268 : i32
      %sign3A_270 = arith.extui %sign3A_269 : i1 to i32
      %sign3A_271 = arith.subi %sign3A_267, %sign3A_270 : i32
      %ne3A_272 = arith.cmpi ne, %sign3A_264, %sign3A_271 : i32
      %rem3A_273 = arith.remsi %select_n3A_255, %jit3A_256 : i32
      %ne3A_274 = arith.constant 0 : i32
      %ne3A_275 = arith.cmpi ne, %rem3A_273, %ne3A_274 : i32
      %and3A_276 = arith.andi %ne3A_272, %ne3A_275 : i1
      %sub3A_277 = arith.constant 1 : i32
      %sub3A_278 = arith.subi %div3A_257, %sub3A_277 : i32
      %select_n3A_279 = arith.select %and3A_276, %sub3A_278, %div3A_257 : i32
      %mul3A_280 = arith.constant 16384 : i32
      %mul3A_281 = arith.muli %select_n3A_239, %mul3A_280 : i32
      %add3A_282 = arith.addi %mul3A_281, %select_n3A_279 : i32
      %multiple_of3A_283 = tpu.assume_multiple %add3A_282, 256 : i32
      %add3A_284 = arith.constant 8192 : i32
      %add3A_285 = arith.addi %multiple_of3A_283, %add3A_284 : i32
      %dma_wait3A_286 = arith.constant 0 : i32
      %dma_wait3A_287 = tpu.memref_slice %arg9[%dma_wait3A_286] : memref<512xi32, #tpu.memory_space<vmem>> -> memref<256xi32, #tpu.memory_space<vmem>>
      %dma_wait3A_288 = tpu.memref_slice %arg4[%multiple_of3A_283] : memref<819200xi32, #tpu.memory_space<hbm>> -> memref<256xi32, #tpu.memory_space<hbm>>
      %dma_wait3A_289 = arith.constant 0 : i32
      %dma_wait3A_290 = tpu.memref_slice %arg9[%dma_wait3A_289] : memref<512xi32, #tpu.memory_space<vmem>> -> memref<256xi32, #tpu.memory_space<vmem>>
      %dma_wait3A_291 = tpu.memref_slice %arg4[%multiple_of3A_283] : memref<819200xi32, #tpu.memory_space<hbm>> -> memref<256xi32, #tpu.memory_space<hbm>>
      tpu.wait_dma2 semaphore(%arg13 : memref<!tpu.dma_semaphore, #tpu.memory_space<semaphore_mem>>) src(%dma_wait3A_291 : memref<256xi32, #tpu.memory_space<hbm>>) dst(%dma_wait3A_290 : memref<256xi32, #tpu.memory_space<vmem>>)
      %dma_wait3A_292 = arith.constant 256 : i32
      %dma_wait3A_293 = tpu.memref_slice %arg9[%dma_wait3A_292] : memref<512xi32, #tpu.memory_space<vmem>> -> memref<256xi32, #tpu.memory_space<vmem>>
      %dma_wait3A_294 = tpu.memref_slice %arg4[%add3A_285] : memref<819200xi32, #tpu.memory_space<hbm>> -> memref<256xi32, #tpu.memory_space<hbm>>
      %dma_wait3A_295 = arith.constant 256 : i32
      %dma_wait3A_296 = tpu.memref_slice %arg9[%dma_wait3A_295] : memref<512xi32, #tpu.memory_space<vmem>> -> memref<256xi32, #tpu.memory_space<vmem>>
      %dma_wait3A_297 = tpu.memref_slice %arg4[%add3A_285] : memref<819200xi32, #tpu.memory_space<hbm>> -> memref<256xi32, #tpu.memory_space<hbm>>
      tpu.wait_dma2 semaphore(%arg13 : memref<!tpu.dma_semaphore, #tpu.memory_space<semaphore_mem>>) src(%dma_wait3A_297 : memref<256xi32, #tpu.memory_space<hbm>>) dst(%dma_wait3A_296 : memref<256xi32, #tpu.memory_space<vmem>>)
      %scan3A_298 = arith.constant 0 : i32
      %scan3A_299 = arith.constant 16 : i32
      %scan3A_300 = arith.addi %scan3A_298, %scan3A_299 : i32
      %scan3A_301 = arith.constant 1 : i32
      scf.for %scan3A_317 = %scan3A_298 to %scan3A_300 step %scan3A_301  : i32 {
        %mul3A_318 = arith.constant 16 : i32
        %mul3A_319 = arith.muli %scan3A_317, %mul3A_318 : i32
        %multiple_of3A_320 = tpu.assume_multiple %mul3A_319, 16 : i32
        %iota3A = tpu.iota {dimensions = array<i32: 0>} : vector<16xi32>
        %get3A = arith.index_cast %multiple_of3A_320 : i32 to index
        %get3A_321 = tpu.vector_load %arg9[%get3A] {strides = array<i32>} : memref<512xi32, #tpu.memory_space<vmem>>, vector<16xi32>,
        %and3A_322 = arith.constant -16384 : i32
        %and3A_323 = vector.broadcast %and3A_322 : i32 to vector<16xi32>
        %and3A_324 = arith.andi %get3A_321, %and3A_323 : vector<16xi32>
        %and3A_325 = arith.constant 16383 : i32
        %and3A_326 = vector.broadcast %and3A_325 : i32 to vector<16xi32>
        %and3A_327 = arith.andi %get3A_321, %and3A_326 : vector<16xi32>
        %and3A_328 = arith.constant 8191 : i32
        %and3A_329 = vector.broadcast %and3A_328 : i32 to vector<16xi32>
        %and3A_330 = arith.andi %and3A_327, %and3A_329 : vector<16xi32>
        %shift_right_arithmetic3A = arith.constant 13 : i32
        %shift_right_arithmetic3A_331 = vector.broadcast %shift_right_arithmetic3A : i32 to vector<16xi32>
        %shift_right_arithmetic3A_332 = arith.shrsi %and3A_327, %shift_right_arithmetic3A_331 : vector<16xi32>
        %mul3A_333 = arith.constant 2 : i32
        %mul3A_334 = vector.broadcast %mul3A_333 : i32 to vector<16xi32>
        %mul3A_335 = arith.muli %mul3A_334, %and3A_330 : vector<16xi32>
        %add3A_336 = arith.addi %and3A_324, %mul3A_335 : vector<16xi32>
        %add3A_337 = arith.addi %add3A_336, %shift_right_arithmetic3A_332 : vector<16xi32>
        %add3A_338 = arith.constant 256 : i32
        %add3A_339 = arith.addi %add3A_338, %multiple_of3A_320 : i32
        %get3A_340 = arith.index_cast %add3A_339 : i32 to index
        %get3A_341 = tpu.vector_load %arg9[%get3A_340] {strides = array<i32>} : memref<512xi32, #tpu.memory_space<vmem>>, vector<16xi32>,
        %and3A_342 = arith.constant -16384 : i32
        %and3A_343 = vector.broadcast %and3A_342 : i32 to vector<16xi32>
        %and3A_344 = arith.andi %get3A_341, %and3A_343 : vector<16xi32>
        %and3A_345 = arith.constant 16383 : i32
        %and3A_346 = vector.broadcast %and3A_345 : i32 to vector<16xi32>
        %and3A_347 = arith.andi %get3A_341, %and3A_346 : vector<16xi32>
        %and3A_348 = arith.constant 8191 : i32
        %and3A_349 = vector.broadcast %and3A_348 : i32 to vector<16xi32>
        %and3A_350 = arith.andi %and3A_347, %and3A_349 : vector<16xi32>
        %shift_right_arithmetic3A_351 = arith.constant 13 : i32
        %shift_right_arithmetic3A_352 = vector.broadcast %shift_right_arithmetic3A_351 : i32 to vector<16xi32>
        %shift_right_arithmetic3A_353 = arith.shrsi %and3A_347, %shift_right_arithmetic3A_352 : vector<16xi32>
        %mul3A_354 = arith.constant 2 : i32
        %mul3A_355 = vector.broadcast %mul3A_354 : i32 to vector<16xi32>
        %mul3A_356 = arith.muli %mul3A_355, %and3A_350 : vector<16xi32>
        %add3A_357 = arith.addi %and3A_344, %mul3A_356 : vector<16xi32>
        %add3A_358 = arith.addi %add3A_357, %shift_right_arithmetic3A_353 : vector<16xi32>
        %mul3A_359 = arith.constant 512 : i32
        %mul3A_360 = arith.muli %mul3A_207, %mul3A_359 : i32
        %add3A_361 = vector.broadcast %multiple_of3A_320 : i32 to vector<16xi32>
        %add3A_362 = arith.addi %add3A_361, %iota3A : vector<16xi32>
        %mul3A_363 = arith.constant 2 : i32
        %mul3A_364 = vector.broadcast %mul3A_363 : i32 to vector<16xi32>
        %mul3A_365 = arith.muli %mul3A_364, %add3A_362 : vector<16xi32>
        %add3A_366 = vector.broadcast %mul3A_360 : i32 to vector<16xi32>
        %add3A_367 = arith.addi %add3A_366, %mul3A_365 : vector<16xi32>
        tpu.vector_store_idx %arg8[%add3A_367], %add3A_337 : memref<25600xi32, #tpu.memory_space<vmem>>[vector<16xi32>], vector<16xi32>,
        %add3A_368 = arith.constant 1 : i32
        %add3A_369 = vector.broadcast %add3A_368 : i32 to vector<16xi32>
        %add3A_370 = arith.addi %add3A_367, %add3A_369 : vector<16xi32>
        tpu.vector_store_idx %arg8[%add3A_370], %add3A_358 : memref<25600xi32, #tpu.memory_space<vmem>>[vector<16xi32>], vector<16xi32>,
      }
      %scan3A_302 = arith.constant 16 : i32
      %add3A_303 = arith.constant 2 : i32
      %add3A_304 = arith.addi %mul3A_207, %add3A_303 : i32
      %lt3A_305 = arith.constant 50 : i32
      %lt3A_306 = arith.cmpi slt, %add3A_304, %lt3A_305 : i32
      %convert_element_type3A_307 = arith.extui %lt3A_306 : i1 to i32
      %cond3A_308 = arith.constant 0 : i32
      %cond3A_309 = arith.cmpi ne, %convert_element_type3A_307, %cond3A_308 : i32
      scf.if %cond3A_309 {
        %add3A_317 = arith.constant 2 : i32
        %add3A_318 = arith.addi %mul3A_207, %add3A_317 : i32
        %mul3A_319 = arith.constant 512 : i32
        %mul3A_320 = arith.muli %add3A_318, %mul3A_319 : i32
        %add3A_321 = arith.addi %mul3A_80, %mul3A_320 : i32
        %jit3A_322 = arith.constant 16384 : i32
        %div3A_323 = arith.divsi %add3A_321, %jit3A_322 : i32
        %sign3A_324 = arith.constant 0 : i32
        %sign3A_325 = arith.cmpi sgt, %add3A_321, %sign3A_324 : i32
        %sign3A_326 = arith.extui %sign3A_325 : i1 to i32
        %sign3A_327 = arith.constant 0 : i32
        %sign3A_328 = arith.cmpi slt, %add3A_321, %sign3A_327 : i32
        %sign3A_329 = arith.extui %sign3A_328 : i1 to i32
        %sign3A_330 = arith.subi %sign3A_326, %sign3A_329 : i32
        %sign3A_331 = arith.constant 0 : i32
        %sign3A_332 = arith.cmpi sgt, %jit3A_322, %sign3A_331 : i32
        %sign3A_333 = arith.extui %sign3A_332 : i1 to i32
        %sign3A_334 = arith.constant 0 : i32
        %sign3A_335 = arith.cmpi slt, %jit3A_322, %sign3A_334 : i32
        %sign3A_336 = arith.extui %sign3A_335 : i1 to i32
        %sign3A_337 = arith.subi %sign3A_333, %sign3A_336 : i32
        %ne3A_338 = arith.cmpi ne, %sign3A_330, %sign3A_337 : i32
        %rem3A_339 = arith.remsi %add3A_321, %jit3A_322 : i32
        %ne3A_340 = arith.constant 0 : i32
        %ne3A_341 = arith.cmpi ne, %rem3A_339, %ne3A_340 : i32
        %and3A_342 = arith.andi %ne3A_338, %ne3A_341 : i1
        %sub3A_343 = arith.constant 1 : i32
        %sub3A_344 = arith.subi %div3A_323, %sub3A_343 : i32
        %select_n3A_345 = arith.select %and3A_342, %sub3A_344, %div3A_323 : i32
        %jit3A_346 = arith.constant 16384 : i32
        %eq3A_347 = arith.constant 0 : i32
        %eq3A_348 = arith.cmpi eq, %jit3A_346, %eq3A_347 : i32
        %jit3A_349 = arith.constant 1 : i32
        %select_n3A_350 = arith.select %eq3A_348, %jit3A_349, %jit3A_346 : i32
        %rem3A_351 = arith.remsi %add3A_321, %select_n3A_350 : i32
        %ne3A_352 = arith.constant 0 : i32
        %ne3A_353 = arith.cmpi ne, %rem3A_351, %ne3A_352 : i32
        %lt3A_354 = arith.constant 0 : i32
        %lt3A_355 = arith.cmpi slt, %rem3A_351, %lt3A_354 : i32
        %lt3A_356 = arith.constant 0 : i32
        %lt3A_357 = arith.cmpi slt, %select_n3A_350, %lt3A_356 : i32
        %ne3A_358 = arith.xori %lt3A_355, %lt3A_357 : i1
        %and3A_359 = arith.andi %ne3A_358, %ne3A_353 : i1
        %add3A_360 = arith.addi %rem3A_351, %select_n3A_350 : i32
        %select_n3A_361 = arith.select %and3A_359, %add3A_360, %rem3A_351 : i32
        %jit3A_362 = arith.constant 2 : i32
        %div3A_363 = arith.divsi %select_n3A_361, %jit3A_362 : i32
        %sign3A_364 = arith.constant 0 : i32
        %sign3A_365 = arith.cmpi sgt, %select_n3A_361, %sign3A_364 : i32
        %sign3A_366 = arith.extui %sign3A_365 : i1 to i32
        %sign3A_367 = arith.constant 0 : i32
        %sign3A_368 = arith.cmpi slt, %select_n3A_361, %sign3A_367 : i32
        %sign3A_369 = arith.extui %sign3A_368 : i1 to i32
        %sign3A_370 = arith.subi %sign3A_366, %sign3A_369 : i32
        %sign3A_371 = arith.constant 0 : i32
        %sign3A_372 = arith.cmpi sgt, %jit3A_362, %sign3A_371 : i32
        %sign3A_373 = arith.extui %sign3A_372 : i1 to i32
        %sign3A_374 = arith.constant 0 : i32
        %sign3A_375 = arith.cmpi slt, %jit3A_362, %sign3A_374 : i32
        %sign3A_376 = arith.extui %sign3A_375 : i1 to i32
        %sign3A_377 = arith.subi %sign3A_373, %sign3A_376 : i32
        %ne3A_378 = arith.cmpi ne, %sign3A_370, %sign3A_377 : i32
        %rem3A_379 = arith.remsi %select_n3A_361, %jit3A_362 : i32
        %ne3A_380 = arith.constant 0 : i32
        %ne3A_381 = arith.cmpi ne, %rem3A_379, %ne3A_380 : i32
        %and3A_382 = arith.andi %ne3A_378, %ne3A_381 : i1
        %sub3A_383 = arith.constant 1 : i32
        %sub3A_384 = arith.subi %div3A_363, %sub3A_383 : i32
        %select_n3A_385 = arith.select %and3A_382, %sub3A_384, %div3A_363 : i32
        %mul3A_386 = arith.constant 16384 : i32
        %mul3A_387 = arith.muli %select_n3A_345, %mul3A_386 : i32
        %add3A_388 = arith.addi %mul3A_387, %select_n3A_385 : i32
        %multiple_of3A_389 = tpu.assume_multiple %add3A_388, 256 : i32
        %add3A_390 = arith.constant 8192 : i32
        %add3A_391 = arith.addi %multiple_of3A_389, %add3A_390 : i32
        %dma_start3A_392 = arith.constant 0 : i32
        %dma_start3A_393 = tpu.memref_slice %arg9[%dma_start3A_392] : memref<512xi32, #tpu.memory_space<vmem>> -> memref<256xi32, #tpu.memory_space<vmem>>
        %dma_start3A_394 = tpu.memref_slice %arg4[%multiple_of3A_389] : memref<819200xi32, #tpu.memory_space<hbm>> -> memref<256xi32, #tpu.memory_space<hbm>>
        %dma_start3A_395 = arith.constant 0 : i32
        %dma_start3A_396 = tpu.memref_slice %arg9[%dma_start3A_395] : memref<512xi32, #tpu.memory_space<vmem>> -> memref<256xi32, #tpu.memory_space<vmem>>
        %dma_start3A_397 = tpu.memref_slice %arg4[%multiple_of3A_389] : memref<819200xi32, #tpu.memory_space<hbm>> -> memref<256xi32, #tpu.memory_space<hbm>>
        tpu.enqueue_dma source(%dma_start3A_397 : memref<256xi32, #tpu.memory_space<hbm>>) target(%dma_start3A_396 : memref<256xi32, #tpu.memory_space<vmem>>) target_semaphore(%arg13 : memref<!tpu.dma_semaphore, #tpu.memory_space<semaphore_mem>>)
        %dma_start3A_398 = arith.constant 256 : i32
        %dma_start3A_399 = tpu.memref_slice %arg9[%dma_start3A_398] : memref<512xi32, #tpu.memory_space<vmem>> -> memref<256xi32, #tpu.memory_space<vmem>>
        %dma_start3A_400 = tpu.memref_slice %arg4[%add3A_391] : memref<819200xi32, #tpu.memory_space<hbm>> -> memref<256xi32, #tpu.memory_space<hbm>>
        %dma_start3A_401 = arith.constant 256 : i32
        %dma_start3A_402 = tpu.memref_slice %arg9[%dma_start3A_401] : memref<512xi32, #tpu.memory_space<vmem>> -> memref<256xi32, #tpu.memory_space<vmem>>
        %dma_start3A_403 = tpu.memref_slice %arg4[%add3A_391] : memref<819200xi32, #tpu.memory_space<hbm>> -> memref<256xi32, #tpu.memory_space<hbm>>
        tpu.enqueue_dma source(%dma_start3A_403 : memref<256xi32, #tpu.memory_space<hbm>>) target(%dma_start3A_402 : memref<256xi32, #tpu.memory_space<vmem>>) target_semaphore(%arg13 : memref<!tpu.dma_semaphore, #tpu.memory_space<semaphore_mem>>)
      } else {
      }
      %add3A_310 = arith.constant 1 : i32
      %add3A_311 = arith.addi %mul3A_207, %add3A_310 : i32
      %lt3A_312 = arith.constant 50 : i32
      %lt3A_313 = arith.cmpi slt, %add3A_311, %lt3A_312 : i32
      %convert_element_type3A_314 = arith.extui %lt3A_313 : i1 to i32
      %cond3A_315 = arith.constant 0 : i32
      %cond3A_316 = arith.cmpi ne, %convert_element_type3A_314, %cond3A_315 : i32
      scf.if %cond3A_316 {
        %add3A_317 = arith.constant 1 : i32
        %add3A_318 = arith.addi %mul3A_207, %add3A_317 : i32
        %mul3A_319 = arith.constant 512 : i32
        %mul3A_320 = arith.muli %add3A_318, %mul3A_319 : i32
        %add3A_321 = arith.addi %mul3A_80, %mul3A_320 : i32
        %jit3A_322 = arith.constant 16384 : i32
        %div3A_323 = arith.divsi %add3A_321, %jit3A_322 : i32
        %sign3A_324 = arith.constant 0 : i32
        %sign3A_325 = arith.cmpi sgt, %add3A_321, %sign3A_324 : i32
        %sign3A_326 = arith.extui %sign3A_325 : i1 to i32
        %sign3A_327 = arith.constant 0 : i32
        %sign3A_328 = arith.cmpi slt, %add3A_321, %sign3A_327 : i32
        %sign3A_329 = arith.extui %sign3A_328 : i1 to i32
        %sign3A_330 = arith.subi %sign3A_326, %sign3A_329 : i32
        %sign3A_331 = arith.constant 0 : i32
        %sign3A_332 = arith.cmpi sgt, %jit3A_322, %sign3A_331 : i32
        %sign3A_333 = arith.extui %sign3A_332 : i1 to i32
        %sign3A_334 = arith.constant 0 : i32
        %sign3A_335 = arith.cmpi slt, %jit3A_322, %sign3A_334 : i32
        %sign3A_336 = arith.extui %sign3A_335 : i1 to i32
        %sign3A_337 = arith.subi %sign3A_333, %sign3A_336 : i32
        %ne3A_338 = arith.cmpi ne, %sign3A_330, %sign3A_337 : i32
        %rem3A_339 = arith.remsi %add3A_321, %jit3A_322 : i32
        %ne3A_340 = arith.constant 0 : i32
        %ne3A_341 = arith.cmpi ne, %rem3A_339, %ne3A_340 : i32
        %and3A_342 = arith.andi %ne3A_338, %ne3A_341 : i1
        %sub3A_343 = arith.constant 1 : i32
        %sub3A_344 = arith.subi %div3A_323, %sub3A_343 : i32
        %select_n3A_345 = arith.select %and3A_342, %sub3A_344, %div3A_323 : i32
        %jit3A_346 = arith.constant 16384 : i32
        %eq3A_347 = arith.constant 0 : i32
        %eq3A_348 = arith.cmpi eq, %jit3A_346, %eq3A_347 : i32
        %jit3A_349 = arith.constant 1 : i32
        %select_n3A_350 = arith.select %eq3A_348, %jit3A_349, %jit3A_346 : i32
        %rem3A_351 = arith.remsi %add3A_321, %select_n3A_350 : i32
        %ne3A_352 = arith.constant 0 : i32
        %ne3A_353 = arith.cmpi ne, %rem3A_351, %ne3A_352 : i32
        %lt3A_354 = arith.constant 0 : i32
        %lt3A_355 = arith.cmpi slt, %rem3A_351, %lt3A_354 : i32
        %lt3A_356 = arith.constant 0 : i32
        %lt3A_357 = arith.cmpi slt, %select_n3A_350, %lt3A_356 : i32
        %ne3A_358 = arith.xori %lt3A_355, %lt3A_357 : i1
        %and3A_359 = arith.andi %ne3A_358, %ne3A_353 : i1
        %add3A_360 = arith.addi %rem3A_351, %select_n3A_350 : i32
        %select_n3A_361 = arith.select %and3A_359, %add3A_360, %rem3A_351 : i32
        %jit3A_362 = arith.constant 2 : i32
        %div3A_363 = arith.divsi %select_n3A_361, %jit3A_362 : i32
        %sign3A_364 = arith.constant 0 : i32
        %sign3A_365 = arith.cmpi sgt, %select_n3A_361, %sign3A_364 : i32
        %sign3A_366 = arith.extui %sign3A_365 : i1 to i32
        %sign3A_367 = arith.constant 0 : i32
        %sign3A_368 = arith.cmpi slt, %select_n3A_361, %sign3A_367 : i32
        %sign3A_369 = arith.extui %sign3A_368 : i1 to i32
        %sign3A_370 = arith.subi %sign3A_366, %sign3A_369 : i32
        %sign3A_371 = arith.constant 0 : i32
        %sign3A_372 = arith.cmpi sgt, %jit3A_362, %sign3A_371 : i32
        %sign3A_373 = arith.extui %sign3A_372 : i1 to i32
        %sign3A_374 = arith.constant 0 : i32
        %sign3A_375 = arith.cmpi slt, %jit3A_362, %sign3A_374 : i32
        %sign3A_376 = arith.extui %sign3A_375 : i1 to i32
        %sign3A_377 = arith.subi %sign3A_373, %sign3A_376 : i32
        %ne3A_378 = arith.cmpi ne, %sign3A_370, %sign3A_377 : i32
        %rem3A_379 = arith.remsi %select_n3A_361, %jit3A_362 : i32
        %ne3A_380 = arith.constant 0 : i32
        %ne3A_381 = arith.cmpi ne, %rem3A_379, %ne3A_380 : i32
        %and3A_382 = arith.andi %ne3A_378, %ne3A_381 : i1
        %sub3A_383 = arith.constant 1 : i32
        %sub3A_384 = arith.subi %div3A_363, %sub3A_383 : i32
        %select_n3A_385 = arith.select %and3A_382, %sub3A_384, %div3A_363 : i32
        %mul3A_386 = arith.constant 16384 : i32
        %mul3A_387 = arith.muli %select_n3A_345, %mul3A_386 : i32
        %add3A_388 = arith.addi %mul3A_387, %select_n3A_385 : i32
        %multiple_of3A_389 = tpu.assume_multiple %add3A_388, 256 : i32
        %add3A_390 = arith.constant 8192 : i32
        %add3A_391 = arith.addi %multiple_of3A_389, %add3A_390 : i32
        %dma_wait3A_392 = arith.constant 0 : i32
        %dma_wait3A_393 = tpu.memref_slice %arg10[%dma_wait3A_392] : memref<512xi32, #tpu.memory_space<vmem>> -> memref<256xi32, #tpu.memory_space<vmem>>
        %dma_wait3A_394 = tpu.memref_slice %arg4[%multiple_of3A_389] : memref<819200xi32, #tpu.memory_space<hbm>> -> memref<256xi32, #tpu.memory_space<hbm>>
        %dma_wait3A_395 = arith.constant 0 : i32
        %dma_wait3A_396 = tpu.memref_slice %arg10[%dma_wait3A_395] : memref<512xi32, #tpu.memory_space<vmem>> -> memref<256xi32, #tpu.memory_space<vmem>>
        %dma_wait3A_397 = tpu.memref_slice %arg4[%multiple_of3A_389] : memref<819200xi32, #tpu.memory_space<hbm>> -> memref<256xi32, #tpu.memory_space<hbm>>
        tpu.wait_dma2 semaphore(%arg14 : memref<!tpu.dma_semaphore, #tpu.memory_space<semaphore_mem>>) src(%dma_wait3A_397 : memref<256xi32, #tpu.memory_space<hbm>>) dst(%dma_wait3A_396 : memref<256xi32, #tpu.memory_space<vmem>>)
        %dma_wait3A_398 = arith.constant 256 : i32
        %dma_wait3A_399 = tpu.memref_slice %arg10[%dma_wait3A_398] : memref<512xi32, #tpu.memory_space<vmem>> -> memref<256xi32, #tpu.memory_space<vmem>>
        %dma_wait3A_400 = tpu.memref_slice %arg4[%add3A_391] : memref<819200xi32, #tpu.memory_space<hbm>> -> memref<256xi32, #tpu.memory_space<hbm>>
        %dma_wait3A_401 = arith.constant 256 : i32
        %dma_wait3A_402 = tpu.memref_slice %arg10[%dma_wait3A_401] : memref<512xi32, #tpu.memory_space<vmem>> -> memref<256xi32, #tpu.memory_space<vmem>>
        %dma_wait3A_403 = tpu.memref_slice %arg4[%add3A_391] : memref<819200xi32, #tpu.memory_space<hbm>> -> memref<256xi32, #tpu.memory_space<hbm>>
        tpu.wait_dma2 semaphore(%arg14 : memref<!tpu.dma_semaphore, #tpu.memory_space<semaphore_mem>>) src(%dma_wait3A_403 : memref<256xi32, #tpu.memory_space<hbm>>) dst(%dma_wait3A_402 : memref<256xi32, #tpu.memory_space<vmem>>)
        %add3A_404 = arith.constant 1 : i32
        %add3A_405 = arith.addi %mul3A_207, %add3A_404 : i32
        %scan3A_406 = arith.constant 0 : i32
        %scan3A_407 = arith.constant 16 : i32
        %scan3A_408 = arith.addi %scan3A_406, %scan3A_407 : i32
        %scan3A_409 = arith.constant 1 : i32
        scf.for %scan3A_411 = %scan3A_406 to %scan3A_408 step %scan3A_409  : i32 {
          %mul3A_412 = arith.constant 16 : i32
          %mul3A_413 = arith.muli %scan3A_411, %mul3A_412 : i32
          %multiple_of3A_414 = tpu.assume_multiple %mul3A_413, 16 : i32
          %iota3A = tpu.iota {dimensions = array<i32: 0>} : vector<16xi32>
          %get3A = arith.index_cast %multiple_of3A_414 : i32 to index
          %get3A_415 = tpu.vector_load %arg10[%get3A] {strides = array<i32>} : memref<512xi32, #tpu.memory_space<vmem>>, vector<16xi32>,
          %and3A_416 = arith.constant -16384 : i32
          %and3A_417 = vector.broadcast %and3A_416 : i32 to vector<16xi32>
          %and3A_418 = arith.andi %get3A_415, %and3A_417 : vector<16xi32>
          %and3A_419 = arith.constant 16383 : i32
          %and3A_420 = vector.broadcast %and3A_419 : i32 to vector<16xi32>
          %and3A_421 = arith.andi %get3A_415, %and3A_420 : vector<16xi32>
          %and3A_422 = arith.constant 8191 : i32
          %and3A_423 = vector.broadcast %and3A_422 : i32 to vector<16xi32>
          %and3A_424 = arith.andi %and3A_421, %and3A_423 : vector<16xi32>
          %shift_right_arithmetic3A = arith.constant 13 : i32
          %shift_right_arithmetic3A_425 = vector.broadcast %shift_right_arithmetic3A : i32 to vector<16xi32>
          %shift_right_arithmetic3A_426 = arith.shrsi %and3A_421, %shift_right_arithmetic3A_425 : vector<16xi32>
          %mul3A_427 = arith.constant 2 : i32
          %mul3A_428 = vector.broadcast %mul3A_427 : i32 to vector<16xi32>
          %mul3A_429 = arith.muli %mul3A_428, %and3A_424 : vector<16xi32>
          %add3A_430 = arith.addi %and3A_418, %mul3A_429 : vector<16xi32>
          %add3A_431 = arith.addi %add3A_430, %shift_right_arithmetic3A_426 : vector<16xi32>
          %add3A_432 = arith.constant 256 : i32
          %add3A_433 = arith.addi %add3A_432, %multiple_of3A_414 : i32
          %get3A_434 = arith.index_cast %add3A_433 : i32 to index
          %get3A_435 = tpu.vector_load %arg10[%get3A_434] {strides = array<i32>} : memref<512xi32, #tpu.memory_space<vmem>>, vector<16xi32>,
          %and3A_436 = arith.constant -16384 : i32
          %and3A_437 = vector.broadcast %and3A_436 : i32 to vector<16xi32>
          %and3A_438 = arith.andi %get3A_435, %and3A_437 : vector<16xi32>
          %and3A_439 = arith.constant 16383 : i32
          %and3A_440 = vector.broadcast %and3A_439 : i32 to vector<16xi32>
          %and3A_441 = arith.andi %get3A_435, %and3A_440 : vector<16xi32>
          %and3A_442 = arith.constant 8191 : i32
          %and3A_443 = vector.broadcast %and3A_442 : i32 to vector<16xi32>
          %and3A_444 = arith.andi %and3A_441, %and3A_443 : vector<16xi32>
          %shift_right_arithmetic3A_445 = arith.constant 13 : i32
          %shift_right_arithmetic3A_446 = vector.broadcast %shift_right_arithmetic3A_445 : i32 to vector<16xi32>
          %shift_right_arithmetic3A_447 = arith.shrsi %and3A_441, %shift_right_arithmetic3A_446 : vector<16xi32>
          %mul3A_448 = arith.constant 2 : i32
          %mul3A_449 = vector.broadcast %mul3A_448 : i32 to vector<16xi32>
          %mul3A_450 = arith.muli %mul3A_449, %and3A_444 : vector<16xi32>
          %add3A_451 = arith.addi %and3A_438, %mul3A_450 : vector<16xi32>
          %add3A_452 = arith.addi %add3A_451, %shift_right_arithmetic3A_447 : vector<16xi32>
          %mul3A_453 = arith.constant 512 : i32
          %mul3A_454 = arith.muli %add3A_405, %mul3A_453 : i32
          %add3A_455 = vector.broadcast %multiple_of3A_414 : i32 to vector<16xi32>
          %add3A_456 = arith.addi %add3A_455, %iota3A : vector<16xi32>
          %mul3A_457 = arith.constant 2 : i32
          %mul3A_458 = vector.broadcast %mul3A_457 : i32 to vector<16xi32>
          %mul3A_459 = arith.muli %mul3A_458, %add3A_456 : vector<16xi32>
          %add3A_460 = vector.broadcast %mul3A_454 : i32 to vector<16xi32>
          %add3A_461 = arith.addi %add3A_460, %mul3A_459 : vector<16xi32>
          tpu.vector_store_idx %arg8[%add3A_461], %add3A_431 : memref<25600xi32, #tpu.memory_space<vmem>>[vector<16xi32>], vector<16xi32>,
          %add3A_462 = arith.constant 1 : i32
          %add3A_463 = vector.broadcast %add3A_462 : i32 to vector<16xi32>
          %add3A_464 = arith.addi %add3A_461, %add3A_463 : vector<16xi32>
          tpu.vector_store_idx %arg8[%add3A_464], %add3A_452 : memref<25600xi32, #tpu.memory_space<vmem>>[vector<16xi32>], vector<16xi32>,
        }
        %scan3A_410 = arith.constant 16 : i32
      } else {
      }
    }
    %scan3A_169 = arith.constant 25 : i32
    %mul3A_170 = arith.constant 5120 : i32
    %mul3A_171 = arith.muli %add3A, %mul3A_170 : i32
    %dma_start3A_172 = arith.constant 0 : i32
    %dma_start3A_173 = tpu.memref_slice %arg7[%dma_start3A_172] : memref<5120xi32, #tpu.memory_space<vmem>> -> memref<512xi32, #tpu.memory_space<vmem>>
    %dma_start3A_174 = arith.constant 0 : i32
    %dma_start3A_175 = arith.constant 0 : i32
    %dma_start3A_176 = tpu.memref_slice %arg2[%dma_start3A_174, %dma_start3A_175] : memref<1015808x64xf32, #tpu.memory_space<hbm>> -> memref<1015808x64xf32, #tpu.memory_space<hbm>>
    tpu.enqueue_indirect_dma source(%dma_start3A_176 : memref<1015808x64xf32, #tpu.memory_space<hbm>>) target(%arg11 : memref<512x64xf32, #tpu.memory_space<vmem>>) offsets(%dma_start3A_173 : memref<512xi32, #tpu.memory_space<vmem>>) semaphore(%arg13 : memref<!tpu.dma_semaphore, #tpu.memory_space<semaphore_mem>>)
    %scan3A_177 = arith.constant 0 : i32
    %scan3A_178 = arith.constant 5 : i32
    %scan3A_179 = arith.addi %scan3A_177, %scan3A_178 : i32
    %scan3A_180 = arith.constant 1 : i32
    scf.for %scan3A_205 = %scan3A_177 to %scan3A_179 step %scan3A_180  : i32 {
      %mul3A_206 = arith.constant 2 : i32
      %mul3A_207 = arith.muli %mul3A_206, %scan3A_205 : i32
      %add3A_208 = arith.constant 1 : i32
      %add3A_209 = arith.addi %mul3A_207, %add3A_208 : i32
      %mul3A_210 = arith.constant 512 : i32
      %mul3A_211 = arith.muli %add3A_209, %mul3A_210 : i32
      %dma_start3A_212 = tpu.memref_slice %arg7[%mul3A_211] : memref<5120xi32, #tpu.memory_space<vmem>> -> memref<512xi32, #tpu.memory_space<vmem>>
      %dma_start3A_213 = arith.constant 0 : i32
      %dma_start3A_214 = arith.constant 0 : i32
      %dma_start3A_215 = tpu.memref_slice %arg2[%dma_start3A_213, %dma_start3A_214] : memref<1015808x64xf32, #tpu.memory_space<hbm>> -> memref<1015808x64xf32, #tpu.memory_space<hbm>>
      tpu.enqueue_indirect_dma source(%dma_start3A_215 : memref<1015808x64xf32, #tpu.memory_space<hbm>>) target(%arg12 : memref<512x64xf32, #tpu.memory_space<vmem>>) offsets(%dma_start3A_212 : memref<512xi32, #tpu.memory_space<vmem>>) semaphore(%arg14 : memref<!tpu.dma_semaphore, #tpu.memory_space<semaphore_mem>>)
      %mul3A_216 = arith.constant 512 : i32
      %mul3A_217 = arith.muli %mul3A_207, %mul3A_216 : i32
      %dma_wait3A_218 = tpu.memref_slice %arg7[%mul3A_217] : memref<5120xi32, #tpu.memory_space<vmem>> -> memref<512xi32, #tpu.memory_space<vmem>>
      %dma_wait3A_219 = arith.constant 0 : i32
      %dma_wait3A_220 = arith.constant 0 : i32
      %dma_wait3A_221 = tpu.memref_slice %arg2[%dma_wait3A_219, %dma_wait3A_220] : memref<1015808x64xf32, #tpu.memory_space<hbm>> -> memref<1015808x64xf32, #tpu.memory_space<hbm>>
      tpu.wait_indirect_dma semaphore(%arg13 : memref<!tpu.dma_semaphore, #tpu.memory_space<semaphore_mem>>) src(%dma_wait3A_221 : memref<1015808x64xf32, #tpu.memory_space<hbm>>) dst(%arg11 : memref<512x64xf32, #tpu.memory_space<vmem>>)
      %mul3A_222 = arith.constant 512 : i32
      %mul3A_223 = arith.muli %mul3A_207, %mul3A_222 : i32
      %add3A_224 = arith.addi %mul3A_171, %mul3A_223 : i32
      %dma_start3A_225 = arith.constant 0 : i32
      %dma_start3A_226 = tpu.memref_slice %arg5[%add3A_224, %dma_start3A_225] : memref<163840x64xf32, #tpu.memory_space<hbm>> -> memref<512x64xf32, #tpu.memory_space<hbm>>
      %dma_start3A_227 = arith.constant 0 : i32
      %dma_start3A_228 = tpu.memref_slice %arg5[%add3A_224, %dma_start3A_227] : memref<163840x64xf32, #tpu.memory_space<hbm>> -> memref<512x64xf32, #tpu.memory_space<hbm>>
      tpu.enqueue_dma source(%arg11 : memref<512x64xf32, #tpu.memory_space<vmem>>) target(%dma_start3A_228 : memref<512x64xf32, #tpu.memory_space<hbm>>) target_semaphore(%arg15 : memref<!tpu.dma_semaphore, #tpu.memory_space<semaphore_mem>>)
      %add3A_229 = arith.constant 2 : i32
      %add3A_230 = arith.addi %mul3A_207, %add3A_229 : i32
      %lt3A_231 = arith.constant 10 : i32
      %lt3A_232 = arith.cmpi slt, %add3A_230, %lt3A_231 : i32
      %convert_element_type3A = arith.extui %lt3A_232 : i1 to i32
      %cond3A = arith.constant 0 : i32
      %cond3A_233 = arith.cmpi ne, %convert_element_type3A, %cond3A : i32
      scf.if %cond3A_233 {
        %mul3A_260 = arith.constant 512 : i32
        %mul3A_261 = arith.muli %mul3A_207, %mul3A_260 : i32
        %add3A_262 = arith.addi %mul3A_171, %mul3A_261 : i32
        %dma_wait3A_263 = arith.constant 0 : i32
        %dma_wait3A_264 = tpu.memref_slice %arg5[%add3A_262, %dma_wait3A_263] : memref<163840x64xf32, #tpu.memory_space<hbm>> -> memref<512x64xf32, #tpu.memory_space<hbm>>
        %dma_wait3A_265 = arith.constant 0 : i32
        %dma_wait3A_266 = tpu.memref_slice %arg5[%add3A_262, %dma_wait3A_265] : memref<163840x64xf32, #tpu.memory_space<hbm>> -> memref<512x64xf32, #tpu.memory_space<hbm>>
        tpu.wait_dma2 semaphore(%arg15 : memref<!tpu.dma_semaphore, #tpu.memory_space<semaphore_mem>>) src(%arg11 : memref<512x64xf32, #tpu.memory_space<vmem>>) dst(%dma_wait3A_266 : memref<512x64xf32, #tpu.memory_space<hbm>>)
        %add3A_267 = arith.constant 2 : i32
        %add3A_268 = arith.addi %mul3A_207, %add3A_267 : i32
        %mul3A_269 = arith.constant 512 : i32
        %mul3A_270 = arith.muli %add3A_268, %mul3A_269 : i32
        %dma_start3A_271 = tpu.memref_slice %arg7[%mul3A_270] : memref<5120xi32, #tpu.memory_space<vmem>> -> memref<512xi32, #tpu.memory_space<vmem>>
        %dma_start3A_272 = arith.constant 0 : i32
        %dma_start3A_273 = arith.constant 0 : i32
        %dma_start3A_274 = tpu.memref_slice %arg2[%dma_start3A_272, %dma_start3A_273] : memref<1015808x64xf32, #tpu.memory_space<hbm>> -> memref<1015808x64xf32, #tpu.memory_space<hbm>>
        tpu.enqueue_indirect_dma source(%dma_start3A_274 : memref<1015808x64xf32, #tpu.memory_space<hbm>>) target(%arg11 : memref<512x64xf32, #tpu.memory_space<vmem>>) offsets(%dma_start3A_271 : memref<512xi32, #tpu.memory_space<vmem>>) semaphore(%arg13 : memref<!tpu.dma_semaphore, #tpu.memory_space<semaphore_mem>>)
      } else {
      }
      %add3A_234 = arith.constant 1 : i32
      %add3A_235 = arith.addi %mul3A_207, %add3A_234 : i32
      %mul3A_236 = arith.constant 512 : i32
      %mul3A_237 = arith.muli %add3A_235, %mul3A_236 : i32
      %dma_wait3A_238 = tpu.memref_slice %arg7[%mul3A_237] : memref<5120xi32, #tpu.memory_space<vmem>> -> memref<512xi32, #tpu.memory_space<vmem>>
      %dma_wait3A_239 = arith.constant 0 : i32
      %dma_wait3A_240 = arith.constant 0 : i32
      %dma_wait3A_241 = tpu.memref_slice %arg2[%dma_wait3A_239, %dma_wait3A_240] : memref<1015808x64xf32, #tpu.memory_space<hbm>> -> memref<1015808x64xf32, #tpu.memory_space<hbm>>
      tpu.wait_indirect_dma semaphore(%arg14 : memref<!tpu.dma_semaphore, #tpu.memory_space<semaphore_mem>>) src(%dma_wait3A_241 : memref<1015808x64xf32, #tpu.memory_space<hbm>>) dst(%arg12 : memref<512x64xf32, #tpu.memory_space<vmem>>)
      %add3A_242 = arith.constant 1 : i32
      %add3A_243 = arith.addi %mul3A_207, %add3A_242 : i32
      %mul3A_244 = arith.constant 512 : i32
      %mul3A_245 = arith.muli %add3A_243, %mul3A_244 : i32
      %add3A_246 = arith.addi %mul3A_171, %mul3A_245 : i32
      %dma_start3A_247 = arith.constant 0 : i32
      %dma_start3A_248 = tpu.memref_slice %arg5[%add3A_246, %dma_start3A_247] : memref<163840x64xf32, #tpu.memory_space<hbm>> -> memref<512x64xf32, #tpu.memory_space<hbm>>
      %dma_start3A_249 = arith.constant 0 : i32
      %dma_start3A_250 = tpu.memref_slice %arg5[%add3A_246, %dma_start3A_249] : memref<163840x64xf32, #tpu.memory_space<hbm>> -> memref<512x64xf32, #tpu.memory_space<hbm>>
      tpu.enqueue_dma source(%arg12 : memref<512x64xf32, #tpu.memory_space<vmem>>) target(%dma_start3A_250 : memref<512x64xf32, #tpu.memory_space<hbm>>) target_semaphore(%arg16 : memref<!tpu.dma_semaphore, #tpu.memory_space<semaphore_mem>>)
      %add3A_251 = arith.constant 1 : i32
      %add3A_252 = arith.addi %mul3A_207, %add3A_251 : i32
      %mul3A_253 = arith.constant 512 : i32
      %mul3A_254 = arith.muli %add3A_252, %mul3A_253 : i32
      %add3A_255 = arith.addi %mul3A_171, %mul3A_254 : i32
      %dma_wait3A_256 = arith.constant 0 : i32
      %dma_wait3A_257 = tpu.memref_slice %arg5[%add3A_255, %dma_wait3A_256] : memref<163840x64xf32, #tpu.memory_space<hbm>> -> memref<512x64xf32, #tpu.memory_space<hbm>>
      %dma_wait3A_258 = arith.constant 0 : i32
      %dma_wait3A_259 = tpu.memref_slice %arg5[%add3A_255, %dma_wait3A_258] : memref<163840x64xf32, #tpu.memory_space<hbm>> -> memref<512x64xf32, #tpu.memory_space<hbm>>
      tpu.wait_dma2 semaphore(%arg16 : memref<!tpu.dma_semaphore, #tpu.memory_space<semaphore_mem>>) src(%arg12 : memref<512x64xf32, #tpu.memory_space<vmem>>) dst(%dma_wait3A_259 : memref<512x64xf32, #tpu.memory_space<hbm>>)
    }
    %scan3A_181 = arith.constant 5 : i32
    %add3A_182 = arith.constant 4096 : i32
    %add3A_183 = arith.addi %mul3A_171, %add3A_182 : i32
    %dma_wait3A = arith.constant 0 : i32
    %dma_wait3A_184 = tpu.memref_slice %arg5[%add3A_183, %dma_wait3A] : memref<163840x64xf32, #tpu.memory_space<hbm>> -> memref<512x64xf32, #tpu.memory_space<hbm>>
    %dma_wait3A_185 = arith.constant 0 : i32
    %dma_wait3A_186 = tpu.memref_slice %arg5[%add3A_183, %dma_wait3A_185] : memref<163840x64xf32, #tpu.memory_space<hbm>> -> memref<512x64xf32, #tpu.memory_space<hbm>>
    tpu.wait_dma2 semaphore(%arg15 : memref<!tpu.dma_semaphore, #tpu.memory_space<semaphore_mem>>) src(%arg11 : memref<512x64xf32, #tpu.memory_space<vmem>>) dst(%dma_wait3A_186 : memref<512x64xf32, #tpu.memory_space<hbm>>)
    %mul3A_187 = arith.constant 25600 : i32
    %mul3A_188 = arith.muli %add3A, %mul3A_187 : i32
    %dma_start3A_189 = arith.constant 0 : i32
    %dma_start3A_190 = tpu.memref_slice %arg8[%dma_start3A_189] : memref<25600xi32, #tpu.memory_space<vmem>> -> memref<512xi32, #tpu.memory_space<vmem>>
    %dma_start3A_191 = arith.constant 0 : i32
    %dma_start3A_192 = arith.constant 0 : i32
    %dma_start3A_193 = tpu.memref_slice %arg2[%dma_start3A_191, %dma_start3A_192] : memref<1015808x64xf32, #tpu.memory_space<hbm>> -> memref<1015808x64xf32, #tpu.memory_space<hbm>>
    tpu.enqueue_indirect_dma source(%dma_start3A_193 : memref<1015808x64xf32, #tpu.memory_space<hbm>>) target(%arg11 : memref<512x64xf32, #tpu.memory_space<vmem>>) offsets(%dma_start3A_190 : memref<512xi32, #tpu.memory_space<vmem>>) semaphore(%arg13 : memref<!tpu.dma_semaphore, #tpu.memory_space<semaphore_mem>>)
    %scan3A_194 = arith.constant 0 : i32
    %scan3A_195 = arith.constant 25 : i32
    %scan3A_196 = arith.addi %scan3A_194, %scan3A_195 : i32
    %scan3A_197 = arith.constant 1 : i32
    scf.for %scan3A_205 = %scan3A_194 to %scan3A_196 step %scan3A_197  : i32 {
      %mul3A_206 = arith.constant 2 : i32
      %mul3A_207 = arith.muli %mul3A_206, %scan3A_205 : i32
      %add3A_208 = arith.constant 1 : i32
      %add3A_209 = arith.addi %mul3A_207, %add3A_208 : i32
      %mul3A_210 = arith.constant 512 : i32
      %mul3A_211 = arith.muli %add3A_209, %mul3A_210 : i32
      %dma_start3A_212 = tpu.memref_slice %arg8[%mul3A_211] : memref<25600xi32, #tpu.memory_space<vmem>> -> memref<512xi32, #tpu.memory_space<vmem>>
      %dma_start3A_213 = arith.constant 0 : i32
      %dma_start3A_214 = arith.constant 0 : i32
      %dma_start3A_215 = tpu.memref_slice %arg2[%dma_start3A_213, %dma_start3A_214] : memref<1015808x64xf32, #tpu.memory_space<hbm>> -> memref<1015808x64xf32, #tpu.memory_space<hbm>>
      tpu.enqueue_indirect_dma source(%dma_start3A_215 : memref<1015808x64xf32, #tpu.memory_space<hbm>>) target(%arg12 : memref<512x64xf32, #tpu.memory_space<vmem>>) offsets(%dma_start3A_212 : memref<512xi32, #tpu.memory_space<vmem>>) semaphore(%arg14 : memref<!tpu.dma_semaphore, #tpu.memory_space<semaphore_mem>>)
      %mul3A_216 = arith.constant 512 : i32
      %mul3A_217 = arith.muli %mul3A_207, %mul3A_216 : i32
      %dma_wait3A_218 = tpu.memref_slice %arg8[%mul3A_217] : memref<25600xi32, #tpu.memory_space<vmem>> -> memref<512xi32, #tpu.memory_space<vmem>>
      %dma_wait3A_219 = arith.constant 0 : i32
      %dma_wait3A_220 = arith.constant 0 : i32
      %dma_wait3A_221 = tpu.memref_slice %arg2[%dma_wait3A_219, %dma_wait3A_220] : memref<1015808x64xf32, #tpu.memory_space<hbm>> -> memref<1015808x64xf32, #tpu.memory_space<hbm>>
      tpu.wait_indirect_dma semaphore(%arg13 : memref<!tpu.dma_semaphore, #tpu.memory_space<semaphore_mem>>) src(%dma_wait3A_221 : memref<1015808x64xf32, #tpu.memory_space<hbm>>) dst(%arg11 : memref<512x64xf32, #tpu.memory_space<vmem>>)
      %mul3A_222 = arith.constant 512 : i32
      %mul3A_223 = arith.muli %mul3A_207, %mul3A_222 : i32
      %add3A_224 = arith.addi %mul3A_188, %mul3A_223 : i32
      %dma_start3A_225 = arith.constant 0 : i32
      %dma_start3A_226 = tpu.memref_slice %arg6[%add3A_224, %dma_start3A_225] : memref<819200x64xf32, #tpu.memory_space<hbm>> -> memref<512x64xf32, #tpu.memory_space<hbm>>
      %dma_start3A_227 = arith.constant 0 : i32
      %dma_start3A_228 = tpu.memref_slice %arg6[%add3A_224, %dma_start3A_227] : memref<819200x64xf32, #tpu.memory_space<hbm>> -> memref<512x64xf32, #tpu.memory_space<hbm>>
      tpu.enqueue_dma source(%arg11 : memref<512x64xf32, #tpu.memory_space<vmem>>) target(%dma_start3A_228 : memref<512x64xf32, #tpu.memory_space<hbm>>) target_semaphore(%arg15 : memref<!tpu.dma_semaphore, #tpu.memory_space<semaphore_mem>>)
      %add3A_229 = arith.constant 2 : i32
      %add3A_230 = arith.addi %mul3A_207, %add3A_229 : i32
      %lt3A_231 = arith.constant 50 : i32
      %lt3A_232 = arith.cmpi slt, %add3A_230, %lt3A_231 : i32
      %convert_element_type3A = arith.extui %lt3A_232 : i1 to i32
      %cond3A = arith.constant 0 : i32
      %cond3A_233 = arith.cmpi ne, %convert_element_type3A, %cond3A : i32
      scf.if %cond3A_233 {
        %mul3A_260 = arith.constant 512 : i32
        %mul3A_261 = arith.muli %mul3A_207, %mul3A_260 : i32
        %add3A_262 = arith.addi %mul3A_188, %mul3A_261 : i32
        %dma_wait3A_263 = arith.constant 0 : i32
        %dma_wait3A_264 = tpu.memref_slice %arg6[%add3A_262, %dma_wait3A_263] : memref<819200x64xf32, #tpu.memory_space<hbm>> -> memref<512x64xf32, #tpu.memory_space<hbm>>
        %dma_wait3A_265 = arith.constant 0 : i32
        %dma_wait3A_266 = tpu.memref_slice %arg6[%add3A_262, %dma_wait3A_265] : memref<819200x64xf32, #tpu.memory_space<hbm>> -> memref<512x64xf32, #tpu.memory_space<hbm>>
        tpu.wait_dma2 semaphore(%arg15 : memref<!tpu.dma_semaphore, #tpu.memory_space<semaphore_mem>>) src(%arg11 : memref<512x64xf32, #tpu.memory_space<vmem>>) dst(%dma_wait3A_266 : memref<512x64xf32, #tpu.memory_space<hbm>>)
        %add3A_267 = arith.constant 2 : i32
        %add3A_268 = arith.addi %mul3A_207, %add3A_267 : i32
        %mul3A_269 = arith.constant 512 : i32
        %mul3A_270 = arith.muli %add3A_268, %mul3A_269 : i32
        %dma_start3A_271 = tpu.memref_slice %arg8[%mul3A_270] : memref<25600xi32, #tpu.memory_space<vmem>> -> memref<512xi32, #tpu.memory_space<vmem>>
        %dma_start3A_272 = arith.constant 0 : i32
        %dma_start3A_273 = arith.constant 0 : i32
        %dma_start3A_274 = tpu.memref_slice %arg2[%dma_start3A_272, %dma_start3A_273] : memref<1015808x64xf32, #tpu.memory_space<hbm>> -> memref<1015808x64xf32, #tpu.memory_space<hbm>>
        tpu.enqueue_indirect_dma source(%dma_start3A_274 : memref<1015808x64xf32, #tpu.memory_space<hbm>>) target(%arg11 : memref<512x64xf32, #tpu.memory_space<vmem>>) offsets(%dma_start3A_271 : memref<512xi32, #tpu.memory_space<vmem>>) semaphore(%arg13 : memref<!tpu.dma_semaphore, #tpu.memory_space<semaphore_mem>>)
      } else {
      }
      %add3A_234 = arith.constant 1 : i32
      %add3A_235 = arith.addi %mul3A_207, %add3A_234 : i32
      %mul3A_236 = arith.constant 512 : i32
      %mul3A_237 = arith.muli %add3A_235, %mul3A_236 : i32
      %dma_wait3A_238 = tpu.memref_slice %arg8[%mul3A_237] : memref<25600xi32, #tpu.memory_space<vmem>> -> memref<512xi32, #tpu.memory_space<vmem>>
      %dma_wait3A_239 = arith.constant 0 : i32
      %dma_wait3A_240 = arith.constant 0 : i32
      %dma_wait3A_241 = tpu.memref_slice %arg2[%dma_wait3A_239, %dma_wait3A_240] : memref<1015808x64xf32, #tpu.memory_space<hbm>> -> memref<1015808x64xf32, #tpu.memory_space<hbm>>
      tpu.wait_indirect_dma semaphore(%arg14 : memref<!tpu.dma_semaphore, #tpu.memory_space<semaphore_mem>>) src(%dma_wait3A_241 : memref<1015808x64xf32, #tpu.memory_space<hbm>>) dst(%arg12 : memref<512x64xf32, #tpu.memory_space<vmem>>)
      %add3A_242 = arith.constant 1 : i32
      %add3A_243 = arith.addi %mul3A_207, %add3A_242 : i32
      %mul3A_244 = arith.constant 512 : i32
      %mul3A_245 = arith.muli %add3A_243, %mul3A_244 : i32
      %add3A_246 = arith.addi %mul3A_188, %mul3A_245 : i32
      %dma_start3A_247 = arith.constant 0 : i32
      %dma_start3A_248 = tpu.memref_slice %arg6[%add3A_246, %dma_start3A_247] : memref<819200x64xf32, #tpu.memory_space<hbm>> -> memref<512x64xf32, #tpu.memory_space<hbm>>
      %dma_start3A_249 = arith.constant 0 : i32
      %dma_start3A_250 = tpu.memref_slice %arg6[%add3A_246, %dma_start3A_249] : memref<819200x64xf32, #tpu.memory_space<hbm>> -> memref<512x64xf32, #tpu.memory_space<hbm>>
      tpu.enqueue_dma source(%arg12 : memref<512x64xf32, #tpu.memory_space<vmem>>) target(%dma_start3A_250 : memref<512x64xf32, #tpu.memory_space<hbm>>) target_semaphore(%arg16 : memref<!tpu.dma_semaphore, #tpu.memory_space<semaphore_mem>>)
      %add3A_251 = arith.constant 1 : i32
      %add3A_252 = arith.addi %mul3A_207, %add3A_251 : i32
      %mul3A_253 = arith.constant 512 : i32
      %mul3A_254 = arith.muli %add3A_252, %mul3A_253 : i32
      %add3A_255 = arith.addi %mul3A_188, %mul3A_254 : i32
      %dma_wait3A_256 = arith.constant 0 : i32
      %dma_wait3A_257 = tpu.memref_slice %arg6[%add3A_255, %dma_wait3A_256] : memref<819200x64xf32, #tpu.memory_space<hbm>> -> memref<512x64xf32, #tpu.memory_space<hbm>>
      %dma_wait3A_258 = arith.constant 0 : i32
      %dma_wait3A_259 = tpu.memref_slice %arg6[%add3A_255, %dma_wait3A_258] : memref<819200x64xf32, #tpu.memory_space<hbm>> -> memref<512x64xf32, #tpu.memory_space<hbm>>
      tpu.wait_dma2 semaphore(%arg16 : memref<!tpu.dma_semaphore, #tpu.memory_space<semaphore_mem>>) src(%arg12 : memref<512x64xf32, #tpu.memory_space<vmem>>) dst(%dma_wait3A_259 : memref<512x64xf32, #tpu.memory_space<hbm>>)
    }
    %scan3A_198 = arith.constant 25 : i32
    %add3A_199 = arith.constant 24576 : i32
    %add3A_200 = arith.addi %mul3A_188, %add3A_199 : i32
    %dma_wait3A_201 = arith.constant 0 : i32
    %dma_wait3A_202 = tpu.memref_slice %arg6[%add3A_200, %dma_wait3A_201] : memref<819200x64xf32, #tpu.memory_space<hbm>> -> memref<512x64xf32, #tpu.memory_space<hbm>>
    %dma_wait3A_203 = arith.constant 0 : i32
    %dma_wait3A_204 = tpu.memref_slice %arg6[%add3A_200, %dma_wait3A_203] : memref<819200x64xf32, #tpu.memory_space<hbm>> -> memref<512x64xf32, #tpu.memory_space<hbm>>
    tpu.wait_dma2 semaphore(%arg15 : memref<!tpu.dma_semaphore, #tpu.memory_space<semaphore_mem>>) src(%arg11 : memref<512x64xf32, #tpu.memory_space<vmem>>) dst(%dma_wait3A_204 : memref<512x64xf32, #tpu.memory_space<hbm>>)
    return
  }
}

#map = affine_map<(d0, d1) -> (0, 0)>
#map1 = affine_map<(d0, d1) -> (0)>
module attributes {stable_mosaic.version = 14 : i64} {
  func.func @_body_in(%arg0: i32, %arg1: i32, %arg2: memref<1015808x64xf32, #tpu.memory_space<hbm>>, %arg3: memref<16384xi32, #tpu.memory_space<hbm>>, %arg4: memref<16384x64xf32, #tpu.memory_space<hbm>>, %arg5: memref<512xi32, #tpu.memory_space<vmem>>, %arg6: memref<512xi32, #tpu.memory_space<vmem>>, %arg7: memref<512xi32, #tpu.memory_space<vmem>>, %arg8: memref<512x64xf32, #tpu.memory_space<vmem>>, %arg9: memref<512x64xf32, #tpu.memory_space<vmem>>, %arg10: memref<!tpu.dma_semaphore, #tpu.memory_space<semaphore_mem>>, %arg11: memref<!tpu.dma_semaphore, #tpu.memory_space<semaphore_mem>>, %arg12: memref<!tpu.dma_semaphore, #tpu.memory_space<semaphore_mem>>, %arg13: memref<!tpu.dma_semaphore, #tpu.memory_space<semaphore_mem>>) attributes {dimension_semantics = [#tpu.dimension_semantics<core_parallel>, #tpu.dimension_semantics<subcore_parallel>], iteration_bounds = array<i64: 2, 16>, scalar_prefetch = 0 : i64, scratch_operands = 9 : i64, tpu.core_type = #tpu.core_type<sc_vector_subcore>, window_params = [{transform_indices = #map}, {transform_indices = #map1}, {transform_indices = #map}]} {
    %mul3A = arith.constant 2 : i32
    %mul3A_0 = arith.muli %arg1, %mul3A : i32
    %add3A = arith.addi %mul3A_0, %arg0 : i32
    %mul3A_1 = arith.constant 512 : i32
    %mul3A_2 = arith.muli %add3A, %mul3A_1 : i32
    %add3A_3 = arith.constant 0 : i32
    %add3A_4 = arith.addi %mul3A_2, %add3A_3 : i32
    %jit3A = arith.constant 16384 : i32
    %div3A = arith.divsi %add3A_4, %jit3A : i32
    %sign3A = arith.constant 0 : i32
    %sign3A_5 = arith.cmpi sgt, %add3A_4, %sign3A : i32
    %sign3A_6 = arith.extui %sign3A_5 : i1 to i32
    %sign3A_7 = arith.constant 0 : i32
    %sign3A_8 = arith.cmpi slt, %add3A_4, %sign3A_7 : i32
    %sign3A_9 = arith.extui %sign3A_8 : i1 to i32
    %sign3A_10 = arith.subi %sign3A_6, %sign3A_9 : i32
    %sign3A_11 = arith.constant 0 : i32
    %sign3A_12 = arith.cmpi sgt, %jit3A, %sign3A_11 : i32
    %sign3A_13 = arith.extui %sign3A_12 : i1 to i32
    %sign3A_14 = arith.constant 0 : i32
    %sign3A_15 = arith.cmpi slt, %jit3A, %sign3A_14 : i32
    %sign3A_16 = arith.extui %sign3A_15 : i1 to i32
    %sign3A_17 = arith.subi %sign3A_13, %sign3A_16 : i32
    %ne3A = arith.cmpi ne, %sign3A_10, %sign3A_17 : i32
    %rem3A = arith.remsi %add3A_4, %jit3A : i32
    %ne3A_18 = arith.constant 0 : i32
    %ne3A_19 = arith.cmpi ne, %rem3A, %ne3A_18 : i32
    %and3A = arith.andi %ne3A, %ne3A_19 : i1
    %sub3A = arith.constant 1 : i32
    %sub3A_20 = arith.subi %div3A, %sub3A : i32
    %select_n3A = arith.select %and3A, %sub3A_20, %div3A : i32
    %jit3A_21 = arith.constant 16384 : i32
    %eq3A = arith.constant 0 : i32
    %eq3A_22 = arith.cmpi eq, %jit3A_21, %eq3A : i32
    %jit3A_23 = arith.constant 1 : i32
    %select_n3A_24 = arith.select %eq3A_22, %jit3A_23, %jit3A_21 : i32
    %rem3A_25 = arith.remsi %add3A_4, %select_n3A_24 : i32
    %ne3A_26 = arith.constant 0 : i32
    %ne3A_27 = arith.cmpi ne, %rem3A_25, %ne3A_26 : i32
    %lt3A = arith.constant 0 : i32
    %lt3A_28 = arith.cmpi slt, %rem3A_25, %lt3A : i32
    %lt3A_29 = arith.constant 0 : i32
    %lt3A_30 = arith.cmpi slt, %select_n3A_24, %lt3A_29 : i32
    %ne3A_31 = arith.xori %lt3A_28, %lt3A_30 : i1
    %and3A_32 = arith.andi %ne3A_31, %ne3A_27 : i1
    %add3A_33 = arith.addi %rem3A_25, %select_n3A_24 : i32
    %select_n3A_34 = arith.select %and3A_32, %add3A_33, %rem3A_25 : i32
    %jit3A_35 = arith.constant 2 : i32
    %div3A_36 = arith.divsi %select_n3A_34, %jit3A_35 : i32
    %sign3A_37 = arith.constant 0 : i32
    %sign3A_38 = arith.cmpi sgt, %select_n3A_34, %sign3A_37 : i32
    %sign3A_39 = arith.extui %sign3A_38 : i1 to i32
    %sign3A_40 = arith.constant 0 : i32
    %sign3A_41 = arith.cmpi slt, %select_n3A_34, %sign3A_40 : i32
    %sign3A_42 = arith.extui %sign3A_41 : i1 to i32
    %sign3A_43 = arith.subi %sign3A_39, %sign3A_42 : i32
    %sign3A_44 = arith.constant 0 : i32
    %sign3A_45 = arith.cmpi sgt, %jit3A_35, %sign3A_44 : i32
    %sign3A_46 = arith.extui %sign3A_45 : i1 to i32
    %sign3A_47 = arith.constant 0 : i32
    %sign3A_48 = arith.cmpi slt, %jit3A_35, %sign3A_47 : i32
    %sign3A_49 = arith.extui %sign3A_48 : i1 to i32
    %sign3A_50 = arith.subi %sign3A_46, %sign3A_49 : i32
    %ne3A_51 = arith.cmpi ne, %sign3A_43, %sign3A_50 : i32
    %rem3A_52 = arith.remsi %select_n3A_34, %jit3A_35 : i32
    %ne3A_53 = arith.constant 0 : i32
    %ne3A_54 = arith.cmpi ne, %rem3A_52, %ne3A_53 : i32
    %and3A_55 = arith.andi %ne3A_51, %ne3A_54 : i1
    %sub3A_56 = arith.constant 1 : i32
    %sub3A_57 = arith.subi %div3A_36, %sub3A_56 : i32
    %select_n3A_58 = arith.select %and3A_55, %sub3A_57, %div3A_36 : i32
    %mul3A_59 = arith.constant 16384 : i32
    %mul3A_60 = arith.muli %select_n3A, %mul3A_59 : i32
    %add3A_61 = arith.addi %mul3A_60, %select_n3A_58 : i32
    %multiple_of3A = tpu.assume_multiple %add3A_61, 256 : i32
    %add3A_62 = arith.constant 8192 : i32
    %add3A_63 = arith.addi %multiple_of3A, %add3A_62 : i32
    %dma_start3A = arith.constant 0 : i32
    %dma_start3A_64 = tpu.memref_slice %arg6[%dma_start3A] : memref<512xi32, #tpu.memory_space<vmem>> -> memref<256xi32, #tpu.memory_space<vmem>>
    %dma_start3A_65 = tpu.memref_slice %arg3[%multiple_of3A] : memref<16384xi32, #tpu.memory_space<hbm>> -> memref<256xi32, #tpu.memory_space<hbm>>
    %dma_start3A_66 = arith.constant 0 : i32
    %dma_start3A_67 = tpu.memref_slice %arg6[%dma_start3A_66] : memref<512xi32, #tpu.memory_space<vmem>> -> memref<256xi32, #tpu.memory_space<vmem>>
    %dma_start3A_68 = tpu.memref_slice %arg3[%multiple_of3A] : memref<16384xi32, #tpu.memory_space<hbm>> -> memref<256xi32, #tpu.memory_space<hbm>>
    tpu.enqueue_dma source(%dma_start3A_68 : memref<256xi32, #tpu.memory_space<hbm>>) target(%dma_start3A_67 : memref<256xi32, #tpu.memory_space<vmem>>) target_semaphore(%arg10 : memref<!tpu.dma_semaphore, #tpu.memory_space<semaphore_mem>>)
    %dma_start3A_69 = arith.constant 256 : i32
    %dma_start3A_70 = tpu.memref_slice %arg6[%dma_start3A_69] : memref<512xi32, #tpu.memory_space<vmem>> -> memref<256xi32, #tpu.memory_space<vmem>>
    %dma_start3A_71 = tpu.memref_slice %arg3[%add3A_63] : memref<16384xi32, #tpu.memory_space<hbm>> -> memref<256xi32, #tpu.memory_space<hbm>>
    %dma_start3A_72 = arith.constant 256 : i32
    %dma_start3A_73 = tpu.memref_slice %arg6[%dma_start3A_72] : memref<512xi32, #tpu.memory_space<vmem>> -> memref<256xi32, #tpu.memory_space<vmem>>
    %dma_start3A_74 = tpu.memref_slice %arg3[%add3A_63] : memref<16384xi32, #tpu.memory_space<hbm>> -> memref<256xi32, #tpu.memory_space<hbm>>
    tpu.enqueue_dma source(%dma_start3A_74 : memref<256xi32, #tpu.memory_space<hbm>>) target(%dma_start3A_73 : memref<256xi32, #tpu.memory_space<vmem>>) target_semaphore(%arg10 : memref<!tpu.dma_semaphore, #tpu.memory_space<semaphore_mem>>)
    %scan3A = arith.constant 0 : i32
    %mul3A_75 = arith.constant 2 : i32
    %mul3A_76 = arith.muli %mul3A_75, %scan3A : i32
    %add3A_77 = arith.constant 1 : i32
    %add3A_78 = arith.addi %mul3A_76, %add3A_77 : i32
    %lt3A_79 = arith.constant 1 : i32
    %lt3A_80 = arith.cmpi slt, %add3A_78, %lt3A_79 : i32
    %convert_element_type3A = arith.extui %lt3A_80 : i1 to i32
    %cond3A = arith.constant 0 : i32
    %cond3A_81 = arith.cmpi ne, %convert_element_type3A, %cond3A : i32
    scf.if %cond3A_81 {
      %add3A_198 = arith.constant 1 : i32
      %add3A_199 = arith.addi %mul3A_76, %add3A_198 : i32
      %mul3A_200 = arith.constant 512 : i32
      %mul3A_201 = arith.muli %add3A_199, %mul3A_200 : i32
      %add3A_202 = arith.addi %mul3A_2, %mul3A_201 : i32
      %jit3A_203 = arith.constant 16384 : i32
      %div3A_204 = arith.divsi %add3A_202, %jit3A_203 : i32
      %sign3A_205 = arith.constant 0 : i32
      %sign3A_206 = arith.cmpi sgt, %add3A_202, %sign3A_205 : i32
      %sign3A_207 = arith.extui %sign3A_206 : i1 to i32
      %sign3A_208 = arith.constant 0 : i32
      %sign3A_209 = arith.cmpi slt, %add3A_202, %sign3A_208 : i32
      %sign3A_210 = arith.extui %sign3A_209 : i1 to i32
      %sign3A_211 = arith.subi %sign3A_207, %sign3A_210 : i32
      %sign3A_212 = arith.constant 0 : i32
      %sign3A_213 = arith.cmpi sgt, %jit3A_203, %sign3A_212 : i32
      %sign3A_214 = arith.extui %sign3A_213 : i1 to i32
      %sign3A_215 = arith.constant 0 : i32
      %sign3A_216 = arith.cmpi slt, %jit3A_203, %sign3A_215 : i32
      %sign3A_217 = arith.extui %sign3A_216 : i1 to i32
      %sign3A_218 = arith.subi %sign3A_214, %sign3A_217 : i32
      %ne3A_219 = arith.cmpi ne, %sign3A_211, %sign3A_218 : i32
      %rem3A_220 = arith.remsi %add3A_202, %jit3A_203 : i32
      %ne3A_221 = arith.constant 0 : i32
      %ne3A_222 = arith.cmpi ne, %rem3A_220, %ne3A_221 : i32
      %and3A_223 = arith.andi %ne3A_219, %ne3A_222 : i1
      %sub3A_224 = arith.constant 1 : i32
      %sub3A_225 = arith.subi %div3A_204, %sub3A_224 : i32
      %select_n3A_226 = arith.select %and3A_223, %sub3A_225, %div3A_204 : i32
      %jit3A_227 = arith.constant 16384 : i32
      %eq3A_228 = arith.constant 0 : i32
      %eq3A_229 = arith.cmpi eq, %jit3A_227, %eq3A_228 : i32
      %jit3A_230 = arith.constant 1 : i32
      %select_n3A_231 = arith.select %eq3A_229, %jit3A_230, %jit3A_227 : i32
      %rem3A_232 = arith.remsi %add3A_202, %select_n3A_231 : i32
      %ne3A_233 = arith.constant 0 : i32
      %ne3A_234 = arith.cmpi ne, %rem3A_232, %ne3A_233 : i32
      %lt3A_235 = arith.constant 0 : i32
      %lt3A_236 = arith.cmpi slt, %rem3A_232, %lt3A_235 : i32
      %lt3A_237 = arith.constant 0 : i32
      %lt3A_238 = arith.cmpi slt, %select_n3A_231, %lt3A_237 : i32
      %ne3A_239 = arith.xori %lt3A_236, %lt3A_238 : i1
      %and3A_240 = arith.andi %ne3A_239, %ne3A_234 : i1
      %add3A_241 = arith.addi %rem3A_232, %select_n3A_231 : i32
      %select_n3A_242 = arith.select %and3A_240, %add3A_241, %rem3A_232 : i32
      %jit3A_243 = arith.constant 2 : i32
      %div3A_244 = arith.divsi %select_n3A_242, %jit3A_243 : i32
      %sign3A_245 = arith.constant 0 : i32
      %sign3A_246 = arith.cmpi sgt, %select_n3A_242, %sign3A_245 : i32
      %sign3A_247 = arith.extui %sign3A_246 : i1 to i32
      %sign3A_248 = arith.constant 0 : i32
      %sign3A_249 = arith.cmpi slt, %select_n3A_242, %sign3A_248 : i32
      %sign3A_250 = arith.extui %sign3A_249 : i1 to i32
      %sign3A_251 = arith.subi %sign3A_247, %sign3A_250 : i32
      %sign3A_252 = arith.constant 0 : i32
      %sign3A_253 = arith.cmpi sgt, %jit3A_243, %sign3A_252 : i32
      %sign3A_254 = arith.extui %sign3A_253 : i1 to i32
      %sign3A_255 = arith.constant 0 : i32
      %sign3A_256 = arith.cmpi slt, %jit3A_243, %sign3A_255 : i32
      %sign3A_257 = arith.extui %sign3A_256 : i1 to i32
      %sign3A_258 = arith.subi %sign3A_254, %sign3A_257 : i32
      %ne3A_259 = arith.cmpi ne, %sign3A_251, %sign3A_258 : i32
      %rem3A_260 = arith.remsi %select_n3A_242, %jit3A_243 : i32
      %ne3A_261 = arith.constant 0 : i32
      %ne3A_262 = arith.cmpi ne, %rem3A_260, %ne3A_261 : i32
      %and3A_263 = arith.andi %ne3A_259, %ne3A_262 : i1
      %sub3A_264 = arith.constant 1 : i32
      %sub3A_265 = arith.subi %div3A_244, %sub3A_264 : i32
      %select_n3A_266 = arith.select %and3A_263, %sub3A_265, %div3A_244 : i32
      %mul3A_267 = arith.constant 16384 : i32
      %mul3A_268 = arith.muli %select_n3A_226, %mul3A_267 : i32
      %add3A_269 = arith.addi %mul3A_268, %select_n3A_266 : i32
      %multiple_of3A_270 = tpu.assume_multiple %add3A_269, 256 : i32
      %add3A_271 = arith.constant 8192 : i32
      %add3A_272 = arith.addi %multiple_of3A_270, %add3A_271 : i32
      %dma_start3A_273 = arith.constant 0 : i32
      %dma_start3A_274 = tpu.memref_slice %arg7[%dma_start3A_273] : memref<512xi32, #tpu.memory_space<vmem>> -> memref<256xi32, #tpu.memory_space<vmem>>
      %dma_start3A_275 = tpu.memref_slice %arg3[%multiple_of3A_270] : memref<16384xi32, #tpu.memory_space<hbm>> -> memref<256xi32, #tpu.memory_space<hbm>>
      %dma_start3A_276 = arith.constant 0 : i32
      %dma_start3A_277 = tpu.memref_slice %arg7[%dma_start3A_276] : memref<512xi32, #tpu.memory_space<vmem>> -> memref<256xi32, #tpu.memory_space<vmem>>
      %dma_start3A_278 = tpu.memref_slice %arg3[%multiple_of3A_270] : memref<16384xi32, #tpu.memory_space<hbm>> -> memref<256xi32, #tpu.memory_space<hbm>>
      tpu.enqueue_dma source(%dma_start3A_278 : memref<256xi32, #tpu.memory_space<hbm>>) target(%dma_start3A_277 : memref<256xi32, #tpu.memory_space<vmem>>) target_semaphore(%arg11 : memref<!tpu.dma_semaphore, #tpu.memory_space<semaphore_mem>>)
      %dma_start3A_279 = arith.constant 256 : i32
      %dma_start3A_280 = tpu.memref_slice %arg7[%dma_start3A_279] : memref<512xi32, #tpu.memory_space<vmem>> -> memref<256xi32, #tpu.memory_space<vmem>>
      %dma_start3A_281 = tpu.memref_slice %arg3[%add3A_272] : memref<16384xi32, #tpu.memory_space<hbm>> -> memref<256xi32, #tpu.memory_space<hbm>>
      %dma_start3A_282 = arith.constant 256 : i32
      %dma_start3A_283 = tpu.memref_slice %arg7[%dma_start3A_282] : memref<512xi32, #tpu.memory_space<vmem>> -> memref<256xi32, #tpu.memory_space<vmem>>
      %dma_start3A_284 = tpu.memref_slice %arg3[%add3A_272] : memref<16384xi32, #tpu.memory_space<hbm>> -> memref<256xi32, #tpu.memory_space<hbm>>
      tpu.enqueue_dma source(%dma_start3A_284 : memref<256xi32, #tpu.memory_space<hbm>>) target(%dma_start3A_283 : memref<256xi32, #tpu.memory_space<vmem>>) target_semaphore(%arg11 : memref<!tpu.dma_semaphore, #tpu.memory_space<semaphore_mem>>)
    } else {
    }
    %mul3A_82 = arith.constant 512 : i32
    %mul3A_83 = arith.muli %mul3A_76, %mul3A_82 : i32
    %add3A_84 = arith.addi %mul3A_2, %mul3A_83 : i32
    %jit3A_85 = arith.constant 16384 : i32
    %div3A_86 = arith.divsi %add3A_84, %jit3A_85 : i32
    %sign3A_87 = arith.constant 0 : i32
    %sign3A_88 = arith.cmpi sgt, %add3A_84, %sign3A_87 : i32
    %sign3A_89 = arith.extui %sign3A_88 : i1 to i32
    %sign3A_90 = arith.constant 0 : i32
    %sign3A_91 = arith.cmpi slt, %add3A_84, %sign3A_90 : i32
    %sign3A_92 = arith.extui %sign3A_91 : i1 to i32
    %sign3A_93 = arith.subi %sign3A_89, %sign3A_92 : i32
    %sign3A_94 = arith.constant 0 : i32
    %sign3A_95 = arith.cmpi sgt, %jit3A_85, %sign3A_94 : i32
    %sign3A_96 = arith.extui %sign3A_95 : i1 to i32
    %sign3A_97 = arith.constant 0 : i32
    %sign3A_98 = arith.cmpi slt, %jit3A_85, %sign3A_97 : i32
    %sign3A_99 = arith.extui %sign3A_98 : i1 to i32
    %sign3A_100 = arith.subi %sign3A_96, %sign3A_99 : i32
    %ne3A_101 = arith.cmpi ne, %sign3A_93, %sign3A_100 : i32
    %rem3A_102 = arith.remsi %add3A_84, %jit3A_85 : i32
    %ne3A_103 = arith.constant 0 : i32
    %ne3A_104 = arith.cmpi ne, %rem3A_102, %ne3A_103 : i32
    %and3A_105 = arith.andi %ne3A_101, %ne3A_104 : i1
    %sub3A_106 = arith.constant 1 : i32
    %sub3A_107 = arith.subi %div3A_86, %sub3A_106 : i32
    %select_n3A_108 = arith.select %and3A_105, %sub3A_107, %div3A_86 : i32
    %jit3A_109 = arith.constant 16384 : i32
    %eq3A_110 = arith.constant 0 : i32
    %eq3A_111 = arith.cmpi eq, %jit3A_109, %eq3A_110 : i32
    %jit3A_112 = arith.constant 1 : i32
    %select_n3A_113 = arith.select %eq3A_111, %jit3A_112, %jit3A_109 : i32
    %rem3A_114 = arith.remsi %add3A_84, %select_n3A_113 : i32
    %ne3A_115 = arith.constant 0 : i32
    %ne3A_116 = arith.cmpi ne, %rem3A_114, %ne3A_115 : i32
    %lt3A_117 = arith.constant 0 : i32
    %lt3A_118 = arith.cmpi slt, %rem3A_114, %lt3A_117 : i32
    %lt3A_119 = arith.constant 0 : i32
    %lt3A_120 = arith.cmpi slt, %select_n3A_113, %lt3A_119 : i32
    %ne3A_121 = arith.xori %lt3A_118, %lt3A_120 : i1
    %and3A_122 = arith.andi %ne3A_121, %ne3A_116 : i1
    %add3A_123 = arith.addi %rem3A_114, %select_n3A_113 : i32
    %select_n3A_124 = arith.select %and3A_122, %add3A_123, %rem3A_114 : i32
    %jit3A_125 = arith.constant 2 : i32
    %div3A_126 = arith.divsi %select_n3A_124, %jit3A_125 : i32
    %sign3A_127 = arith.constant 0 : i32
    %sign3A_128 = arith.cmpi sgt, %select_n3A_124, %sign3A_127 : i32
    %sign3A_129 = arith.extui %sign3A_128 : i1 to i32
    %sign3A_130 = arith.constant 0 : i32
    %sign3A_131 = arith.cmpi slt, %select_n3A_124, %sign3A_130 : i32
    %sign3A_132 = arith.extui %sign3A_131 : i1 to i32
    %sign3A_133 = arith.subi %sign3A_129, %sign3A_132 : i32
    %sign3A_134 = arith.constant 0 : i32
    %sign3A_135 = arith.cmpi sgt, %jit3A_125, %sign3A_134 : i32
    %sign3A_136 = arith.extui %sign3A_135 : i1 to i32
    %sign3A_137 = arith.constant 0 : i32
    %sign3A_138 = arith.cmpi slt, %jit3A_125, %sign3A_137 : i32
    %sign3A_139 = arith.extui %sign3A_138 : i1 to i32
    %sign3A_140 = arith.subi %sign3A_136, %sign3A_139 : i32
    %ne3A_141 = arith.cmpi ne, %sign3A_133, %sign3A_140 : i32
    %rem3A_142 = arith.remsi %select_n3A_124, %jit3A_125 : i32
    %ne3A_143 = arith.constant 0 : i32
    %ne3A_144 = arith.cmpi ne, %rem3A_142, %ne3A_143 : i32
    %and3A_145 = arith.andi %ne3A_141, %ne3A_144 : i1
    %sub3A_146 = arith.constant 1 : i32
    %sub3A_147 = arith.subi %div3A_126, %sub3A_146 : i32
    %select_n3A_148 = arith.select %and3A_145, %sub3A_147, %div3A_126 : i32
    %mul3A_149 = arith.constant 16384 : i32
    %mul3A_150 = arith.muli %select_n3A_108, %mul3A_149 : i32
    %add3A_151 = arith.addi %mul3A_150, %select_n3A_148 : i32
    %multiple_of3A_152 = tpu.assume_multiple %add3A_151, 256 : i32
    %add3A_153 = arith.constant 8192 : i32
    %add3A_154 = arith.addi %multiple_of3A_152, %add3A_153 : i32
    %dma_wait3A = arith.constant 0 : i32
    %dma_wait3A_155 = tpu.memref_slice %arg6[%dma_wait3A] : memref<512xi32, #tpu.memory_space<vmem>> -> memref<256xi32, #tpu.memory_space<vmem>>
    %dma_wait3A_156 = tpu.memref_slice %arg3[%multiple_of3A_152] : memref<16384xi32, #tpu.memory_space<hbm>> -> memref<256xi32, #tpu.memory_space<hbm>>
    %dma_wait3A_157 = arith.constant 0 : i32
    %dma_wait3A_158 = tpu.memref_slice %arg6[%dma_wait3A_157] : memref<512xi32, #tpu.memory_space<vmem>> -> memref<256xi32, #tpu.memory_space<vmem>>
    %dma_wait3A_159 = tpu.memref_slice %arg3[%multiple_of3A_152] : memref<16384xi32, #tpu.memory_space<hbm>> -> memref<256xi32, #tpu.memory_space<hbm>>
    tpu.wait_dma2 semaphore(%arg10 : memref<!tpu.dma_semaphore, #tpu.memory_space<semaphore_mem>>) src(%dma_wait3A_159 : memref<256xi32, #tpu.memory_space<hbm>>) dst(%dma_wait3A_158 : memref<256xi32, #tpu.memory_space<vmem>>)
    %dma_wait3A_160 = arith.constant 256 : i32
    %dma_wait3A_161 = tpu.memref_slice %arg6[%dma_wait3A_160] : memref<512xi32, #tpu.memory_space<vmem>> -> memref<256xi32, #tpu.memory_space<vmem>>
    %dma_wait3A_162 = tpu.memref_slice %arg3[%add3A_154] : memref<16384xi32, #tpu.memory_space<hbm>> -> memref<256xi32, #tpu.memory_space<hbm>>
    %dma_wait3A_163 = arith.constant 256 : i32
    %dma_wait3A_164 = tpu.memref_slice %arg6[%dma_wait3A_163] : memref<512xi32, #tpu.memory_space<vmem>> -> memref<256xi32, #tpu.memory_space<vmem>>
    %dma_wait3A_165 = tpu.memref_slice %arg3[%add3A_154] : memref<16384xi32, #tpu.memory_space<hbm>> -> memref<256xi32, #tpu.memory_space<hbm>>
    tpu.wait_dma2 semaphore(%arg10 : memref<!tpu.dma_semaphore, #tpu.memory_space<semaphore_mem>>) src(%dma_wait3A_165 : memref<256xi32, #tpu.memory_space<hbm>>) dst(%dma_wait3A_164 : memref<256xi32, #tpu.memory_space<vmem>>)
    %scan3A_166 = arith.constant 0 : i32
    %scan3A_167 = arith.constant 16 : i32
    %scan3A_168 = arith.addi %scan3A_166, %scan3A_167 : i32
    %scan3A_169 = arith.constant 1 : i32
    scf.for %scan3A_198 = %scan3A_166 to %scan3A_168 step %scan3A_169  : i32 {
      %mul3A_199 = arith.constant 16 : i32
      %mul3A_200 = arith.muli %scan3A_198, %mul3A_199 : i32
      %multiple_of3A_201 = tpu.assume_multiple %mul3A_200, 16 : i32
      %iota3A = tpu.iota {dimensions = array<i32: 0>} : vector<16xi32>
      %get3A = arith.index_cast %multiple_of3A_201 : i32 to index
      %get3A_202 = tpu.vector_load %arg6[%get3A] {strides = array<i32>} : memref<512xi32, #tpu.memory_space<vmem>>, vector<16xi32>,
      %and3A_203 = arith.constant -16384 : i32
      %and3A_204 = vector.broadcast %and3A_203 : i32 to vector<16xi32>
      %and3A_205 = arith.andi %get3A_202, %and3A_204 : vector<16xi32>
      %and3A_206 = arith.constant 16383 : i32
      %and3A_207 = vector.broadcast %and3A_206 : i32 to vector<16xi32>
      %and3A_208 = arith.andi %get3A_202, %and3A_207 : vector<16xi32>
      %and3A_209 = arith.constant 8191 : i32
      %and3A_210 = vector.broadcast %and3A_209 : i32 to vector<16xi32>
      %and3A_211 = arith.andi %and3A_208, %and3A_210 : vector<16xi32>
      %shift_right_arithmetic3A = arith.constant 13 : i32
      %shift_right_arithmetic3A_212 = vector.broadcast %shift_right_arithmetic3A : i32 to vector<16xi32>
      %shift_right_arithmetic3A_213 = arith.shrsi %and3A_208, %shift_right_arithmetic3A_212 : vector<16xi32>
      %mul3A_214 = arith.constant 2 : i32
      %mul3A_215 = vector.broadcast %mul3A_214 : i32 to vector<16xi32>
      %mul3A_216 = arith.muli %mul3A_215, %and3A_211 : vector<16xi32>
      %add3A_217 = arith.addi %and3A_205, %mul3A_216 : vector<16xi32>
      %add3A_218 = arith.addi %add3A_217, %shift_right_arithmetic3A_213 : vector<16xi32>
      %add3A_219 = arith.constant 256 : i32
      %add3A_220 = arith.addi %add3A_219, %multiple_of3A_201 : i32
      %get3A_221 = arith.index_cast %add3A_220 : i32 to index
      %get3A_222 = tpu.vector_load %arg6[%get3A_221] {strides = array<i32>} : memref<512xi32, #tpu.memory_space<vmem>>, vector<16xi32>,
      %and3A_223 = arith.constant -16384 : i32
      %and3A_224 = vector.broadcast %and3A_223 : i32 to vector<16xi32>
      %and3A_225 = arith.andi %get3A_222, %and3A_224 : vector<16xi32>
      %and3A_226 = arith.constant 16383 : i32
      %and3A_227 = vector.broadcast %and3A_226 : i32 to vector<16xi32>
      %and3A_228 = arith.andi %get3A_222, %and3A_227 : vector<16xi32>
      %and3A_229 = arith.constant 8191 : i32
      %and3A_230 = vector.broadcast %and3A_229 : i32 to vector<16xi32>
      %and3A_231 = arith.andi %and3A_228, %and3A_230 : vector<16xi32>
      %shift_right_arithmetic3A_232 = arith.constant 13 : i32
      %shift_right_arithmetic3A_233 = vector.broadcast %shift_right_arithmetic3A_232 : i32 to vector<16xi32>
      %shift_right_arithmetic3A_234 = arith.shrsi %and3A_228, %shift_right_arithmetic3A_233 : vector<16xi32>
      %mul3A_235 = arith.constant 2 : i32
      %mul3A_236 = vector.broadcast %mul3A_235 : i32 to vector<16xi32>
      %mul3A_237 = arith.muli %mul3A_236, %and3A_231 : vector<16xi32>
      %add3A_238 = arith.addi %and3A_225, %mul3A_237 : vector<16xi32>
      %add3A_239 = arith.addi %add3A_238, %shift_right_arithmetic3A_234 : vector<16xi32>
      %mul3A_240 = arith.constant 512 : i32
      %mul3A_241 = arith.muli %mul3A_76, %mul3A_240 : i32
      %add3A_242 = vector.broadcast %multiple_of3A_201 : i32 to vector<16xi32>
      %add3A_243 = arith.addi %add3A_242, %iota3A : vector<16xi32>
      %mul3A_244 = arith.constant 2 : i32
      %mul3A_245 = vector.broadcast %mul3A_244 : i32 to vector<16xi32>
      %mul3A_246 = arith.muli %mul3A_245, %add3A_243 : vector<16xi32>
      %add3A_247 = vector.broadcast %mul3A_241 : i32 to vector<16xi32>
      %add3A_248 = arith.addi %add3A_247, %mul3A_246 : vector<16xi32>
      tpu.vector_store_idx %arg5[%add3A_248], %add3A_218 : memref<512xi32, #tpu.memory_space<vmem>>[vector<16xi32>], vector<16xi32>,
      %add3A_249 = arith.constant 1 : i32
      %add3A_250 = vector.broadcast %add3A_249 : i32 to vector<16xi32>
      %add3A_251 = arith.addi %add3A_248, %add3A_250 : vector<16xi32>
      tpu.vector_store_idx %arg5[%add3A_251], %add3A_239 : memref<512xi32, #tpu.memory_space<vmem>>[vector<16xi32>], vector<16xi32>,
    }
    %scan3A_170 = arith.constant 16 : i32
    %add3A_171 = arith.constant 2 : i32
    %add3A_172 = arith.addi %mul3A_76, %add3A_171 : i32
    %lt3A_173 = arith.constant 1 : i32
    %lt3A_174 = arith.cmpi slt, %add3A_172, %lt3A_173 : i32
    %convert_element_type3A_175 = arith.extui %lt3A_174 : i1 to i32
    %cond3A_176 = arith.constant 0 : i32
    %cond3A_177 = arith.cmpi ne, %convert_element_type3A_175, %cond3A_176 : i32
    scf.if %cond3A_177 {
      %add3A_198 = arith.constant 2 : i32
      %add3A_199 = arith.addi %mul3A_76, %add3A_198 : i32
      %mul3A_200 = arith.constant 512 : i32
      %mul3A_201 = arith.muli %add3A_199, %mul3A_200 : i32
      %add3A_202 = arith.addi %mul3A_2, %mul3A_201 : i32
      %jit3A_203 = arith.constant 16384 : i32
      %div3A_204 = arith.divsi %add3A_202, %jit3A_203 : i32
      %sign3A_205 = arith.constant 0 : i32
      %sign3A_206 = arith.cmpi sgt, %add3A_202, %sign3A_205 : i32
      %sign3A_207 = arith.extui %sign3A_206 : i1 to i32
      %sign3A_208 = arith.constant 0 : i32
      %sign3A_209 = arith.cmpi slt, %add3A_202, %sign3A_208 : i32
      %sign3A_210 = arith.extui %sign3A_209 : i1 to i32
      %sign3A_211 = arith.subi %sign3A_207, %sign3A_210 : i32
      %sign3A_212 = arith.constant 0 : i32
      %sign3A_213 = arith.cmpi sgt, %jit3A_203, %sign3A_212 : i32
      %sign3A_214 = arith.extui %sign3A_213 : i1 to i32
      %sign3A_215 = arith.constant 0 : i32
      %sign3A_216 = arith.cmpi slt, %jit3A_203, %sign3A_215 : i32
      %sign3A_217 = arith.extui %sign3A_216 : i1 to i32
      %sign3A_218 = arith.subi %sign3A_214, %sign3A_217 : i32
      %ne3A_219 = arith.cmpi ne, %sign3A_211, %sign3A_218 : i32
      %rem3A_220 = arith.remsi %add3A_202, %jit3A_203 : i32
      %ne3A_221 = arith.constant 0 : i32
      %ne3A_222 = arith.cmpi ne, %rem3A_220, %ne3A_221 : i32
      %and3A_223 = arith.andi %ne3A_219, %ne3A_222 : i1
      %sub3A_224 = arith.constant 1 : i32
      %sub3A_225 = arith.subi %div3A_204, %sub3A_224 : i32
      %select_n3A_226 = arith.select %and3A_223, %sub3A_225, %div3A_204 : i32
      %jit3A_227 = arith.constant 16384 : i32
      %eq3A_228 = arith.constant 0 : i32
      %eq3A_229 = arith.cmpi eq, %jit3A_227, %eq3A_228 : i32
      %jit3A_230 = arith.constant 1 : i32
      %select_n3A_231 = arith.select %eq3A_229, %jit3A_230, %jit3A_227 : i32
      %rem3A_232 = arith.remsi %add3A_202, %select_n3A_231 : i32
      %ne3A_233 = arith.constant 0 : i32
      %ne3A_234 = arith.cmpi ne, %rem3A_232, %ne3A_233 : i32
      %lt3A_235 = arith.constant 0 : i32
      %lt3A_236 = arith.cmpi slt, %rem3A_232, %lt3A_235 : i32
      %lt3A_237 = arith.constant 0 : i32
      %lt3A_238 = arith.cmpi slt, %select_n3A_231, %lt3A_237 : i32
      %ne3A_239 = arith.xori %lt3A_236, %lt3A_238 : i1
      %and3A_240 = arith.andi %ne3A_239, %ne3A_234 : i1
      %add3A_241 = arith.addi %rem3A_232, %select_n3A_231 : i32
      %select_n3A_242 = arith.select %and3A_240, %add3A_241, %rem3A_232 : i32
      %jit3A_243 = arith.constant 2 : i32
      %div3A_244 = arith.divsi %select_n3A_242, %jit3A_243 : i32
      %sign3A_245 = arith.constant 0 : i32
      %sign3A_246 = arith.cmpi sgt, %select_n3A_242, %sign3A_245 : i32
      %sign3A_247 = arith.extui %sign3A_246 : i1 to i32
      %sign3A_248 = arith.constant 0 : i32
      %sign3A_249 = arith.cmpi slt, %select_n3A_242, %sign3A_248 : i32
      %sign3A_250 = arith.extui %sign3A_249 : i1 to i32
      %sign3A_251 = arith.subi %sign3A_247, %sign3A_250 : i32
      %sign3A_252 = arith.constant 0 : i32
      %sign3A_253 = arith.cmpi sgt, %jit3A_243, %sign3A_252 : i32
      %sign3A_254 = arith.extui %sign3A_253 : i1 to i32
      %sign3A_255 = arith.constant 0 : i32
      %sign3A_256 = arith.cmpi slt, %jit3A_243, %sign3A_255 : i32
      %sign3A_257 = arith.extui %sign3A_256 : i1 to i32
      %sign3A_258 = arith.subi %sign3A_254, %sign3A_257 : i32
      %ne3A_259 = arith.cmpi ne, %sign3A_251, %sign3A_258 : i32
      %rem3A_260 = arith.remsi %select_n3A_242, %jit3A_243 : i32
      %ne3A_261 = arith.constant 0 : i32
      %ne3A_262 = arith.cmpi ne, %rem3A_260, %ne3A_261 : i32
      %and3A_263 = arith.andi %ne3A_259, %ne3A_262 : i1
      %sub3A_264 = arith.constant 1 : i32
      %sub3A_265 = arith.subi %div3A_244, %sub3A_264 : i32
      %select_n3A_266 = arith.select %and3A_263, %sub3A_265, %div3A_244 : i32
      %mul3A_267 = arith.constant 16384 : i32
      %mul3A_268 = arith.muli %select_n3A_226, %mul3A_267 : i32
      %add3A_269 = arith.addi %mul3A_268, %select_n3A_266 : i32
      %multiple_of3A_270 = tpu.assume_multiple %add3A_269, 256 : i32
      %add3A_271 = arith.constant 8192 : i32
      %add3A_272 = arith.addi %multiple_of3A_270, %add3A_271 : i32
      %dma_start3A_273 = arith.constant 0 : i32
      %dma_start3A_274 = tpu.memref_slice %arg6[%dma_start3A_273] : memref<512xi32, #tpu.memory_space<vmem>> -> memref<256xi32, #tpu.memory_space<vmem>>
      %dma_start3A_275 = tpu.memref_slice %arg3[%multiple_of3A_270] : memref<16384xi32, #tpu.memory_space<hbm>> -> memref<256xi32, #tpu.memory_space<hbm>>
      %dma_start3A_276 = arith.constant 0 : i32
      %dma_start3A_277 = tpu.memref_slice %arg6[%dma_start3A_276] : memref<512xi32, #tpu.memory_space<vmem>> -> memref<256xi32, #tpu.memory_space<vmem>>
      %dma_start3A_278 = tpu.memref_slice %arg3[%multiple_of3A_270] : memref<16384xi32, #tpu.memory_space<hbm>> -> memref<256xi32, #tpu.memory_space<hbm>>
      tpu.enqueue_dma source(%dma_start3A_278 : memref<256xi32, #tpu.memory_space<hbm>>) target(%dma_start3A_277 : memref<256xi32, #tpu.memory_space<vmem>>) target_semaphore(%arg10 : memref<!tpu.dma_semaphore, #tpu.memory_space<semaphore_mem>>)
      %dma_start3A_279 = arith.constant 256 : i32
      %dma_start3A_280 = tpu.memref_slice %arg6[%dma_start3A_279] : memref<512xi32, #tpu.memory_space<vmem>> -> memref<256xi32, #tpu.memory_space<vmem>>
      %dma_start3A_281 = tpu.memref_slice %arg3[%add3A_272] : memref<16384xi32, #tpu.memory_space<hbm>> -> memref<256xi32, #tpu.memory_space<hbm>>
      %dma_start3A_282 = arith.constant 256 : i32
      %dma_start3A_283 = tpu.memref_slice %arg6[%dma_start3A_282] : memref<512xi32, #tpu.memory_space<vmem>> -> memref<256xi32, #tpu.memory_space<vmem>>
      %dma_start3A_284 = tpu.memref_slice %arg3[%add3A_272] : memref<16384xi32, #tpu.memory_space<hbm>> -> memref<256xi32, #tpu.memory_space<hbm>>
      tpu.enqueue_dma source(%dma_start3A_284 : memref<256xi32, #tpu.memory_space<hbm>>) target(%dma_start3A_283 : memref<256xi32, #tpu.memory_space<vmem>>) target_semaphore(%arg10 : memref<!tpu.dma_semaphore, #tpu.memory_space<semaphore_mem>>)
    } else {
    }
    %add3A_178 = arith.constant 1 : i32
    %add3A_179 = arith.addi %mul3A_76, %add3A_178 : i32
    %lt3A_180 = arith.constant 1 : i32
    %lt3A_181 = arith.cmpi slt, %add3A_179, %lt3A_180 : i32
    %convert_element_type3A_182 = arith.extui %lt3A_181 : i1 to i32
    %cond3A_183 = arith.constant 0 : i32
    %cond3A_184 = arith.cmpi ne, %convert_element_type3A_182, %cond3A_183 : i32
    scf.if %cond3A_184 {
      %add3A_198 = arith.constant 1 : i32
      %add3A_199 = arith.addi %mul3A_76, %add3A_198 : i32
      %mul3A_200 = arith.constant 512 : i32
      %mul3A_201 = arith.muli %add3A_199, %mul3A_200 : i32
      %add3A_202 = arith.addi %mul3A_2, %mul3A_201 : i32
      %jit3A_203 = arith.constant 16384 : i32
      %div3A_204 = arith.divsi %add3A_202, %jit3A_203 : i32
      %sign3A_205 = arith.constant 0 : i32
      %sign3A_206 = arith.cmpi sgt, %add3A_202, %sign3A_205 : i32
      %sign3A_207 = arith.extui %sign3A_206 : i1 to i32
      %sign3A_208 = arith.constant 0 : i32
      %sign3A_209 = arith.cmpi slt, %add3A_202, %sign3A_208 : i32
      %sign3A_210 = arith.extui %sign3A_209 : i1 to i32
      %sign3A_211 = arith.subi %sign3A_207, %sign3A_210 : i32
      %sign3A_212 = arith.constant 0 : i32
      %sign3A_213 = arith.cmpi sgt, %jit3A_203, %sign3A_212 : i32
      %sign3A_214 = arith.extui %sign3A_213 : i1 to i32
      %sign3A_215 = arith.constant 0 : i32
      %sign3A_216 = arith.cmpi slt, %jit3A_203, %sign3A_215 : i32
      %sign3A_217 = arith.extui %sign3A_216 : i1 to i32
      %sign3A_218 = arith.subi %sign3A_214, %sign3A_217 : i32
      %ne3A_219 = arith.cmpi ne, %sign3A_211, %sign3A_218 : i32
      %rem3A_220 = arith.remsi %add3A_202, %jit3A_203 : i32
      %ne3A_221 = arith.constant 0 : i32
      %ne3A_222 = arith.cmpi ne, %rem3A_220, %ne3A_221 : i32
      %and3A_223 = arith.andi %ne3A_219, %ne3A_222 : i1
      %sub3A_224 = arith.constant 1 : i32
      %sub3A_225 = arith.subi %div3A_204, %sub3A_224 : i32
      %select_n3A_226 = arith.select %and3A_223, %sub3A_225, %div3A_204 : i32
      %jit3A_227 = arith.constant 16384 : i32
      %eq3A_228 = arith.constant 0 : i32
      %eq3A_229 = arith.cmpi eq, %jit3A_227, %eq3A_228 : i32
      %jit3A_230 = arith.constant 1 : i32
      %select_n3A_231 = arith.select %eq3A_229, %jit3A_230, %jit3A_227 : i32
      %rem3A_232 = arith.remsi %add3A_202, %select_n3A_231 : i32
      %ne3A_233 = arith.constant 0 : i32
      %ne3A_234 = arith.cmpi ne, %rem3A_232, %ne3A_233 : i32
      %lt3A_235 = arith.constant 0 : i32
      %lt3A_236 = arith.cmpi slt, %rem3A_232, %lt3A_235 : i32
      %lt3A_237 = arith.constant 0 : i32
      %lt3A_238 = arith.cmpi slt, %select_n3A_231, %lt3A_237 : i32
      %ne3A_239 = arith.xori %lt3A_236, %lt3A_238 : i1
      %and3A_240 = arith.andi %ne3A_239, %ne3A_234 : i1
      %add3A_241 = arith.addi %rem3A_232, %select_n3A_231 : i32
      %select_n3A_242 = arith.select %and3A_240, %add3A_241, %rem3A_232 : i32
      %jit3A_243 = arith.constant 2 : i32
      %div3A_244 = arith.divsi %select_n3A_242, %jit3A_243 : i32
      %sign3A_245 = arith.constant 0 : i32
      %sign3A_246 = arith.cmpi sgt, %select_n3A_242, %sign3A_245 : i32
      %sign3A_247 = arith.extui %sign3A_246 : i1 to i32
      %sign3A_248 = arith.constant 0 : i32
      %sign3A_249 = arith.cmpi slt, %select_n3A_242, %sign3A_248 : i32
      %sign3A_250 = arith.extui %sign3A_249 : i1 to i32
      %sign3A_251 = arith.subi %sign3A_247, %sign3A_250 : i32
      %sign3A_252 = arith.constant 0 : i32
      %sign3A_253 = arith.cmpi sgt, %jit3A_243, %sign3A_252 : i32
      %sign3A_254 = arith.extui %sign3A_253 : i1 to i32
      %sign3A_255 = arith.constant 0 : i32
      %sign3A_256 = arith.cmpi slt, %jit3A_243, %sign3A_255 : i32
      %sign3A_257 = arith.extui %sign3A_256 : i1 to i32
      %sign3A_258 = arith.subi %sign3A_254, %sign3A_257 : i32
      %ne3A_259 = arith.cmpi ne, %sign3A_251, %sign3A_258 : i32
      %rem3A_260 = arith.remsi %select_n3A_242, %jit3A_243 : i32
      %ne3A_261 = arith.constant 0 : i32
      %ne3A_262 = arith.cmpi ne, %rem3A_260, %ne3A_261 : i32
      %and3A_263 = arith.andi %ne3A_259, %ne3A_262 : i1
      %sub3A_264 = arith.constant 1 : i32
      %sub3A_265 = arith.subi %div3A_244, %sub3A_264 : i32
      %select_n3A_266 = arith.select %and3A_263, %sub3A_265, %div3A_244 : i32
      %mul3A_267 = arith.constant 16384 : i32
      %mul3A_268 = arith.muli %select_n3A_226, %mul3A_267 : i32
      %add3A_269 = arith.addi %mul3A_268, %select_n3A_266 : i32
      %multiple_of3A_270 = tpu.assume_multiple %add3A_269, 256 : i32
      %add3A_271 = arith.constant 8192 : i32
      %add3A_272 = arith.addi %multiple_of3A_270, %add3A_271 : i32
      %dma_wait3A_273 = arith.constant 0 : i32
      %dma_wait3A_274 = tpu.memref_slice %arg7[%dma_wait3A_273] : memref<512xi32, #tpu.memory_space<vmem>> -> memref<256xi32, #tpu.memory_space<vmem>>
      %dma_wait3A_275 = tpu.memref_slice %arg3[%multiple_of3A_270] : memref<16384xi32, #tpu.memory_space<hbm>> -> memref<256xi32, #tpu.memory_space<hbm>>
      %dma_wait3A_276 = arith.constant 0 : i32
      %dma_wait3A_277 = tpu.memref_slice %arg7[%dma_wait3A_276] : memref<512xi32, #tpu.memory_space<vmem>> -> memref<256xi32, #tpu.memory_space<vmem>>
      %dma_wait3A_278 = tpu.memref_slice %arg3[%multiple_of3A_270] : memref<16384xi32, #tpu.memory_space<hbm>> -> memref<256xi32, #tpu.memory_space<hbm>>
      tpu.wait_dma2 semaphore(%arg11 : memref<!tpu.dma_semaphore, #tpu.memory_space<semaphore_mem>>) src(%dma_wait3A_278 : memref<256xi32, #tpu.memory_space<hbm>>) dst(%dma_wait3A_277 : memref<256xi32, #tpu.memory_space<vmem>>)
      %dma_wait3A_279 = arith.constant 256 : i32
      %dma_wait3A_280 = tpu.memref_slice %arg7[%dma_wait3A_279] : memref<512xi32, #tpu.memory_space<vmem>> -> memref<256xi32, #tpu.memory_space<vmem>>
      %dma_wait3A_281 = tpu.memref_slice %arg3[%add3A_272] : memref<16384xi32, #tpu.memory_space<hbm>> -> memref<256xi32, #tpu.memory_space<hbm>>
      %dma_wait3A_282 = arith.constant 256 : i32
      %dma_wait3A_283 = tpu.memref_slice %arg7[%dma_wait3A_282] : memref<512xi32, #tpu.memory_space<vmem>> -> memref<256xi32, #tpu.memory_space<vmem>>
      %dma_wait3A_284 = tpu.memref_slice %arg3[%add3A_272] : memref<16384xi32, #tpu.memory_space<hbm>> -> memref<256xi32, #tpu.memory_space<hbm>>
      tpu.wait_dma2 semaphore(%arg11 : memref<!tpu.dma_semaphore, #tpu.memory_space<semaphore_mem>>) src(%dma_wait3A_284 : memref<256xi32, #tpu.memory_space<hbm>>) dst(%dma_wait3A_283 : memref<256xi32, #tpu.memory_space<vmem>>)
      %add3A_285 = arith.constant 1 : i32
      %add3A_286 = arith.addi %mul3A_76, %add3A_285 : i32
      %scan3A_287 = arith.constant 0 : i32
      %scan3A_288 = arith.constant 16 : i32
      %scan3A_289 = arith.addi %scan3A_287, %scan3A_288 : i32
      %scan3A_290 = arith.constant 1 : i32
      scf.for %scan3A_292 = %scan3A_287 to %scan3A_289 step %scan3A_290  : i32 {
        %mul3A_293 = arith.constant 16 : i32
        %mul3A_294 = arith.muli %scan3A_292, %mul3A_293 : i32
        %multiple_of3A_295 = tpu.assume_multiple %mul3A_294, 16 : i32
        %iota3A = tpu.iota {dimensions = array<i32: 0>} : vector<16xi32>
        %get3A = arith.index_cast %multiple_of3A_295 : i32 to index
        %get3A_296 = tpu.vector_load %arg7[%get3A] {strides = array<i32>} : memref<512xi32, #tpu.memory_space<vmem>>, vector<16xi32>,
        %and3A_297 = arith.constant -16384 : i32
        %and3A_298 = vector.broadcast %and3A_297 : i32 to vector<16xi32>
        %and3A_299 = arith.andi %get3A_296, %and3A_298 : vector<16xi32>
        %and3A_300 = arith.constant 16383 : i32
        %and3A_301 = vector.broadcast %and3A_300 : i32 to vector<16xi32>
        %and3A_302 = arith.andi %get3A_296, %and3A_301 : vector<16xi32>
        %and3A_303 = arith.constant 8191 : i32
        %and3A_304 = vector.broadcast %and3A_303 : i32 to vector<16xi32>
        %and3A_305 = arith.andi %and3A_302, %and3A_304 : vector<16xi32>
        %shift_right_arithmetic3A = arith.constant 13 : i32
        %shift_right_arithmetic3A_306 = vector.broadcast %shift_right_arithmetic3A : i32 to vector<16xi32>
        %shift_right_arithmetic3A_307 = arith.shrsi %and3A_302, %shift_right_arithmetic3A_306 : vector<16xi32>
        %mul3A_308 = arith.constant 2 : i32
        %mul3A_309 = vector.broadcast %mul3A_308 : i32 to vector<16xi32>
        %mul3A_310 = arith.muli %mul3A_309, %and3A_305 : vector<16xi32>
        %add3A_311 = arith.addi %and3A_299, %mul3A_310 : vector<16xi32>
        %add3A_312 = arith.addi %add3A_311, %shift_right_arithmetic3A_307 : vector<16xi32>
        %add3A_313 = arith.constant 256 : i32
        %add3A_314 = arith.addi %add3A_313, %multiple_of3A_295 : i32
        %get3A_315 = arith.index_cast %add3A_314 : i32 to index
        %get3A_316 = tpu.vector_load %arg7[%get3A_315] {strides = array<i32>} : memref<512xi32, #tpu.memory_space<vmem>>, vector<16xi32>,
        %and3A_317 = arith.constant -16384 : i32
        %and3A_318 = vector.broadcast %and3A_317 : i32 to vector<16xi32>
        %and3A_319 = arith.andi %get3A_316, %and3A_318 : vector<16xi32>
        %and3A_320 = arith.constant 16383 : i32
        %and3A_321 = vector.broadcast %and3A_320 : i32 to vector<16xi32>
        %and3A_322 = arith.andi %get3A_316, %and3A_321 : vector<16xi32>
        %and3A_323 = arith.constant 8191 : i32
        %and3A_324 = vector.broadcast %and3A_323 : i32 to vector<16xi32>
        %and3A_325 = arith.andi %and3A_322, %and3A_324 : vector<16xi32>
        %shift_right_arithmetic3A_326 = arith.constant 13 : i32
        %shift_right_arithmetic3A_327 = vector.broadcast %shift_right_arithmetic3A_326 : i32 to vector<16xi32>
        %shift_right_arithmetic3A_328 = arith.shrsi %and3A_322, %shift_right_arithmetic3A_327 : vector<16xi32>
        %mul3A_329 = arith.constant 2 : i32
        %mul3A_330 = vector.broadcast %mul3A_329 : i32 to vector<16xi32>
        %mul3A_331 = arith.muli %mul3A_330, %and3A_325 : vector<16xi32>
        %add3A_332 = arith.addi %and3A_319, %mul3A_331 : vector<16xi32>
        %add3A_333 = arith.addi %add3A_332, %shift_right_arithmetic3A_328 : vector<16xi32>
        %mul3A_334 = arith.constant 512 : i32
        %mul3A_335 = arith.muli %add3A_286, %mul3A_334 : i32
        %add3A_336 = vector.broadcast %multiple_of3A_295 : i32 to vector<16xi32>
        %add3A_337 = arith.addi %add3A_336, %iota3A : vector<16xi32>
        %mul3A_338 = arith.constant 2 : i32
        %mul3A_339 = vector.broadcast %mul3A_338 : i32 to vector<16xi32>
        %mul3A_340 = arith.muli %mul3A_339, %add3A_337 : vector<16xi32>
        %add3A_341 = vector.broadcast %mul3A_335 : i32 to vector<16xi32>
        %add3A_342 = arith.addi %add3A_341, %mul3A_340 : vector<16xi32>
        tpu.vector_store_idx %arg5[%add3A_342], %add3A_312 : memref<512xi32, #tpu.memory_space<vmem>>[vector<16xi32>], vector<16xi32>,
        %add3A_343 = arith.constant 1 : i32
        %add3A_344 = vector.broadcast %add3A_343 : i32 to vector<16xi32>
        %add3A_345 = arith.addi %add3A_342, %add3A_344 : vector<16xi32>
        tpu.vector_store_idx %arg5[%add3A_345], %add3A_333 : memref<512xi32, #tpu.memory_space<vmem>>[vector<16xi32>], vector<16xi32>,
      }
      %scan3A_291 = arith.constant 16 : i32
    } else {
    }
    %scan3A_185 = arith.constant 1 : i32
    %mul3A_186 = arith.constant 512 : i32
    %mul3A_187 = arith.muli %add3A, %mul3A_186 : i32
    %dma_start3A_188 = arith.constant 0 : i32
    %dma_start3A_189 = tpu.memref_slice %arg5[%dma_start3A_188] : memref<512xi32, #tpu.memory_space<vmem>> -> memref<512xi32, #tpu.memory_space<vmem>>
    %dma_start3A_190 = arith.constant 0 : i32
    %dma_start3A_191 = arith.constant 0 : i32
    %dma_start3A_192 = tpu.memref_slice %arg2[%dma_start3A_190, %dma_start3A_191] : memref<1015808x64xf32, #tpu.memory_space<hbm>> -> memref<1015808x64xf32, #tpu.memory_space<hbm>>
    tpu.enqueue_indirect_dma source(%dma_start3A_192 : memref<1015808x64xf32, #tpu.memory_space<hbm>>) target(%arg8 : memref<512x64xf32, #tpu.memory_space<vmem>>) offsets(%dma_start3A_189 : memref<512xi32, #tpu.memory_space<vmem>>) semaphore(%arg10 : memref<!tpu.dma_semaphore, #tpu.memory_space<semaphore_mem>>)
    %dma_wait3A_193 = arith.constant 0 : i32
    %dma_wait3A_194 = tpu.memref_slice %arg5[%dma_wait3A_193] : memref<512xi32, #tpu.memory_space<vmem>> -> memref<512xi32, #tpu.memory_space<vmem>>
    %dma_wait3A_195 = arith.constant 0 : i32
    %dma_wait3A_196 = arith.constant 0 : i32
    %dma_wait3A_197 = tpu.memref_slice %arg2[%dma_wait3A_195, %dma_wait3A_196] : memref<1015808x64xf32, #tpu.memory_space<hbm>> -> memref<1015808x64xf32, #tpu.memory_space<hbm>>
    tpu.wait_indirect_dma semaphore(%arg10 : memref<!tpu.dma_semaphore, #tpu.memory_space<semaphore_mem>>) src(%dma_wait3A_197 : memref<1015808x64xf32, #tpu.memory_space<hbm>>) dst(%arg8 : memref<512x64xf32, #tpu.memory_space<vmem>>)
    "tpu.region"() ({
      %run_scoped3A = tpu.sem_alloc : memref<!tpu.dma_semaphore, #tpu.memory_space<semaphore_mem>>
      %dma_start3A_198 = arith.constant 0 : i32
      %dma_start3A_199 = tpu.memref_slice %arg4[%mul3A_187, %dma_start3A_198] : memref<16384x64xf32, #tpu.memory_space<hbm>> -> memref<512x64xf32, #tpu.memory_space<hbm>>
      %dma_start3A_200 = arith.constant 0 : i32
      %dma_start3A_201 = tpu.memref_slice %arg4[%mul3A_187, %dma_start3A_200] : memref<16384x64xf32, #tpu.memory_space<hbm>> -> memref<512x64xf32, #tpu.memory_space<hbm>>
      tpu.enqueue_dma source(%arg8 : memref<512x64xf32, #tpu.memory_space<vmem>>) target(%dma_start3A_201 : memref<512x64xf32, #tpu.memory_space<hbm>>) target_semaphore(%run_scoped3A : memref<!tpu.dma_semaphore, #tpu.memory_space<semaphore_mem>>)
      %dma_wait3A_202 = arith.constant 0 : i32
      %dma_wait3A_203 = tpu.memref_slice %arg4[%mul3A_187, %dma_wait3A_202] : memref<16384x64xf32, #tpu.memory_space<hbm>> -> memref<512x64xf32, #tpu.memory_space<hbm>>
      %dma_wait3A_204 = arith.constant 0 : i32
      %dma_wait3A_205 = tpu.memref_slice %arg4[%mul3A_187, %dma_wait3A_204] : memref<16384x64xf32, #tpu.memory_space<hbm>> -> memref<512x64xf32, #tpu.memory_space<hbm>>
      tpu.wait_dma2 semaphore(%run_scoped3A : memref<!tpu.dma_semaphore, #tpu.memory_space<semaphore_mem>>) src(%arg8 : memref<512x64xf32, #tpu.memory_space<vmem>>) dst(%dma_wait3A_205 : memref<512x64xf32, #tpu.memory_space<hbm>>)
      tpu.yield
    }) : () -> ()
    return
  }
}

module attributes {stable_mosaic.version = 14 : i64} {
  func.func @_tt_body(%arg0: i32, %arg1: memref<64x16384xf32, #tpu.memory_space<vmem>>, %arg2: memref<8192x128xf32, #tpu.memory_space<vmem>>) attributes {dimension_semantics = [#tpu.dimension_semantics<arbitrary>], iteration_bounds = array<i64: 62>, scalar_prefetch = 0 : i64, scratch_operands = 0 : i64, tpu.core_type = #tpu.core_type<tc>, window_params = [{transform_indices = @transform_0, window_bounds = array<i64: 64, 16384>}, {transform_indices = @transform_1, window_bounds = array<i64: 8192, 128>}]} {
    %get3A = arith.constant 0 : index
    %get3A_0 = arith.constant 0 : index
    %get3A_1 = vector.load %arg1[%get3A, %get3A_0] : memref<64x16384xf32, #tpu.memory_space<vmem>>, vector<64x16384xf32>
    %slice3A = vector.extract_strided_slice %get3A_1 {offsets = [0, 0], sizes = [64, 8192], strides = [1, 1]} : vector<64x16384xf32> to vector<64x8192xf32>
    %transpose3A = tpu.transpose %slice3A, [1, 0] : vector<64x8192xf32> -> vector<8192x64xf32>
    %slice3A_2 = vector.extract_strided_slice %get3A_1 {offsets = [0, 8192], sizes = [64, 8192], strides = [1, 1]} : vector<64x16384xf32> to vector<64x8192xf32>
    %transpose3A_3 = tpu.transpose %slice3A_2, [1, 0] : vector<64x8192xf32> -> vector<8192x64xf32>
    %concatenate3A = tpu.concatenate %transpose3A, %transpose3A_3 in 1 : vector<8192x64xf32>, vector<8192x64xf32> -> vector<8192x128xf32>
    %swap3A = arith.constant 0 : index
    %swap3A_4 = arith.constant 0 : index
    %swap3A_5 = vector.load %arg2[%swap3A, %swap3A_4] : memref<8192x128xf32, #tpu.memory_space<vmem>>, vector<8192x128xf32>
    tpu.vector_store %arg2[%swap3A, %swap3A_4], %concatenate3A {strides = array<i32>} : memref<8192x128xf32, #tpu.memory_space<vmem>>, vector<8192x128xf32>,
    return
  }
  func.func @transform_0(%arg0: i32) -> (i32, i32) {
    %c0_i32 = arith.constant 0 : i32
    %c0_i32_0 = arith.constant 0 : i32
    return %c0_i32, %arg0 : i32, i32
  }
  func.func @transform_1(%arg0: i32) -> (i32, i32) {
    %c0_i32 = arith.constant 0 : i32
    %c0_i32_0 = arith.constant 0 : i32
    return %arg0, %c0_i32 : i32, i32
  }
}

module attributes {stable_mosaic.version = 14 : i64} {
  func.func @_to_body(%arg0: i32, %arg1: i32, %arg2: memref<8192x128xf32, #tpu.memory_space<vmem>>, %arg3: memref<1x64x16384xf32, #tpu.memory_space<vmem>>) attributes {dimension_semantics = [#tpu.dimension_semantics<arbitrary>, #tpu.dimension_semantics<arbitrary>], iteration_bounds = array<i64: 50, 1>, scalar_prefetch = 0 : i64, scratch_operands = 0 : i64, tpu.core_type = #tpu.core_type<tc>, window_params = [{transform_indices = @transform_0, window_bounds = array<i64: 8192, 128>}, {transform_indices = @transform_1, window_bounds = array<i64: 1, 64, 16384>}]} {
    %get3A = arith.constant 0 : index
    %get3A_0 = arith.constant 0 : index
    %get3A_1 = vector.load %arg2[%get3A, %get3A_0] : memref<8192x128xf32, #tpu.memory_space<vmem>>, vector<8192x128xf32>
    %slice3A = vector.extract_strided_slice %get3A_1 {offsets = [0, 0], sizes = [8192, 64], strides = [1, 1]} : vector<8192x128xf32> to vector<8192x64xf32>
    %transpose3A = tpu.transpose %slice3A, [1, 0] : vector<8192x64xf32> -> vector<64x8192xf32>
    %slice3A_2 = vector.extract_strided_slice %get3A_1 {offsets = [0, 64], sizes = [8192, 64], strides = [1, 1]} : vector<8192x128xf32> to vector<8192x64xf32>
    %transpose3A_3 = tpu.transpose %slice3A_2, [1, 0] : vector<8192x64xf32> -> vector<64x8192xf32>
    %concatenate3A = tpu.concatenate %transpose3A, %transpose3A_3 in 1 : vector<64x8192xf32>, vector<64x8192xf32> -> vector<64x16384xf32>
    %swap3A = arith.constant 0 : index
    %swap3A_4 = arith.constant 0 : index
    %swap3A_5 = arith.constant 0 : index
    %swap3A_6 = vector.load %arg3[%swap3A, %swap3A_4, %swap3A_5] : memref<1x64x16384xf32, #tpu.memory_space<vmem>>, vector<1x64x16384xf32>
    %swap3A_7 = vector.shape_cast %swap3A_6 : vector<1x64x16384xf32> to vector<64x16384xf32>
    %swap3A_8 = vector.shape_cast %concatenate3A : vector<64x16384xf32> to vector<1x64x16384xf32>
    tpu.vector_store %arg3[%swap3A, %swap3A_4, %swap3A_5], %swap3A_8 {strides = array<i32>} : memref<1x64x16384xf32, #tpu.memory_space<vmem>>, vector<1x64x16384xf32>,
    return
  }
  func.func @transform_0(%arg0: i32, %arg1: i32) -> (i32, i32) {
    %mul3A = arith.constant 1 : i32
    %mul3A_0 = arith.muli %arg0, %mul3A : i32
    %add3A = arith.addi %mul3A_0, %arg1 : i32
    %c0_i32 = arith.constant 0 : i32
    %c0_i32_1 = arith.constant 0 : i32
    return %add3A, %c0_i32 : i32, i32
  }
  func.func @transform_1(%arg0: i32, %arg1: i32) -> (i32, i32, i32) {
    %c0_i32 = arith.constant 0 : i32
    %c0_i32_0 = arith.constant 0 : i32
    return %arg0, %c0_i32, %arg1 : i32, i32, i32
  }
}

module attributes {stable_mosaic.version = 14 : i64} {
  func.func @_to_body(%arg0: i32, %arg1: i32, %arg2: memref<8192x128xf32, #tpu.memory_space<vmem>>, %arg3: memref<1x64x16384xf32, #tpu.memory_space<vmem>>) attributes {dimension_semantics = [#tpu.dimension_semantics<arbitrary>, #tpu.dimension_semantics<arbitrary>], iteration_bounds = array<i64: 10, 1>, scalar_prefetch = 0 : i64, scratch_operands = 0 : i64, tpu.core_type = #tpu.core_type<tc>, window_params = [{transform_indices = @transform_0, window_bounds = array<i64: 8192, 128>}, {transform_indices = @transform_1, window_bounds = array<i64: 1, 64, 16384>}]} {
    %get3A = arith.constant 0 : index
    %get3A_0 = arith.constant 0 : index
    %get3A_1 = vector.load %arg2[%get3A, %get3A_0] : memref<8192x128xf32, #tpu.memory_space<vmem>>, vector<8192x128xf32>
    %slice3A = vector.extract_strided_slice %get3A_1 {offsets = [0, 0], sizes = [8192, 64], strides = [1, 1]} : vector<8192x128xf32> to vector<8192x64xf32>
    %transpose3A = tpu.transpose %slice3A, [1, 0] : vector<8192x64xf32> -> vector<64x8192xf32>
    %slice3A_2 = vector.extract_strided_slice %get3A_1 {offsets = [0, 64], sizes = [8192, 64], strides = [1, 1]} : vector<8192x128xf32> to vector<8192x64xf32>
    %transpose3A_3 = tpu.transpose %slice3A_2, [1, 0] : vector<8192x64xf32> -> vector<64x8192xf32>
    %concatenate3A = tpu.concatenate %transpose3A, %transpose3A_3 in 1 : vector<64x8192xf32>, vector<64x8192xf32> -> vector<64x16384xf32>
    %swap3A = arith.constant 0 : index
    %swap3A_4 = arith.constant 0 : index
    %swap3A_5 = arith.constant 0 : index
    %swap3A_6 = vector.load %arg3[%swap3A, %swap3A_4, %swap3A_5] : memref<1x64x16384xf32, #tpu.memory_space<vmem>>, vector<1x64x16384xf32>
    %swap3A_7 = vector.shape_cast %swap3A_6 : vector<1x64x16384xf32> to vector<64x16384xf32>
    %swap3A_8 = vector.shape_cast %concatenate3A : vector<64x16384xf32> to vector<1x64x16384xf32>
    tpu.vector_store %arg3[%swap3A, %swap3A_4, %swap3A_5], %swap3A_8 {strides = array<i32>} : memref<1x64x16384xf32, #tpu.memory_space<vmem>>, vector<1x64x16384xf32>,
    return
  }
  func.func @transform_0(%arg0: i32, %arg1: i32) -> (i32, i32) {
    %mul3A = arith.constant 1 : i32
    %mul3A_0 = arith.muli %arg0, %mul3A : i32
    %add3A = arith.addi %mul3A_0, %arg1 : i32
    %c0_i32 = arith.constant 0 : i32
    %c0_i32_1 = arith.constant 0 : i32
    return %add3A, %c0_i32 : i32, i32
  }
  func.func @transform_1(%arg0: i32, %arg1: i32) -> (i32, i32, i32) {
    %c0_i32 = arith.constant 0 : i32
    %c0_i32_0 = arith.constant 0 : i32
    return %arg0, %c0_i32, %arg1 : i32, i32, i32
  }
}

module attributes {stable_mosaic.version = 14 : i64} {
  func.func @_to2_body(%arg0: i32, %arg1: memref<8192x128xf32, #tpu.memory_space<vmem>>, %arg2: memref<64x16384xf32, #tpu.memory_space<vmem>>) attributes {dimension_semantics = [#tpu.dimension_semantics<arbitrary>], iteration_bounds = array<i64: 1>, scalar_prefetch = 0 : i64, scratch_operands = 0 : i64, tpu.core_type = #tpu.core_type<tc>, window_params = [{transform_indices = @transform_0, window_bounds = array<i64: 8192, 128>}, {transform_indices = @transform_1, window_bounds = array<i64: 64, 16384>}]} {
    %get3A = arith.constant 0 : index
    %get3A_0 = arith.constant 0 : index
    %get3A_1 = vector.load %arg1[%get3A, %get3A_0] : memref<8192x128xf32, #tpu.memory_space<vmem>>, vector<8192x128xf32>
    %slice3A = vector.extract_strided_slice %get3A_1 {offsets = [0, 0], sizes = [8192, 64], strides = [1, 1]} : vector<8192x128xf32> to vector<8192x64xf32>
    %transpose3A = tpu.transpose %slice3A, [1, 0] : vector<8192x64xf32> -> vector<64x8192xf32>
    %slice3A_2 = vector.extract_strided_slice %get3A_1 {offsets = [0, 64], sizes = [8192, 64], strides = [1, 1]} : vector<8192x128xf32> to vector<8192x64xf32>
    %transpose3A_3 = tpu.transpose %slice3A_2, [1, 0] : vector<8192x64xf32> -> vector<64x8192xf32>
    %concatenate3A = tpu.concatenate %transpose3A, %transpose3A_3 in 1 : vector<64x8192xf32>, vector<64x8192xf32> -> vector<64x16384xf32>
    %swap3A = arith.constant 0 : index
    %swap3A_4 = arith.constant 0 : index
    %swap3A_5 = vector.load %arg2[%swap3A, %swap3A_4] : memref<64x16384xf32, #tpu.memory_space<vmem>>, vector<64x16384xf32>
    tpu.vector_store %arg2[%swap3A, %swap3A_4], %concatenate3A {strides = array<i32>} : memref<64x16384xf32, #tpu.memory_space<vmem>>, vector<64x16384xf32>,
    return
  }
  func.func @transform_0(%arg0: i32) -> (i32, i32) {
    %c0_i32 = arith.constant 0 : i32
    %c0_i32_0 = arith.constant 0 : i32
    return %arg0, %c0_i32 : i32, i32
  }
  func.func @transform_1(%arg0: i32) -> (i32, i32) {
    %c0_i32 = arith.constant 0 : i32
    %c0_i32_0 = arith.constant 0 : i32
    return %c0_i32, %arg0 : i32, i32
  }
}

</mosaic_0001>

<sc_bundles>
// kernel: _run.12.cloned.1.call-start
scs
__scs_entry_jumppad:
0x0: {  	(pc) =	sbr.rel $0x88, $3  }
0x1: {  	(tag) =	ssettag $0x0;
	lr =	simm.s32 $0x1  }
0x2: {  	[smem:$0x3F9C] =	sst lr;
	_ =	strace $0xD0000000  }
0x3: {  	_ = 	snop  }
0x4: {  	_ = 	snop  }
0x5: {  	_ = 	snop  }
0x6: {  	_ = 	snop  }
0x7: {  	_ = 	snop  }
__scs_overlays_trampoline_lowered:
0x8: {  	[smem:$0x3FAB] =	sst s0  }
0x9: {  	[smem:$0x3FAC] =	sst s1  }
0xa: {  	[smem:$0x3FAD] =	sst s2  }
0xb: {  	[smem:$0x3FAE] =	sst s3  }
0xc: {  	[smem:$0x3FAF] =	sst s4  }
0xd: {  	[smem:$0x3FB0] =	sst s5  }
0xe: {  	[smem:$0x3FB1] =	sst s6  }
0xf: {  	[smem:$0x3FB2] =	sst s7  }
0x10: {  	[smem:$0x3FB3] =	sst s8  }
0x11: {  	[smem:$0x3FB4] =	sst s9;
	s0 =	simm.s32 @!p0 $0x0  }
0x12: {  	s1 =	sld [smem:$0x3F9A];
	s0 =	simm.s32 @p0 $0x1  }
0x13: {  	[smem:$0x3FB5] =	sst s0;
	s0 =	simm.s32 @!p1 $0x0  }
0x14: {  	s2 =	sld [smem:$0x3F99];
	s0 =	simm.s32 @p1 $0x1  }
0x15: {  	[smem:$0x3FB6] =	sst s0;
	s0 =	simm.s32 @!p2 $0x0  }
0x16: {  	s3 =	sld [smem:$0x3FDB];
	s0 =	simm.s32 @p2 $0x1  }
0x17: {  	s4 =	simm.s32 $0x1BF5;
	[smem:$0x3FB8] =	sst s0  }
0x18: {  	s0 =	sld [smem:$0x3F9B];
	_ =	swait.ge [sflag:s4], $0x0  }
0x19: {  	s7 =	sld [smem:$0x3F9C]  }
0x1a: {  	s8 =	sadd.s32 $0xFFFFE003, lr  }
0x1b: {  	s9 =	sadd.s32 $0xFFFFFEF7, lr;
	s5 =	simm.s32 $0xFFFFFFFF;
	p2 =	slt.u32 s8, $0xFFFFF086  }
0x1c: {  	p1 =	slt.u32 s9, $0xF7A;
	s5 =	simm.s32 @!p2 $0x0  }
0x1d: {  	s5 =	simm.s32 @p1 $0x1;
	p0 =	seq.s32 s7, s2  }
0x1e: {  	s7 =	smul.u32 @!p0 $0xF7A, s2;
	p2 =	seq.s32 @!p0 s5, $0x0  }
0x1f: {  	s9 =	smul.u32 $0xF7A, s1;
	s8 =	simm.s32 @!p0 $0x1BF5;
	p2 =	por !p2, p0  }
0x20: {  	[sflag:s8] =	ssyncset.s32 @!p0 $0xFFFFF086;
	s6 =	sadd.s32 @!p0 s3, s7;
	s7 =	simm.s32 @!p0 $0x108  }
0x21: {  	s3 =	sadd.s32 s3, s9;
	s6 =	sadd.s32 @!p0 $0x88, s6;
	s7 =	simm.s32 @p2 $0x1082  }
0x22: {  	[simem:s7], [sflag:s8] =	dma.local @!p0 [hbm:s6], $0xF7A  }
0x23: {  	s9 =	sor.u32 $0xD0000000, s2;
	s6 =	simm.s32 $0x108;
	_ =	swait.ge @!p0 [sflag:s8], $0x0  }
0x24: {  	s3 =	sadd.s32 $0x88, s3;
	s6 =	simm.s32 @!p1 $0x1082;
	[sflag:s4] =	ssyncset.s32 $0xFFFFF086  }
0x25: {  	[simem:s6], [sflag:s4] =	dma.local [hbm:s3], $0xF7A  }
0x26: {  	[smem:$0x3F9C] =	sst s1;
	(tag) =	ssettag s2;
	_ =	strace s9  }
0x27: {  	s1 =	sld [smem:$0x3FAC]  }
0x28: {  	s2 =	sld [smem:$0x3FAD]  }
0x29: {  	s4 =	sld [smem:$0x3FAF]  }
0x2a: {  	p0 =	seq.s32 s5, $0x0;
	s5 =	sld [smem:$0x3FB0]  }
0x2b: {  	s6 =	sld [smem:$0x3FB1]  }
0x2c: {  	s7 =	sld [smem:$0x3FB2]  }
0x2d: {  	s3 =	simm.s32 $0x108;
	s8 =	sld [smem:$0x3FB3]  }
0x2e: {  	s3 =	simm.s32 @!p0 $0x1082;
	s9 =	sld [smem:$0x3FB4]  }
0x2f: {  	lr =	sadd.s32 s0, s3;
	s0 =	sld [smem:$0x3FAB]  }
0x30: {  	s3 =	sld [smem:$0x3FAE]  }
0x31: {  	[smem:$0x3FB7] =	sst s10  }
0x32: {  	s10 =	sld [smem:$0x3FB5];
	_ =	sdelay $0x3  }
0x33: {  	p0 =	seq.s32 s10, $0x1;
	s10 =	sld [smem:$0x3FB7];
	_ =	sdelay $0x3  }
0x34: {  	[smem:$0x3FB7] =	sst s10  }
0x35: {  	s10 =	sld [smem:$0x3FB6];
	_ =	sdelay $0x3  }
0x36: {  	p1 =	seq.s32 s10, $0x1;
	s10 =	sld [smem:$0x3FB7];
	_ =	sdelay $0x3  }
0x37: {  	[smem:$0x3FB7] =	sst s10  }
0x38: {  	s10 =	sld [smem:$0x3FB8]  }
0x39: {  	_ = 	snop;
	(pc) =	sbr.ind lr, $3  }
0x3a: {  	_ = 	snop  }
0x3b: {  	_ = 	snop  }
0x3c: {  	p2 =	seq.s32 s10, $0x1;
	s10 =	sld [smem:$0x3FB7]  }
0x3d: {  	_ =	shalt  }
0x3e: {  	_ =	shalt  }
0x3f: {  	_ =	shalt  }
0x40: {  	_ =	shalt  }
0x41: {  	_ =	shalt  }
0x42: {  	_ =	shalt  }
0x43: {  	_ =	shalt  }
0x44: {  	_ =	shalt  }
0x45: {  	_ =	shalt  }
0x46: {  	_ =	shalt  }
0x47: {  	_ =	shalt  }
0x48: {  	_ =	shalt  }
0x49: {  	_ =	shalt  }
0x4a: {  	_ =	shalt  }
0x4b: {  	_ =	shalt  }
0x4c: {  	_ =	shalt  }
0x4d: {  	_ =	shalt  }
0x4e: {  	_ =	shalt  }
0x4f: {  	_ =	shalt  }
0x50: {  	_ =	shalt  }
0x51: {  	_ =	shalt  }
0x52: {  	_ =	shalt  }
0x53: {  	_ =	shalt  }
0x54: {  	_ =	shalt  }
0x55: {  	_ =	shalt  }
0x56: {  	_ =	shalt  }
0x57: {  	_ =	shalt  }
0x58: {  	_ =	shalt  }
0x59: {  	_ =	shalt  }
0x5a: {  	_ =	shalt  }
0x5b: {  	_ =	shalt  }
0x5c: {  	_ =	shalt  }
0x5d: {  	_ =	shalt  }
0x5e: {  	_ =	shalt  }
0x5f: {  	_ =	shalt  }
0x60: {  	_ =	shalt  }
0x61: {  	_ =	shalt  }
0x62: {  	_ =	shalt  }
0x63: {  	_ =	shalt  }
0x64: {  	_ =	shalt  }
0x65: {  	_ =	shalt  }
0x66: {  	_ =	shalt  }
0x67: {  	_ =	shalt  }
0x68: {  	_ =	shalt  }
0x69: {  	_ =	shalt  }
0x6a: {  	_ =	shalt  }
0x6b: {  	_ =	shalt  }
0x6c: {  	_ =	shalt  }
0x6d: {  	_ =	shalt  }
0x6e: {  	_ =	shalt  }
0x6f: {  	_ =	shalt  }
0x70: {  	_ =	shalt  }
0x71: {  	_ =	shalt  }
0x72: {  	_ =	shalt  }
0x73: {  	_ =	shalt  }
0x74: {  	_ =	shalt  }
0x75: {  	_ =	shalt  }
0x76: {  	_ =	shalt  }
0x77: {  	_ =	shalt  }
0x78: {  	_ =	shalt  }
0x79: {  	_ =	shalt  }
0x7a: {  	_ =	shalt  }
0x7b: {  	_ =	shalt  }
0x7c: {  	_ =	shalt  }
0x7d: {  	_ =	shalt  }
0x7e: {  	_ =	shalt  }
0x7f: {  	_ =	shalt  }
0x80: {  	_ =	shalt  }
0x81: {  	_ =	shalt  }
0x82: {  	_ =	shalt  }
0x83: {  	_ =	shalt  }
0x84: {  	_ =	shalt  }
0x85: {  	_ =	shalt  }
0x86: {  	_ =	shalt  }
0x87: {  	_ =	shalt  }
.Lfunc_end0:
.L_simem_size_0:
called_computation.1_lowered:
.L_overlay_start_0:
0x88: {  	s2 =	sld [smem:$0x3FD9]  }
0x89: {  	s3 =	sld [smem:$0x3FFE];
	_ =	sdelay $0x1  }
0x8a: {  	s1 =	srdreg.scid  }
0x8b: {  	s0 =	sand.u32 $0x1, s1  }
0x8c: {  	s14 =	sshll.u32 s0, $0xA;
	s2 =	sadd.s32 s3, s2  }
0x8d: {  	s2 =	sadd.s32 s2, s14  }
0x8e: {  	[smem:$0x3FC3] =	sst s2  }
0x8f: {  	_ = 	snop  }
0x90: {  	s2 =	sld [smem:$0x3FD0];
	_ =	sdelay $0x2  }
0x91: {  	s15 =	simm.s32 $0xB;
	s4 =	simm.s32 $0x10  }
0x92: {  	[smem:s4], [sflag:s15] =	dma.local [hbm:s2], $0x1  }
0x93: {  	_ =	swait.eq [sflag:s15], $0x1  }
0x94: {  	[sflag:s15] =	ssyncset.done $0x0  }
0x95: {  	s16 =	sld [smem:$0x11];
	[sflag:s15] =	ssyncadd.s32 $0xFFFFFFFF  }
0x96: {  	s17 =	sld [smem:$0x12];
	(tm) =	ssettm $0x1  }
0x97: {  	s18 =	sld [smem:$0x3FFB];
	_ =	sdelay $0x3  }
0x98: {  	_ =	strace s18  }
0x99: {  	s4 =	sld [smem:$0x3FFC];
	_ =	sdelay $0x3  }
0x9a: {  	_ =	strace s4  }
0x9b: {  	s4 =	sld [smem:$0x3FFD];
	_ =	sdelay $0x3  }
0x9c: {  	_ =	strace s4  }
0x9d: {  	_ =	strace $0x8FFFFFFF  }
0x9e: {  	s19 =	sld [smem:$0x3FDB];
	_ =	sdelay $0x1  }
0x9f: {  	s5 =	simm.s32 $_scs_section_size  }
0xa0: {  	s6 =	simm.s32 $_size__tile_overlayer_lowered;
	s7 =	simm.s32 $_tile_overlayer_lowered  }
0xa1: {  	s22 =	simm.s32 $0x1BFF;
	s21 =	sshll.u32 s7, $0x1;
	s4 =	sadd.s32 s5, s19  }
0xa2: {  	s8 =	simm.s32 $0x0;
	s20 =	sshll.u32 s6, $0x1;
	s6 =	sadd.s32 s21, s4  }
0xa3: {  	[timem:s8], [sflag:s22] =	dma.local [hbm:s6], s20  }
0xa4: {  	_ =	swait.ge [sflag:s22], s20  }
0xa5: {  	s5 =	ssub.s32 $0x0, s20;
	[sflag:s22] =	ssyncset.done $0x0  }
0xa6: {  	[sflag:s22] =	ssyncadd.s32 s5;
	_ =	sdelay $0x1  }
0xa7: {  	s23 =	simm.s32 $0x1B8B  }
0xa8: {  	_ =	swait.ge [sflag:s23], $0x1  }
0xa9: {  	[sflag:s23] =	ssyncset.done $0x0  }
0xaa: {  	s25 =	simm.s32 $0x1B8E;
	s24 =	sld [smem:$0x3FFE];
	[sflag:s23] =	ssyncadd.s32 $0xFFFFFFFF  }
0xab: {  	s26 =	simm.s32 $execute0_lowered;
	[smem:$0x3FD2] =	sst s25  }
0xac: {  	s6 =	sshll.u32 s26, $0x1;
	_ =	strace $0x80000046;
	[dreg:$0x1] =	wrdreg $0xFFFFFFFF  }
0xad: {  	s28 =	simm.s32 $_size_execute0_lowered;
	s4 =	sadd.s32 s4, s6;
	[dreg:$0x0] =	wrdreg $0x0  }
0xae: {  	s6 =	sshll.u32 s28, $0x1;
	[dreg:$0x2] =	wrdreg s4  }
0xaf: {  	[dreg:$0x3] =	wrdreg s6  }
0xb0: {  	[dreg:$0x4] =	wrdreg $0xC0  }
0xb1: {  	_ =	task [dreg:s8], $0x5FFFF  }
0xb2: {  	[dreg:$0x1] =	wrdreg $0xFFFFFFFF  }
0xb3: {  	[dreg:$0x0] =	wrdreg $0x60  }
0xb4: {  	[dreg:$0x2] =	wrdreg s24  }
0xb5: {  	[dreg:$0x3] =	wrdreg s17  }
0xb6: {  	[dreg:$0x4] =	wrdreg s16  }
0xb7: {  	[dreg:$0x5] =	wrdreg $0xA  }
0xb8: {  	_ =	task.clear_ibuf [dreg:s8], $0x6FFFF;
	_ =	strace $0x90000046  }
0xb9: {  	s29 =	simm.s32 $0xA;
	_ =	strace $0x80000048  }
0xba: {  	_ =	swait.ge [sflag:s29], $0x1  }
0xbb: {  	[sflag:s29] =	ssyncadd.s32 $0xFFFFFFFF  }
0xbc: {  	_ =	strace $0x90000048  }
0xbd: {  	_ =	sfence  }
0xbe: {  	s30 =	sld [smem:$0x0];
	_ =	sdelay $0x2  }
0xbf: {  	s31 =	sshll.u32 s1, $0xD;
	s1 =	sshrl.u32 s1, $0x2  }
0xc0: {  	s3 =	sand.u32 $0x4000, s31;
	s1 =	sadd.s32 s1, s30  }
0xc1: {  	s0 =	sor.u32 s3, s0;
	s1 =	sshll.u32 s1, $0x11  }
0xc2: {  	s0 =	sor.u32 s1, s0  }
0xc3: {  	s0 =	sadd.s32 $0x8F2B, s0  }
0xc4: {  	[sflag:s0] =	ssyncadd.remote.s32 $0x1  }
0xc5: {  	_ =	sfence.sel $0xFFFF  }
0xc6: {  	[dreg:$0x0] =	wrdreg $0xFFFFFFFF;
	(pc) =	sbr.abs _section_cstart, $3  }
0xc7: {  	[dreg:$0x1] =	wrdreg $0xFFFFFFFF  }
0xc8: {  	_ =	task.clear_ibuf [dreg:s8], $0x2FFFF;
	_ =	strace $0x9FFFFFFF  }
0xc9: {  	(tm) =	ssettm $0x7FFFFFFF  }
tec
execute0_lowered:
.L_overlay_start_1:
0x0: {  	(tag) =	ssettag $0x1  }
0x1: {  	s0 =	rddreg [dreg:$0x0];
	s20 =	stileid.u32  }
0x2: {  	s1 =	srdreg.scid;
	s18 =	smul.u32 $0x320000, s20  }
0x3: {  	s2 =	rddreg [dreg:$0x1];
	s1 =	sand.u32 $0x1, s1;
	s31 =	smul.u32 $0xC800, s20  }
0x4: {  	s3 =	rddreg [dreg:$0x2];
	s4 =	sshll.u32 s20, $0x1;
	s29 =	smul.u32 $0x190000, s1  }
0x5: {  	s8 =	sor.u32 s1, s4;
	s11 =	ssub.s32 $0x2, s1;
	s1 =	smul.u32 $0x6400, s1  }
0x6: {  	s6 =	sadd.s32 $0x1200, s0;
	s10 =	sadd.s32 $0xE01200, s0;
	s5 =	smul.u32 $0x1400, s8  }
0x7: {  	s0 =	sadd.s32 $0x7C1200, s0;
	s4 =	simm.s32 $0x0;
	s14 =	smul.u32 $0x50000, s8  }
0x8: {  	[smem:$0x7FF] =	sst s4;
	s22 =	sshrl.u32 s11, $0x1;
	s17 =	smul.u32 $0x190000, s8  }
0x9: {  	s28 =	smul.u32 $0xA000, s8;
	_ =	strace $0x80000047;
	s13 =	ssub.s32 s11, s22  }
0xa: {  	s1 =	sadd.s32 s1, s31;
	s7 =	sshrl.u32 s5, $0x1;
	s9 =	sand.u32 $0x3C000, s5  }
0xb: {  	s11 =	sadd.s32 $0x400, s5;
	s13 =	smax.u32 s13, $0x1;
	s30 =	sshrl.u32 s14, $0x3  }
0xc: {  	s20 =	sshrl.u32 s17, $0x3;
	s1 =	sshll.u32 s1, $0x3;
	s7 =	sand.u32 $0x1E00, s7  }
0xd: {  	s14 =	simm.s32 $0x2;
	s17 =	simm.s32 $0x200;
	s7 =	sor.u32 s9, s7  }
0xe: {  	[dreg:$0x8] =	wrdreg s13;
	s22 =	sadd.s32 s0, s20;
	s12 =	sshrl.u32 s7, $0x3  }
0xf: {  	s9 =	sadd.s32 $0x400, s2;
	s7 =	smul.u32 $0x6400, s8;
	s23 =	sadd.s32 s2, s12  }
0x10: {  	s8 =	smul.u32 $0x32000, s8;
	s24 =	sadd.s32 s12, s9;
	[dreg:$0x4] =	wrdreg s23  }
0x11: {  	[dreg:$0x5] =	wrdreg s24;
	s25 =	sshrl.u32 s7, $0x1;
	s26 =	sand.u32 $0xFC000, s7  }
0x12: {  	s8 =	sadd.s32 s0, s8;
	s15 =	sand.u32 $0x1E00, s25;
	s25 =	sadd.s32 $0x30000, s22  }
0x13: {  	s22 =	simm.s32 $0x0;
	s12 =	sor.u32 s26, s15;
	[dreg:$0xe] =	wrdreg s25  }
0x14: {  	s26 =	sadd.s32 $0x31000, s8;
	s16 =	sshrl.u32 s12, $0x3;
	s12 =	sadd.s32 $0x400, s3  }
0x15: {  	[dreg:$0xf] =	wrdreg s26;
	s19 =	sadd.s32 s3, s16;
	s16 =	sadd.s32 s16, s12  }
0x16: {  	[dreg:$0x7] =	wrdreg s16;
	s16 =	sadd.s32 s10, s30;
	s10 =	sadd.s32 s10, s28  }
0x17: {  	s8 =	simm.s32 $0x7A00;
	[dreg:$0x6] =	wrdreg s19;
	s15 =	sadd.s32 $0x1000, s10  }
0x18: {  	s26 =	sadd.s32 $0x400, s7;
	s21 =	sadd.s32 $0x5000, s10;
	[dreg:$0x9] =	wrdreg s15  }
0x19: {  	s19 =	sadd.s32 s29, s18;
	s23 =	sadd.s32 $0x7000, s10;
	[dreg:$0xb] =	wrdreg s21  }
0x1a: {  	s18 =	simm.s32 $0x7C00;
	s24 =	sadd.s32 $0x9000, s10;
	[dreg:$0xc] =	wrdreg s23  }
0x1b: {  	s13 =	sshrl.u32 s19, $0x3;
	s28 =	sadd.s32 $0x2000, s16;
	[dreg:$0xd] =	wrdreg s24  }
0x1c: {  	s29 =	sadd.s32 $0x4000, s16;
	s30 =	sadd.s32 $0x6000, s16;
	[dreg:$0x10] =	wrdreg s28  }
0x1d: {  	s31 =	sadd.s32 $0x8000, s16;
	s19 =	simm.s32 $0xFC00;
	[dreg:$0x11] =	wrdreg s29  }
0x1e: {  	s15 =	sadd.s32 $0x3000, s10;
	s20 =	sadd.s32 s13, s0;
	[dreg:$0x12] =	wrdreg s30  }
0x1f: {  	v0 =	vlaneseq.u32;
	s0 =	sadd.s32 s1, s0;
	[dreg:$0x13] =	wrdreg s31;
	s10 =	simm.s32 $0x7B00  }
0x20: {  	v0 =	vmul.u32 $0x2, v0;
	s13 =	simm.s32 $0x1;
	s21 =	simm.s32 $0x3;
	s1 =	simm.s32 $0x4  }
0x21: {  	[dreg:$0xa] =	wrdreg s15;
	s25 =	sadd.s32 $0x1000, s0;
	s15 =	simm.s32 $0x1400  }
.LBB2_1:
0x22: {  	s0 =	rddreg [dreg:$0x4];
	s23 =	simm.s32 $0x7800  }
0x23: {  	[tilespmem:s23], [sflag:$0x1] =	stream.linear.gather [hbm4b:s0+s4], $0x100, $0x38;
	[tilespmem:$0x17C00] =	vst v63  }
0x24: {  	s30 =	rddreg [dreg:$0x5];
	s31 =	simm.s32 $0x7900;
	s0 =	simm.s32 $0x0  }
0x25: {  	[tilespmem:s31], [sflag:$0x1] =	stream.linear.gather [hbm4b:s30+s4], $0x100, $0x38;
	[tilespmem:$0x17C00] =	vst v63  }
.LBB2_2:
0x26: {  	s24 =	sshll.u32 s0, $0xA  }
0x27: {  	s28 =	sadd.s32 s24, s5  }
0x28: {  	s23 =	sor.u32 $0x200, s24;
	s28 =	sadd.s32 $0x200, s28  }
0x29: {  	s29 =	sadd.s32 s5, s23;
	s28 =	sshrl.u32 s28, $0x1  }
0x2a: {  	s29 =	sand.u32 $0x7C000, s29;
	s28 =	sand.u32 $0x1F00, s28  }
0x2b: {  	s28 =	sor.u32 s29, s28  }
0x2c: {  	s28 =	sshrl.u32 s28, $0x3  }
0x2d: {  	s30 =	simm.s32 $0x0;
	s29 =	sadd.s32 s2, s28  }
0x2e: {  	[tilespmem:s8], [sflag:$0x2] =	stream.linear.gather [hbm4b:s29+s30], $0x100, $0x38;
	[tilespmem:$0x17C00] =	vst v63  }
0x2f: {  	s28 =	sadd.s32 s28, s9  }
0x30: {  	[tilespmem:s10], [sflag:$0x2] =	stream.linear.gather [hbm4b:s28+s30], $0x100, $0x38;
	[tilespmem:$0x17C00] =	vst v63  }
0x31: {  	_ =	swait.ge [sflag:s13], $0x100  }
0x32: {  	[sflag:s13] =	ssyncset.done $0x0  }
0x33: {  	[sflag:s13] =	ssyncadd.s32 $0xFFFFFF00  }
0x34: {  	_ =	swait.ge [sflag:s13], $0x100  }
0x35: {  	[sflag:s13] =	ssyncset.done $0x0  }
0x36: {  	s28 =	simm.s32 $0x7900;
	[sflag:s13] =	ssyncadd.s32 $0xFFFFFF00  }
0x37: {  	v4 =	vld [tilespmem:s28+$0x0]  }
0x38: {  	v1 =	vmov s24;
	v5 =	vmov s30;
	v3 =	vld [tilespmem:s28+$0xFFFFFF00]  }
0x39: {  	v2 =	vand.u32 $0x7FFFFFF8, v1;
	v5 =	vshll.u32 v5, $0x1;
	s29 =	simm.s32 $0x10  }
.LBB2_3:
0x3a: {  	p0 =	sne.s32 s29, $0xF0;
	v5 =	vor.u32 v0, v5  }
0x3b: {  	v6 =	vor.u32 v2, v5  }
0x3c: {  	v5 =	vor.u32 v1, v5;
	v7 =	vand.u32 $0xFFFFC000, v4;
	v6 =	vor.u32 $0x1, v6  }
0x3d: {  	v9 =	vshrl.u32 v4, $0xD;
	v4 =	vshll.u32 v4, $0x1;
	v8 =	vshll.u32 v3, $0x1  }
0x3e: {  	v10 =	vand.u32 $0xFFFFC000, v3;
	v3 =	vshrl.u32 v3, $0xD;
	v8 =	vand.u32 $0x3FFE, v8  }
0x3f: {  	v4 =	vand.u32 $0x3FFE, v4;
	v3 =	vand.u32 $0x1, v3;
	v8 =	vor.u32 v10, v8  }
0x40: {  	v4 =	vor.u32 v7, v4;
	v3 =	vor.u32 v3, v8;
	v8 =	vand.u32 $0x1, v9  }
.Ltmp0:
0x41: {  	v4 =	vor.u32 v8, v4;
	[tilespmem:v5+s4+$0x0] =	vst.idx.msk $0xffff, v3;
	(pc) =	sbr.rel @p0 .LBB2_3-.Ltmp0, $4  }
0x42: {  	s28 =	sadd.s32 $0x10, s28;
	[tilespmem:v6+s4+$0x0] =	vst.idx.msk $0xffff, v4  }
0x43: {  	v4 =	vld [tilespmem:s28+$0x0]  }
0x44: {  	v5 =	vmov s29;
	v3 =	vld [tilespmem:s28+$0xFFFFFF00]  }
0x45: {  	s29 =	sadd.s32 $0x10, s29;
	v5 =	vshll.u32 v5, $0x1  }
0x46: {  	v5 =	vor.u32 v0, v5  }
0x47: {  	v2 =	vor.u32 v2, v5  }
0x48: {  	p0 =	seq.s32 s0, $0x4;
	v1 =	vor.u32 v1, v5;
	v6 =	vand.u32 $0xFFFFC000, v4;
	v2 =	vor.u32 $0x1, v2  }
0x49: {  	s24 =	sadd.s32 @!p0 s24, s11;
	v7 =	vshrl.u32 v4, $0xD;
	v4 =	vshll.u32 v4, $0x1;
	v5 =	vshll.u32 v3, $0x1  }
0x4a: {  	s28 =	sshrl.u32 @!p0 s24, $0x1;
	v8 =	vand.u32 $0xFFFFC000, v3;
	v3 =	vshrl.u32 v3, $0xD;
	v5 =	vand.u32 $0x3FFE, v5  }
0x4b: {  	s24 =	sand.u32 @!p0 $0x7C000, s24;
	v4 =	vand.u32 $0x3FFE, v4;
	s28 =	sand.u32 @!p0 $0x1E00, s28;
	v3 =	vand.u32 $0x1, v3;
	v5 =	vor.u32 v8, v5  }
0x4c: {  	v4 =	vor.u32 v6, v4;
	s24 =	sor.u32 @!p0 s24, s28;
	v3 =	vor.u32 v3, v5;
	v5 =	vand.u32 $0x1, v7  }
0x4d: {  	s24 =	sshrl.u32 @!p0 s24, $0x3;
	v4 =	vor.u32 v5, v4;
	[tilespmem:v1+s4+$0x0] =	vst.idx.msk $0xffff, v3  }
0x4e: {  	s29 =	simm.s32 @!p0 $0x0;
	s30 =	simm.s32 @!p0 $0x7800;
	s28 =	sadd.s32 @!p0 s2, s24;
	[tilespmem:v2+s4+$0x0] =	vst.idx.msk $0xffff, v4  }
0x4f: {  	[tilespmem:s30], [sflag:$0x1] =	stream.linear.gather @!p0 [hbm4b:s28+s29], $0x100, $0x38;
	[tilespmem:$0x17C00] =	vst v63  }
0x50: {  	s24 =	sadd.s32 @!p0 s24, s9;
	s28 =	simm.s32 @!p0 $0x7900  }
0x51: {  	[tilespmem:s28], [sflag:$0x1] =	stream.linear.gather @!p0 [hbm4b:s24+s29], $0x100, $0x38;
	[tilespmem:$0x17C00] =	vst v63  }
0x52: {  	_ =	swait.ge [sflag:s14], $0x100  }
0x53: {  	[sflag:s14] =	ssyncset.done $0x0  }
0x54: {  	[sflag:s14] =	ssyncadd.s32 $0xFFFFFF00  }
0x55: {  	_ =	swait.ge [sflag:s14], $0x100  }
0x56: {  	[sflag:s14] =	ssyncset.done $0x0  }
0x57: {  	s24 =	simm.s32 $0x7B00;
	[sflag:s14] =	ssyncadd.s32 $0xFFFFFF00  }
0x58: {  	s31 =	simm.s32 $0x0;
	v3 =	vld [tilespmem:s24+$0x0]  }
0x59: {  	v1 =	vmov s23;
	v5 =	vmov s31;
	v4 =	vld [tilespmem:s24+$0xFFFFFF00]  }
0x5a: {  	s23 =	simm.s32 $0x10;
	v2 =	vand.u32 $0x7FFFFFF8, v1;
	v5 =	vshll.u32 v5, $0x1  }
.LBB2_5:
0x5b: {  	p0 =	sne.s32 s23, $0xF0;
	v5 =	vor.u32 v0, v5  }
0x5c: {  	v6 =	vor.u32 v2, v5  }
0x5d: {  	v5 =	vor.u32 v1, v5;
	v7 =	vand.u32 $0xFFFFC000, v3;
	v6 =	vor.u32 $0x1, v6  }
0x5e: {  	v9 =	vshrl.u32 v3, $0xD;
	v3 =	vshll.u32 v3, $0x1;
	v8 =	vshll.u32 v4, $0x1  }
0x5f: {  	v10 =	vand.u32 $0xFFFFC000, v4;
	v4 =	vshrl.u32 v4, $0xD;
	v8 =	vand.u32 $0x3FFE, v8  }
0x60: {  	v3 =	vand.u32 $0x3FFE, v3;
	v4 =	vand.u32 $0x1, v4;
	v8 =	vor.u32 v10, v8  }
0x61: {  	v3 =	vor.u32 v7, v3;
	v4 =	vor.u32 v4, v8;
	v8 =	vand.u32 $0x1, v9  }
.Ltmp1:
0x62: {  	v3 =	vor.u32 v8, v3;
	[tilespmem:v5+s4+$0x0] =	vst.idx.msk $0xffff, v4;
	(pc) =	sbr.rel @p0 .LBB2_5-.Ltmp1, $4  }
0x63: {  	s24 =	sadd.s32 $0x10, s24;
	[tilespmem:v6+s4+$0x0] =	vst.idx.msk $0xffff, v3  }
0x64: {  	v3 =	vld [tilespmem:s24+$0x0]  }
0x65: {  	v5 =	vmov s23;
	v4 =	vld [tilespmem:s24+$0xFFFFFF00]  }
0x66: {  	s23 =	sadd.s32 $0x10, s23;
	v5 =	vshll.u32 v5, $0x1  }
0x67: {  	v5 =	vor.u32 v0, v5  }
0x68: {  	v2 =	vor.u32 v2, v5  }
0x69: {  	s0 =	sadd.s32 $0x1, s0;
	v1 =	vor.u32 v1, v5;
	v6 =	vand.u32 $0xFFFFC000, v3;
	v2 =	vor.u32 $0x1, v2  }
0x6a: {  	p0 =	sne.s32 s0, $0x5;
	v7 =	vshrl.u32 v3, $0xD;
	v3 =	vshll.u32 v3, $0x1;
	v61 =	vshll.u32 v4, $0x1  }
.Ltmp2:
0x6b: {  	v8 =	vand.u32 $0xFFFFC000, v4;
	v62 =	vshrl.u32 v4, $0xD;
	v5 =	vand.u32 $0x3FFE, v61;
	(pc) =	sbr.rel @p0 .LBB2_2-.Ltmp2, $4  }
0x6c: {  	v3 =	vand.u32 $0x3FFE, v3;
	v4 =	vand.u32 $0x1, v62;
	v5 =	vor.u32 v8, v5  }
0x6d: {  	v63 =	vand.u32 $0x1, v7;
	v3 =	vor.u32 v6, v3;
	v4 =	vor.u32 v4, v5  }
0x6e: {  	v3 =	vor.u32 v63, v3;
	[tilespmem:v1+s4+$0x0] =	vst.idx.msk $0xffff, v4  }
0x6f: {  	[tilespmem:v2+s4+$0x0] =	vst.idx.msk $0xffff, v3  }
0x70: {  	s0 =	simm.s32 $0x0;
	s23 =	rddreg [dreg:$0x6];
	s24 =	simm.s32 $0x7800  }
0x71: {  	[tilespmem:s24], [sflag:$0x1] =	stream.linear.gather [hbm4b:s23+s0], $0x100, $0x38;
	[tilespmem:$0x17C00] =	vst v63  }
0x72: {  	s30 =	rddreg [dreg:$0x7];
	s31 =	simm.s32 $0x7900;
	s23 =	simm.s32 $0x0  }
0x73: {  	[tilespmem:s31], [sflag:$0x1] =	stream.linear.gather [hbm4b:s30+s0], $0x100, $0x38;
	[tilespmem:$0x17C00] =	vst v63  }
.LBB2_8:
0x74: {  	s28 =	sshll.u32 s23, $0xA  }
0x75: {  	s29 =	sadd.s32 s28, s7  }
0x76: {  	s24 =	sor.u32 $0x200, s28;
	s29 =	sadd.s32 $0x200, s29  }
0x77: {  	s30 =	sadd.s32 s7, s24;
	s29 =	sshrl.u32 s29, $0x1  }
0x78: {  	s30 =	sand.u32 $0x1FC000, s30;
	s29 =	sand.u32 $0x1F00, s29  }
0x79: {  	s29 =	sor.u32 s30, s29  }
0x7a: {  	s29 =	sshrl.u32 s29, $0x3  }
0x7b: {  	s30 =	sadd.s32 s3, s29  }
0x7c: {  	[tilespmem:s8], [sflag:$0x2] =	stream.linear.gather [hbm4b:s30+s0], $0x100, $0x38;
	[tilespmem:$0x17C00] =	vst v63  }
0x7d: {  	s29 =	sadd.s32 s29, s12  }
0x7e: {  	[tilespmem:s10], [sflag:$0x2] =	stream.linear.gather [hbm4b:s29+s0], $0x100, $0x38;
	[tilespmem:$0x17C00] =	vst v63  }
0x7f: {  	_ =	swait.ge [sflag:s13], $0x100  }
0x80: {  	[sflag:s13] =	ssyncset.done $0x0  }
0x81: {  	[sflag:s13] =	ssyncadd.s32 $0xFFFFFF00  }
0x82: {  	_ =	swait.ge [sflag:s13], $0x100  }
0x83: {  	[sflag:s13] =	ssyncset.done $0x0  }
0x84: {  	s29 =	simm.s32 $0x7900;
	[sflag:s13] =	ssyncadd.s32 $0xFFFFFF00  }
0x85: {  	v4 =	vld [tilespmem:s29+$0x0]  }
0x86: {  	v5 =	vmov s0;
	v1 =	vmov s28;
	v3 =	vld [tilespmem:s29+$0xFFFFFF00]  }
0x87: {  	v5 =	vshll.u32 v5, $0x1;
	v2 =	vand.u32 $0x7FFFFFF8, v1;
	s30 =	simm.s32 $0x10  }
.LBB2_9:
0x88: {  	p0 =	sne.s32 s30, $0xF0;
	v5 =	vor.u32 v0, v5  }
0x89: {  	v6 =	vor.u32 v2, v5  }
0x8a: {  	v5 =	vor.u32 v1, v5;
	v7 =	vand.u32 $0xFFFFC000, v4;
	v6 =	vor.u32 $0x1, v6  }
0x8b: {  	v9 =	vshrl.u32 v4, $0xD;
	v4 =	vshll.u32 v4, $0x1;
	v8 =	vshll.u32 v3, $0x1  }
0x8c: {  	v10 =	vand.u32 $0xFFFFC000, v3;
	v3 =	vshrl.u32 v3, $0xD;
	v8 =	vand.u32 $0x3FFE, v8  }
0x8d: {  	v4 =	vand.u32 $0x3FFE, v4;
	v3 =	vand.u32 $0x1, v3;
	v8 =	vor.u32 v10, v8  }
0x8e: {  	v4 =	vor.u32 v7, v4;
	v3 =	vor.u32 v3, v8;
	v8 =	vand.u32 $0x1, v9  }
.Ltmp3:
0x8f: {  	v4 =	vor.u32 v8, v4;
	[tilespmem:v5+s15+$0x0] =	vst.idx.msk $0xffff, v3;
	(pc) =	sbr.rel @p0 .LBB2_9-.Ltmp3, $4  }
0x90: {  	s29 =	sadd.s32 $0x10, s29;
	[tilespmem:v6+s15+$0x0] =	vst.idx.msk $0xffff, v4  }
0x91: {  	v4 =	vld [tilespmem:s29+$0x0]  }
0x92: {  	v5 =	vmov s30;
	v3 =	vld [tilespmem:s29+$0xFFFFFF00]  }
0x93: {  	s30 =	sadd.s32 $0x10, s30;
	v5 =	vshll.u32 v5, $0x1  }
0x94: {  	v5 =	vor.u32 v0, v5  }
0x95: {  	v2 =	vor.u32 v2, v5  }
0x96: {  	p0 =	seq.s32 s23, $0x18;
	v1 =	vor.u32 v1, v5;
	v6 =	vand.u32 $0xFFFFC000, v4;
	v2 =	vor.u32 $0x1, v2  }
0x97: {  	s28 =	sadd.s32 @!p0 s28, s26;
	v7 =	vshrl.u32 v4, $0xD;
	v4 =	vshll.u32 v4, $0x1;
	v5 =	vshll.u32 v3, $0x1  }
0x98: {  	s29 =	sshrl.u32 @!p0 s28, $0x1;
	v8 =	vand.u32 $0xFFFFC000, v3;
	v3 =	vshrl.u32 v3, $0xD;
	v5 =	vand.u32 $0x3FFE, v5  }
0x99: {  	s28 =	sand.u32 @!p0 $0x1FC000, s28;
	v4 =	vand.u32 $0x3FFE, v4;
	s29 =	sand.u32 @!p0 $0x1E00, s29;
	v3 =	vand.u32 $0x1, v3;
	v5 =	vor.u32 v8, v5  }
0x9a: {  	v4 =	vor.u32 v6, v4;
	s28 =	sor.u32 @!p0 s28, s29;
	v3 =	vor.u32 v3, v5;
	v5 =	vand.u32 $0x1, v7  }
0x9b: {  	s28 =	sshrl.u32 @!p0 s28, $0x3;
	v4 =	vor.u32 v5, v4;
	[tilespmem:v1+s15+$0x0] =	vst.idx.msk $0xffff, v3  }
0x9c: {  	s30 =	simm.s32 @!p0 $0x0;
	s31 =	simm.s32 @!p0 $0x7800;
	s29 =	sadd.s32 @!p0 s3, s28;
	[tilespmem:v2+s15+$0x0] =	vst.idx.msk $0xffff, v4  }
0x9d: {  	[tilespmem:s31], [sflag:$0x1] =	stream.linear.gather @!p0 [hbm4b:s29+s30], $0x100, $0x38;
	[tilespmem:$0x17C00] =	vst v63  }
0x9e: {  	s28 =	sadd.s32 @!p0 s28, s12;
	s29 =	simm.s32 @!p0 $0x7900  }
0x9f: {  	[tilespmem:s29], [sflag:$0x1] =	stream.linear.gather @!p0 [hbm4b:s28+s30], $0x100, $0x38;
	[tilespmem:$0x17C00] =	vst v63  }
0xa0: {  	_ =	swait.ge [sflag:s14], $0x100  }
0xa1: {  	[sflag:s14] =	ssyncset.done $0x0  }
0xa2: {  	[sflag:s14] =	ssyncadd.s32 $0xFFFFFF00  }
0xa3: {  	_ =	swait.ge [sflag:s14], $0x100  }
0xa4: {  	[sflag:s14] =	ssyncset.done $0x0  }
0xa5: {  	s28 =	simm.s32 $0x7B00;
	[sflag:s14] =	ssyncadd.s32 $0xFFFFFF00  }
0xa6: {  	s31 =	simm.s32 $0x0;
	v3 =	vld [tilespmem:s28+$0x0]  }
0xa7: {  	v1 =	vmov s24;
	v5 =	vmov s31;
	v4 =	vld [tilespmem:s28+$0xFFFFFF00]  }
0xa8: {  	s24 =	simm.s32 $0x10;
	v2 =	vand.u32 $0x7FFFFFF8, v1;
	v5 =	vshll.u32 v5, $0x1  }
.LBB2_11:
0xa9: {  	p0 =	sne.s32 s24, $0xF0;
	v5 =	vor.u32 v0, v5  }
0xaa: {  	v6 =	vor.u32 v2, v5  }
0xab: {  	v5 =	vor.u32 v1, v5;
	v7 =	vand.u32 $0xFFFFC000, v3;
	v6 =	vor.u32 $0x1, v6  }
0xac: {  	v9 =	vshrl.u32 v3, $0xD;
	v3 =	vshll.u32 v3, $0x1;
	v8 =	vshll.u32 v4, $0x1  }
0xad: {  	v10 =	vand.u32 $0xFFFFC000, v4;
	v4 =	vshrl.u32 v4, $0xD;
	v8 =	vand.u32 $0x3FFE, v8  }
0xae: {  	v3 =	vand.u32 $0x3FFE, v3;
	v4 =	vand.u32 $0x1, v4;
	v8 =	vor.u32 v10, v8  }
0xaf: {  	v3 =	vor.u32 v7, v3;
	v4 =	vor.u32 v4, v8;
	v8 =	vand.u32 $0x1, v9  }
.Ltmp4:
0xb0: {  	v3 =	vor.u32 v8, v3;
	[tilespmem:v5+s15+$0x0] =	vst.idx.msk $0xffff, v4;
	(pc) =	sbr.rel @p0 .LBB2_11-.Ltmp4, $4  }
0xb1: {  	s28 =	sadd.s32 $0x10, s28;
	[tilespmem:v6+s15+$0x0] =	vst.idx.msk $0xffff, v3  }
0xb2: {  	v3 =	vld [tilespmem:s28+$0x0]  }
0xb3: {  	v5 =	vmov s24;
	v4 =	vld [tilespmem:s28+$0xFFFFFF00]  }
0xb4: {  	s24 =	sadd.s32 $0x10, s24;
	v5 =	vshll.u32 v5, $0x1  }
0xb5: {  	v5 =	vor.u32 v0, v5  }
0xb6: {  	v2 =	vor.u32 v2, v5  }
0xb7: {  	s23 =	sadd.s32 $0x1, s23;
	v1 =	vor.u32 v1, v5;
	v6 =	vand.u32 $0xFFFFC000, v3;
	v2 =	vor.u32 $0x1, v2  }
0xb8: {  	p0 =	sne.s32 s23, $0x19;
	v7 =	vshrl.u32 v3, $0xD;
	v3 =	vshll.u32 v3, $0x1;
	v61 =	vshll.u32 v4, $0x1  }
.Ltmp5:
0xb9: {  	v8 =	vand.u32 $0xFFFFC000, v4;
	v62 =	vshrl.u32 v4, $0xD;
	v5 =	vand.u32 $0x3FFE, v61;
	(pc) =	sbr.rel @p0 .LBB2_8-.Ltmp5, $4  }
0xba: {  	v3 =	vand.u32 $0x3FFE, v3;
	v4 =	vand.u32 $0x1, v62;
	v5 =	vor.u32 v8, v5  }
0xbb: {  	v63 =	vand.u32 $0x1, v7;
	v3 =	vor.u32 v6, v3;
	v4 =	vor.u32 v4, v5  }
0xbc: {  	v3 =	vor.u32 v63, v3;
	[tilespmem:v1+s15+$0x0] =	vst.idx.msk $0xffff, v4  }
0xbd: {  	[tilespmem:v2+s15+$0x0] =	vst.idx.msk $0xffff, v3  }
0xbe: {  	s0 =	simm.s32 $0x0  }
0xbf: {  	[tilespmem:s18], [sflag:$0x1] =	stream.indirect.gather [hbm4b:s6+s17], $0x40, s0, s17, $0xb8;
	[tilespmem:$0x17C00] =	vst v63  }
0xc0: {  	_ = 	snop  }
0xc1: {  	[tilespmem:s19], [sflag:$0x2] =	stream.indirect.gather [hbm4b:s6+s17], $0x40, s17, s17, $0xb8;
	[tilespmem:$0x17C00] =	vst v63  }
0xc2: {  	_ =	swait.ge [sflag:s13], $0x8000  }
0xc3: {  	[sflag:s13] =	ssyncset.done $0x0  }
0xc4: {  	[sflag:s13] =	ssyncadd.s32 $0xFFFF8000  }
0xc5: {  	[hbm4b:s16+s0] =	stream.linear.scatter [tilespmem:s18], [sflag:$0x3], $0x8000, $0x38;
	[tilespmem:$0x17C00] =	vst v63  }
0xc6: {  	_ =	swait.ge [sflag:s21], $0x8000  }
0xc7: {  	[sflag:s21] =	ssyncset.done $0x0  }
0xc8: {  	s23 =	simm.s32 $0x400;
	[sflag:s21] =	ssyncadd.s32 $0xFFFF8000  }
0xc9: {  	[tilespmem:s18], [sflag:$0x1] =	stream.indirect.gather [hbm4b:s6+s17], $0x40, s23, s17, $0xb8;
	[tilespmem:$0x17C00] =	vst v63  }
0xca: {  	_ =	swait.ge [sflag:s14], $0x8000  }
0xcb: {  	[sflag:s14] =	ssyncset.done $0x0  }
0xcc: {  	s28 =	rddreg [dreg:$0x9];
	[sflag:s14] =	ssyncadd.s32 $0xFFFF8000  }
0xcd: {  	[hbm4b:s28+s0] =	stream.linear.scatter [tilespmem:s19], [sflag:$0x4], $0x8000, $0x38;
	[tilespmem:$0x17C00] =	vst v63  }
0xce: {  	_ =	swait.ge [sflag:s1], $0x8000  }
0xcf: {  	[sflag:s1] =	ssyncset.done $0x0  }
0xd0: {  	s29 =	simm.s32 $0x600;
	[sflag:s1] =	ssyncadd.s32 $0xFFFF8000  }
0xd1: {  	[tilespmem:s19], [sflag:$0x2] =	stream.indirect.gather [hbm4b:s6+s17], $0x40, s29, s17, $0xb8;
	[tilespmem:$0x17C00] =	vst v63  }
0xd2: {  	_ =	swait.ge [sflag:s13], $0x8000  }
0xd3: {  	[sflag:s13] =	ssyncset.done $0x0  }
0xd4: {  	s30 =	rddreg [dreg:$0x10];
	[sflag:s13] =	ssyncadd.s32 $0xFFFF8000  }
0xd5: {  	[hbm4b:s30+s0] =	stream.linear.scatter [tilespmem:s18], [sflag:$0x3], $0x8000, $0x38;
	[tilespmem:$0x17C00] =	vst v63  }
0xd6: {  	_ =	swait.ge [sflag:s21], $0x8000  }
0xd7: {  	[sflag:s21] =	ssyncset.done $0x0  }
0xd8: {  	s31 =	simm.s32 $0x800;
	[sflag:s21] =	ssyncadd.s32 $0xFFFF8000  }
0xd9: {  	[tilespmem:s18], [sflag:$0x1] =	stream.indirect.gather [hbm4b:s6+s17], $0x40, s31, s17, $0xb8;
	[tilespmem:$0x17C00] =	vst v63  }
0xda: {  	_ =	swait.ge [sflag:s14], $0x8000  }
0xdb: {  	[sflag:s14] =	ssyncset.done $0x0  }
0xdc: {  	s24 =	rddreg [dreg:$0xa];
	[sflag:s14] =	ssyncadd.s32 $0xFFFF8000  }
0xdd: {  	[hbm4b:s24+s0] =	stream.linear.scatter [tilespmem:s19], [sflag:$0x4], $0x8000, $0x38;
	[tilespmem:$0x17C00] =	vst v63  }
0xde: {  	_ =	swait.ge [sflag:s1], $0x8000  }
0xdf: {  	[sflag:s1] =	ssyncset.done $0x0  }
0xe0: {  	s28 =	simm.s32 $0xA00;
	[sflag:s1] =	ssyncadd.s32 $0xFFFF8000  }
0xe1: {  	[tilespmem:s19], [sflag:$0x2] =	stream.indirect.gather [hbm4b:s6+s17], $0x40, s28, s17, $0xb8;
	[tilespmem:$0x17C00] =	vst v63  }
0xe2: {  	_ =	swait.ge [sflag:s13], $0x8000  }
0xe3: {  	[sflag:s13] =	ssyncset.done $0x0  }
0xe4: {  	s29 =	rddreg [dreg:$0x11];
	[sflag:s13] =	ssyncadd.s32 $0xFFFF8000  }
0xe5: {  	[hbm4b:s29+s0] =	stream.linear.scatter [tilespmem:s18], [sflag:$0x3], $0x8000, $0x38;
	[tilespmem:$0x17C00] =	vst v63  }
0xe6: {  	_ =	swait.ge [sflag:s21], $0x8000  }
0xe7: {  	[sflag:s21] =	ssyncset.done $0x0  }
0xe8: {  	s30 =	simm.s32 $0xC00;
	[sflag:s21] =	ssyncadd.s32 $0xFFFF8000  }
0xe9: {  	[tilespmem:s18], [sflag:$0x1] =	stream.indirect.gather [hbm4b:s6+s17], $0x40, s30, s17, $0xb8;
	[tilespmem:$0x17C00] =	vst v63  }
0xea: {  	_ =	swait.ge [sflag:s14], $0x8000  }
0xeb: {  	[sflag:s14] =	ssyncset.done $0x0  }
0xec: {  	s31 =	rddreg [dreg:$0xb];
	[sflag:s14] =	ssyncadd.s32 $0xFFFF8000  }
0xed: {  	[hbm4b:s31+s0] =	stream.linear.scatter [tilespmem:s19], [sflag:$0x4], $0x8000, $0x38;
	[tilespmem:$0x17C00] =	vst v63  }
0xee: {  	_ =	swait.ge [sflag:s1], $0x8000  }
0xef: {  	[sflag:s1] =	ssyncset.done $0x0  }
0xf0: {  	s24 =	simm.s32 $0xE00;
	[sflag:s1] =	ssyncadd.s32 $0xFFFF8000  }
0xf1: {  	[tilespmem:s19], [sflag:$0x2] =	stream.indirect.gather [hbm4b:s6+s17], $0x40, s24, s17, $0xb8;
	[tilespmem:$0x17C00] =	vst v63  }
0xf2: {  	_ =	swait.ge [sflag:s13], $0x8000  }
0xf3: {  	[sflag:s13] =	ssyncset.done $0x0  }
0xf4: {  	s28 =	rddreg [dreg:$0x12];
	[sflag:s13] =	ssyncadd.s32 $0xFFFF8000  }
0xf5: {  	[hbm4b:s28+s0] =	stream.linear.scatter [tilespmem:s18], [sflag:$0x3], $0x8000, $0x38;
	[tilespmem:$0x17C00] =	vst v63  }
0xf6: {  	_ =	swait.ge [sflag:s21], $0x8000  }
0xf7: {  	[sflag:s21] =	ssyncset.done $0x0  }
0xf8: {  	s29 =	simm.s32 $0x1000;
	[sflag:s21] =	ssyncadd.s32 $0xFFFF8000  }
0xf9: {  	[tilespmem:s18], [sflag:$0x1] =	stream.indirect.gather [hbm4b:s6+s17], $0x40, s29, s17, $0xb8;
	[tilespmem:$0x17C00] =	vst v63  }
0xfa: {  	_ =	swait.ge [sflag:s14], $0x8000  }
0xfb: {  	[sflag:s14] =	ssyncset.done $0x0  }
0xfc: {  	s30 =	rddreg [dreg:$0xc];
	[sflag:s14] =	ssyncadd.s32 $0xFFFF8000  }
0xfd: {  	[hbm4b:s30+s0] =	stream.linear.scatter [tilespmem:s19], [sflag:$0x4], $0x8000, $0x38;
	[tilespmem:$0x17C00] =	vst v63  }
0xfe: {  	_ =	swait.ge [sflag:s1], $0x8000  }
0xff: {  	[sflag:s1] =	ssyncset.done $0x0  }
0x100: {  	s31 =	simm.s32 $0x1200;
	[sflag:s1] =	ssyncadd.s32 $0xFFFF8000  }
0x101: {  	[tilespmem:s19], [sflag:$0x2] =	stream.indirect.gather [hbm4b:s6+s17], $0x40, s31, s17, $0xb8;
	[tilespmem:$0x17C00] =	vst v63  }
0x102: {  	_ =	swait.ge [sflag:s13], $0x8000  }
0x103: {  	[sflag:s13] =	ssyncset.done $0x0  }
0x104: {  	s24 =	rddreg [dreg:$0x13];
	[sflag:s13] =	ssyncadd.s32 $0xFFFF8000  }
0x105: {  	[hbm4b:s24+s0] =	stream.linear.scatter [tilespmem:s18], [sflag:$0x3], $0x8000, $0x38;
	[tilespmem:$0x17C00] =	vst v63  }
0x106: {  	_ =	swait.ge [sflag:s14], $0x8000  }
0x107: {  	[sflag:s14] =	ssyncset.done $0x0  }
0x108: {  	s28 =	rddreg [dreg:$0xd];
	[sflag:s14] =	ssyncadd.s32 $0xFFFF8000  }
0x109: {  	[hbm4b:s28+s0] =	stream.linear.scatter [tilespmem:s19], [sflag:$0x4], $0x8000, $0x38;
	[tilespmem:$0x17C00] =	vst v63  }
0x10a: {  	_ =	swait.ge [sflag:s1], $0x8000  }
0x10b: {  	[sflag:s1] =	ssyncset.done $0x0  }
0x10c: {  	[sflag:s1] =	ssyncadd.s32 $0xFFFF8000  }
0x10d: {  	_ =	swait.ge [sflag:s21], $0x8000  }
0x10e: {  	[sflag:s21] =	ssyncset.done $0x0  }
0x10f: {  	[sflag:s21] =	ssyncadd.s32 $0xFFFF8000  }
0x110: {  	[tilespmem:s18], [sflag:$0x1] =	stream.indirect.gather [hbm4b:s6+s17], $0x40, s15, s17, $0xb8;
	[tilespmem:$0x17C00] =	vst v63  }
0x111: {  	s0 =	simm.s32 $0x1600  }
0x112: {  	[tilespmem:s19], [sflag:$0x2] =	stream.indirect.gather [hbm4b:s6+s17], $0x40, s0, s17, $0xb8;
	[tilespmem:$0x17C00] =	vst v63  }
0x113: {  	_ =	swait.ge [sflag:s13], $0x8000  }
0x114: {  	[sflag:s13] =	ssyncset.done $0x0  }
0x115: {  	s29 =	sadd.s32 $0x0, s20;
	[sflag:s13] =	ssyncadd.s32 $0xFFFF8000  }
0x116: {  	[hbm4b:s29+s4] =	stream.linear.scatter [tilespmem:s18], [sflag:$0x3], $0x8000, $0x38;
	[tilespmem:$0x17C00] =	vst v63  }
0x117: {  	_ =	swait.ge [sflag:s21], $0x8000  }
0x118: {  	[sflag:s21] =	ssyncset.done $0x0  }
0x119: {  	s30 =	simm.s32 $0x1800;
	[sflag:s21] =	ssyncadd.s32 $0xFFFF8000  }
0x11a: {  	[tilespmem:s18], [sflag:$0x1] =	stream.indirect.gather [hbm4b:s6+s17], $0x40, s30, s17, $0xb8;
	[tilespmem:$0x17C00] =	vst v63  }
0x11b: {  	_ =	swait.ge [sflag:s14], $0x8000  }
0x11c: {  	[sflag:s14] =	ssyncset.done $0x0  }
0x11d: {  	s31 =	sadd.s32 $0x0, s25;
	[sflag:s14] =	ssyncadd.s32 $0xFFFF8000  }
0x11e: {  	[hbm4b:s31+s4] =	stream.linear.scatter [tilespmem:s19], [sflag:$0x4], $0x8000, $0x38;
	[tilespmem:$0x17C00] =	vst v63  }
0x11f: {  	_ =	swait.ge [sflag:s1], $0x8000  }
0x120: {  	s23 =	simm.s32 $0x2000;
	[sflag:s1] =	ssyncset.done $0x0  }
.LBB2_14:
0x121: {  	p0 =	sne.s32 s23, $0x2E000;
	[sflag:s1] =	ssyncadd.s32 $0xFFFF8000;
	s0 =	sadd.s32 $0x400, s0  }
0x122: {  	[tilespmem:s19], [sflag:$0x2] =	stream.indirect.gather [hbm4b:s6+s17], $0x40, s0, s17, $0xb8;
	[tilespmem:$0x17C00] =	vst v63  }
0x123: {  	s24 =	smov.u32 s23;
	s23 =	sadd.s32 $0x2000, s23;
	_ =	swait.ge [sflag:s13], $0x8000  }
0x124: {  	[sflag:s13] =	ssyncset.done $0x0  }
0x125: {  	s28 =	sadd.s32 s24, s20;
	[sflag:s13] =	ssyncadd.s32 $0xFFFF8000  }
0x126: {  	[hbm4b:s28+s4] =	stream.linear.scatter [tilespmem:s18], [sflag:$0x3], $0x8000, $0x38;
	[tilespmem:$0x17C00] =	vst v63  }
0x127: {  	_ =	swait.ge [sflag:s21], $0x8000  }
0x128: {  	[sflag:s21] =	ssyncset.done $0x0  }
0x129: {  	s28 =	sadd.s32 $0x200, s0;
	[sflag:s21] =	ssyncadd.s32 $0xFFFF8000  }
0x12a: {  	[tilespmem:s18], [sflag:$0x1] =	stream.indirect.gather [hbm4b:s6+s17], $0x40, s28, s17, $0xb8;
	[tilespmem:$0x17C00] =	vst v63  }
0x12b: {  	_ =	swait.ge [sflag:s14], $0x8000  }
.Ltmp6:
0x12c: {  	[sflag:s14] =	ssyncset.done $0x0;
	(pc) =	sbr.rel @p0 .LBB2_14-.Ltmp6, $4  }
0x12d: {  	s24 =	sadd.s32 s24, s25;
	[sflag:s14] =	ssyncadd.s32 $0xFFFF8000  }
0x12e: {  	[hbm4b:s24+s4] =	stream.linear.scatter [tilespmem:s19], [sflag:$0x4], $0x8000, $0x38;
	[tilespmem:$0x17C00] =	vst v63  }
0x12f: {  	_ =	swait.ge [sflag:s1], $0x8000  }
0x130: {  	[sflag:s1] =	ssyncset.done $0x0  }
0x131: {  	[sflag:s1] =	ssyncadd.s32 $0xFFFF8000;
	s0 =	simm.s32 $0x7600  }
0x132: {  	[tilespmem:s19], [sflag:$0x2] =	stream.indirect.gather [hbm4b:s6+s17], $0x40, s0, s17, $0xb8;
	[tilespmem:$0x17C00] =	vst v63  }
0x133: {  	_ =	swait.ge [sflag:s13], $0x8000  }
0x134: {  	[sflag:s13] =	ssyncset.done $0x0  }
0x135: {  	s29 =	rddreg [dreg:$0xe];
	[sflag:s13] =	ssyncadd.s32 $0xFFFF8000  }
0x136: {  	[hbm4b:s29+s4] =	stream.linear.scatter [tilespmem:s18], [sflag:$0x3], $0x8000, $0x38;
	[tilespmem:$0x17C00] =	vst v63  }
0x137: {  	_ =	swait.ge [sflag:s14], $0x8000  }
0x138: {  	[sflag:s14] =	ssyncset.done $0x0  }
0x139: {  	s30 =	rddreg [dreg:$0xf];
	[sflag:s14] =	ssyncadd.s32 $0xFFFF8000  }
0x13a: {  	[hbm4b:s30+s4] =	stream.linear.scatter [tilespmem:s19], [sflag:$0x4], $0x8000, $0x38;
	[tilespmem:$0x17C00] =	vst v63  }
0x13b: {  	_ =	swait.ge [sflag:s1], $0x8000  }
0x13c: {  	[sflag:s1] =	ssyncset.done $0x0  }
0x13d: {  	[sflag:s1] =	ssyncadd.s32 $0xFFFF8000  }
0x13e: {  	_ =	swait.ge [sflag:s21], $0x8000  }
0x13f: {  	s22 =	sadd.s32 $0x1, s22;
	s31 =	rddreg [dreg:$0x8]  }
0x140: {  	p0 =	sne.s32 s22, s31  }
.Ltmp7:
0x141: {  	_ = 	snop;
	(pc) =	sbr.rel @p0 .LBB2_1-.Ltmp7, $3  }
0x142: {  	_ =	sdelay $0x1  }
0x143: {  	[sflag:s21] =	ssyncset.done $0x0  }
0x144: {  	[sflag:s21] =	ssyncadd.s32 $0xFFFF8000  }
0x145: {  	_ =	sfence.sel $0x180000  }
0x146: {  	[bflag:$0x0] =	sbarrier.arrive $0xFFFF  }
0x147: {  	_ =	strace $0x90000047  }
0x148: {  	s0 =	stileid.u32;
	[bflag:$0x2] =	sbarrier.arrive $0xFFFF  }
0x149: {  	p0 =	sne.s32 s0, $0x0;
	s0 =	rddreg [dreg:$0x3]  }
0x14a: {  	s0 =	sadd.s32 @!p0 $0x100000, s0  }
0x14b: {  	[sflag:s0] =	ssyncadd.tile.s32 @!p0 $0x1;
	_ =	shalt  }
.Lfunc_end2:
_tile_overlayer_lowered:
.L_overlay_start_2:
0x14c: {  	(tag) =	ssettag $0x2  }
0x14d: {  	s0 =	rddreg [dreg:$0x0];
	s2 =	stileid.u32  }
0x14e: {  	s1 =	rddreg [dreg:$0x1];
	p0 =	sne.s32 s2, $0x0  }
0x14f: {  	s3 =	rddreg [dreg:$0x2];
	[bflag:$0x3] =	sbarrier.arrive $0xFFFF;
	s2 =	simm.s32 @!p0 $0x1C05  }
0x150: {  	[timem:s3], [sflag:s2] =	dma.local @!p0 [hbm:s0], s1  }
0x151: {  	s0 =	simm.s32 @!p0 $0x5  }
0x152: {  	_ =	swait.ge @!p0 [sflag:s0], s1  }
0x153: {  	s1 =	ssub.s32 @!p0 $0x0, s1;
	[sflag:s0] =	ssyncset.done @!p0 $0x0  }
0x154: {  	[sflag:s0] =	ssyncadd.s32 @!p0 s1  }
0x155: {  	[bflag:$0x3] =	sbarrier.arrive $0xFFFF  }
0x156: {  	_ =	shalt  }

// kernel: _run.9.cloned.1.call-start
scs
__scs_entry_jumppad:
0x0: {  	(pc) =	sbr.rel $0x88, $3  }
0x1: {  	(tag) =	ssettag $0x0;
	lr =	simm.s32 $0x1  }
0x2: {  	[smem:$0x3F9C] =	sst lr;
	_ =	strace $0xD0000000  }
0x3: {  	_ = 	snop  }
0x4: {  	_ = 	snop  }
0x5: {  	_ = 	snop  }
0x6: {  	_ = 	snop  }
0x7: {  	_ = 	snop  }
__scs_overlays_trampoline_lowered:
0x8: {  	[smem:$0x3FAB] =	sst s0  }
0x9: {  	[smem:$0x3FAC] =	sst s1  }
0xa: {  	[smem:$0x3FAD] =	sst s2  }
0xb: {  	[smem:$0x3FAE] =	sst s3  }
0xc: {  	[smem:$0x3FAF] =	sst s4  }
0xd: {  	[smem:$0x3FB0] =	sst s5  }
0xe: {  	[smem:$0x3FB1] =	sst s6  }
0xf: {  	[smem:$0x3FB2] =	sst s7  }
0x10: {  	[smem:$0x3FB3] =	sst s8  }
0x11: {  	[smem:$0x3FB4] =	sst s9;
	s0 =	simm.s32 @!p0 $0x0  }
0x12: {  	s1 =	sld [smem:$0x3F9A];
	s0 =	simm.s32 @p0 $0x1  }
0x13: {  	[smem:$0x3FB5] =	sst s0;
	s0 =	simm.s32 @!p1 $0x0  }
0x14: {  	s2 =	sld [smem:$0x3F99];
	s0 =	simm.s32 @p1 $0x1  }
0x15: {  	[smem:$0x3FB6] =	sst s0;
	s0 =	simm.s32 @!p2 $0x0  }
0x16: {  	s3 =	sld [smem:$0x3FDB];
	s0 =	simm.s32 @p2 $0x1  }
0x17: {  	s4 =	simm.s32 $0x1BF5;
	[smem:$0x3FB8] =	sst s0  }
0x18: {  	s0 =	sld [smem:$0x3F9B];
	_ =	swait.ge [sflag:s4], $0x0  }
0x19: {  	s7 =	sld [smem:$0x3F9C]  }
0x1a: {  	s8 =	sadd.s32 $0xFFFFE003, lr  }
0x1b: {  	s9 =	sadd.s32 $0xFFFFFEF7, lr;
	s5 =	simm.s32 $0xFFFFFFFF;
	p2 =	slt.u32 s8, $0xFFFFF086  }
0x1c: {  	p1 =	slt.u32 s9, $0xF7A;
	s5 =	simm.s32 @!p2 $0x0  }
0x1d: {  	s5 =	simm.s32 @p1 $0x1;
	p0 =	seq.s32 s7, s2  }
0x1e: {  	s7 =	smul.u32 @!p0 $0xF7A, s2;
	p2 =	seq.s32 @!p0 s5, $0x0  }
0x1f: {  	s9 =	smul.u32 $0xF7A, s1;
	s8 =	simm.s32 @!p0 $0x1BF5;
	p2 =	por !p2, p0  }
0x20: {  	[sflag:s8] =	ssyncset.s32 @!p0 $0xFFFFF086;
	s6 =	sadd.s32 @!p0 s3, s7;
	s7 =	simm.s32 @!p0 $0x108  }
0x21: {  	s3 =	sadd.s32 s3, s9;
	s6 =	sadd.s32 @!p0 $0x88, s6;
	s7 =	simm.s32 @p2 $0x1082  }
0x22: {  	[simem:s7], [sflag:s8] =	dma.local @!p0 [hbm:s6], $0xF7A  }
0x23: {  	s9 =	sor.u32 $0xD0000000, s2;
	s6 =	simm.s32 $0x108;
	_ =	swait.ge @!p0 [sflag:s8], $0x0  }
0x24: {  	s3 =	sadd.s32 $0x88, s3;
	s6 =	simm.s32 @!p1 $0x1082;
	[sflag:s4] =	ssyncset.s32 $0xFFFFF086  }
0x25: {  	[simem:s6], [sflag:s4] =	dma.local [hbm:s3], $0xF7A  }
0x26: {  	[smem:$0x3F9C] =	sst s1;
	(tag) =	ssettag s2;
	_ =	strace s9  }
0x27: {  	s1 =	sld [smem:$0x3FAC]  }
0x28: {  	s2 =	sld [smem:$0x3FAD]  }
0x29: {  	s4 =	sld [smem:$0x3FAF]  }
0x2a: {  	p0 =	seq.s32 s5, $0x0;
	s5 =	sld [smem:$0x3FB0]  }
0x2b: {  	s6 =	sld [smem:$0x3FB1]  }
0x2c: {  	s7 =	sld [smem:$0x3FB2]  }
0x2d: {  	s3 =	simm.s32 $0x108;
	s8 =	sld [smem:$0x3FB3]  }
0x2e: {  	s3 =	simm.s32 @!p0 $0x1082;
	s9 =	sld [smem:$0x3FB4]  }
0x2f: {  	lr =	sadd.s32 s0, s3;
	s0 =	sld [smem:$0x3FAB]  }
0x30: {  	s3 =	sld [smem:$0x3FAE]  }
0x31: {  	[smem:$0x3FB7] =	sst s10  }
0x32: {  	s10 =	sld [smem:$0x3FB5];
	_ =	sdelay $0x3  }
0x33: {  	p0 =	seq.s32 s10, $0x1;
	s10 =	sld [smem:$0x3FB7];
	_ =	sdelay $0x3  }
0x34: {  	[smem:$0x3FB7] =	sst s10  }
0x35: {  	s10 =	sld [smem:$0x3FB6];
	_ =	sdelay $0x3  }
0x36: {  	p1 =	seq.s32 s10, $0x1;
	s10 =	sld [smem:$0x3FB7];
	_ =	sdelay $0x3  }
0x37: {  	[smem:$0x3FB7] =	sst s10  }
0x38: {  	s10 =	sld [smem:$0x3FB8]  }
0x39: {  	_ = 	snop;
	(pc) =	sbr.ind lr, $3  }
0x3a: {  	_ = 	snop  }
0x3b: {  	_ = 	snop  }
0x3c: {  	p2 =	seq.s32 s10, $0x1;
	s10 =	sld [smem:$0x3FB7]  }
0x3d: {  	_ =	shalt  }
0x3e: {  	_ =	shalt  }
0x3f: {  	_ =	shalt  }
0x40: {  	_ =	shalt  }
0x41: {  	_ =	shalt  }
0x42: {  	_ =	shalt  }
0x43: {  	_ =	shalt  }
0x44: {  	_ =	shalt  }
0x45: {  	_ =	shalt  }
0x46: {  	_ =	shalt  }
0x47: {  	_ =	shalt  }
0x48: {  	_ =	shalt  }
0x49: {  	_ =	shalt  }
0x4a: {  	_ =	shalt  }
0x4b: {  	_ =	shalt  }
0x4c: {  	_ =	shalt  }
0x4d: {  	_ =	shalt  }
0x4e: {  	_ =	shalt  }
0x4f: {  	_ =	shalt  }
0x50: {  	_ =	shalt  }
0x51: {  	_ =	shalt  }
0x52: {  	_ =	shalt  }
0x53: {  	_ =	shalt  }
0x54: {  	_ =	shalt  }
0x55: {  	_ =	shalt  }
0x56: {  	_ =	shalt  }
0x57: {  	_ =	shalt  }
0x58: {  	_ =	shalt  }
0x59: {  	_ =	shalt  }
0x5a: {  	_ =	shalt  }
0x5b: {  	_ =	shalt  }
0x5c: {  	_ =	shalt  }
0x5d: {  	_ =	shalt  }
0x5e: {  	_ =	shalt  }
0x5f: {  	_ =	shalt  }
0x60: {  	_ =	shalt  }
0x61: {  	_ =	shalt  }
0x62: {  	_ =	shalt  }
0x63: {  	_ =	shalt  }
0x64: {  	_ =	shalt  }
0x65: {  	_ =	shalt  }
0x66: {  	_ =	shalt  }
0x67: {  	_ =	shalt  }
0x68: {  	_ =	shalt  }
0x69: {  	_ =	shalt  }
0x6a: {  	_ =	shalt  }
0x6b: {  	_ =	shalt  }
0x6c: {  	_ =	shalt  }
0x6d: {  	_ =	shalt  }
0x6e: {  	_ =	shalt  }
0x6f: {  	_ =	shalt  }
0x70: {  	_ =	shalt  }
0x71: {  	_ =	shalt  }
0x72: {  	_ =	shalt  }
0x73: {  	_ =	shalt  }
0x74: {  	_ =	shalt  }
0x75: {  	_ =	shalt  }
0x76: {  	_ =	shalt  }
0x77: {  	_ =	shalt  }
0x78: {  	_ =	shalt  }
0x79: {  	_ =	shalt  }
0x7a: {  	_ =	shalt  }
0x7b: {  	_ =	shalt  }
0x7c: {  	_ =	shalt  }
0x7d: {  	_ =	shalt  }
0x7e: {  	_ =	shalt  }
0x7f: {  	_ =	shalt  }
0x80: {  	_ =	shalt  }
0x81: {  	_ =	shalt  }
0x82: {  	_ =	shalt  }
0x83: {  	_ =	shalt  }
0x84: {  	_ =	shalt  }
0x85: {  	_ =	shalt  }
0x86: {  	_ =	shalt  }
0x87: {  	_ =	shalt  }
.Lfunc_end0:
.L_simem_size_0:
called_computation_lowered:
.L_overlay_start_0:
0x88: {  	s2 =	sld [smem:$0x3FD9]  }
0x89: {  	s3 =	sld [smem:$0x3FFE];
	_ =	sdelay $0x1  }
0x8a: {  	s1 =	srdreg.scid  }
0x8b: {  	s0 =	sand.u32 $0x1, s1  }
0x8c: {  	s15 =	sshll.u32 s0, $0xA;
	s2 =	sadd.s32 s3, s2  }
0x8d: {  	s2 =	sadd.s32 s2, s15  }
0x8e: {  	[smem:$0x3FC3] =	sst s2  }
0x8f: {  	_ = 	snop  }
0x90: {  	s16 =	sld [smem:$0x3FD0];
	_ =	sdelay $0x2  }
0x91: {  	s4 =	simm.s32 $0xB;
	s5 =	simm.s32 $0x10;
	s2 =	sld [smem:$0x3FC9]  }
0x92: {  	[smem:s5], [sflag:s4] =	dma.local [hbm:s16], $0x1  }
0x93: {  	_ =	swait.eq [sflag:s4], $0x1  }
0x94: {  	[sflag:s4] =	ssyncset.done $0x0  }
0x95: {  	[sflag:s4] =	ssyncadd.s32 $0xFFFFFFFF  }
0x96: {  	s17 =	sld [smem:$0x10];
	(tm) =	ssettm $0x1  }
0x97: {  	s18 =	sld [smem:$0x3FFB];
	_ =	sdelay $0x3  }
0x98: {  	_ =	strace s18  }
0x99: {  	s3 =	sld [smem:$0x3FFC];
	_ =	sdelay $0x3  }
0x9a: {  	_ =	strace s3  }
0x9b: {  	s3 =	sld [smem:$0x3FFD];
	_ =	sdelay $0x3  }
0x9c: {  	_ =	strace s3  }
0x9d: {  	_ =	strace $0x8FFFFFFF  }
0x9e: {  	s19 =	sld [smem:$0x3FDB];
	_ =	sdelay $0x1  }
0x9f: {  	s20 =	simm.s32 $_scs_section_size  }
0xa0: {  	s6 =	simm.s32 $_size__tile_overlayer_lowered;
	s7 =	simm.s32 $_tile_overlayer_lowered  }
0xa1: {  	s8 =	simm.s32 $0x1BFF;
	s21 =	sshll.u32 s7, $0x1;
	s5 =	sadd.s32 s20, s19  }
0xa2: {  	s22 =	simm.s32 $0x0;
	s6 =	sshll.u32 s6, $0x1;
	s7 =	sadd.s32 s21, s5  }
0xa3: {  	[timem:s22], [sflag:s8] =	dma.local [hbm:s7], s6  }
0xa4: {  	_ =	swait.ge [sflag:s8], s6  }
0xa5: {  	s6 =	ssub.s32 $0x0, s6;
	[sflag:s8] =	ssyncset.done $0x0  }
0xa6: {  	[sflag:s8] =	ssyncadd.s32 s6;
	_ =	sdelay $0x1  }
0xa7: {  	s23 =	simm.s32 $0x1B8B  }
0xa8: {  	_ =	swait.ge [sflag:s23], $0x1  }
0xa9: {  	[sflag:s23] =	ssyncset.done $0x0  }
0xaa: {  	[sflag:s23] =	ssyncadd.s32 $0xFFFFFFFF  }
0xab: {  	s6 =	sld [smem:$0x0]  }
0xac: {  	s7 =	sand.u32 $0xFFFFFFFE, s1  }
0xad: {  	p0 =	sne.s32 s1, s7  }
0xae: {  	s7 =	sshll.u32 @p0 s7, $0xE  }
0xaf: {  	s7 =	sadd.s32 @p0 $0x11B8D, s7;
	s8 =	sshll.u32 @p0 s6, $0x11  }
0xb0: {  	s7 =	sor.u32 @p0 s8, s7  }
0xb1: {  	[sflag:s7] =	ssyncadd.remote.s32 @p0 $0x1;
	_ =	sdelay $0x1  }
0xb2: {  	s7 =	simm.s32 @p0 $0x1B8D  }
0xb3: {  	_ =	swait.eq @p0 [sflag:s7], $0x1  }
0xb4: {  	[sflag:s7] =	ssyncadd.s32 @p0 $0xFFFFFFFF  }
0xb5: {  	s8 =	sshll.u32 @!p0 s1, $0xE  }
0xb6: {  	s8 =	sor.u32 @!p0 $0x4000, s8;
	s7 =	simm.s32 @!p0 $0x1B8D  }
0xb7: {  	s6 =	sshll.u32 @!p0 s6, $0x11;
	s8 =	sadd.s32 @!p0 $0x11B8D, s8;
	_ =	swait.eq @!p0 [sflag:s7], $0x1  }
0xb8: {  	s6 =	sor.u32 @!p0 s6, s8;
	[sflag:s7] =	ssyncadd.s32 @!p0 $0xFFFFFFFF  }
0xb9: {  	s25 =	simm.s32 $0x1B8E;
	s24 =	sld [smem:$0x3FFE];
	[sflag:s6] =	ssyncadd.remote.s32 @!p0 $0x1  }
0xba: {  	s26 =	simm.s32 $execute0_lowered;
	[smem:$0x3FD2] =	sst s25  }
0xbb: {  	s7 =	sshll.u32 s26, $0x1;
	_ =	strace $0x80000049;
	[dreg:$0x1] =	wrdreg $0xFFFFFFFF  }
0xbc: {  	s28 =	simm.s32 $_size_execute0_lowered;
	s5 =	sadd.s32 s5, s7;
	[dreg:$0x0] =	wrdreg $0x0  }
0xbd: {  	s7 =	sshll.u32 s28, $0x1;
	[dreg:$0x2] =	wrdreg s5  }
0xbe: {  	[dreg:$0x3] =	wrdreg s7  }
0xbf: {  	[dreg:$0x4] =	wrdreg $0xC0  }
0xc0: {  	_ =	task [dreg:s22], $0x5FFFF  }
0xc1: {  	[dreg:$0x1] =	wrdreg $0xFFFFFFFF  }
0xc2: {  	[dreg:$0x0] =	wrdreg $0x60  }
0xc3: {  	[dreg:$0x2] =	wrdreg s24  }
0xc4: {  	[dreg:$0x3] =	wrdreg s2  }
0xc5: {  	[dreg:$0x4] =	wrdreg s17  }
0xc6: {  	[dreg:$0x5] =	wrdreg $0x9  }
0xc7: {  	_ =	task.clear_ibuf [dreg:s22], $0x6FFFF;
	_ =	strace $0x90000049  }
0xc8: {  	s29 =	simm.s32 $0x9;
	_ =	strace $0x8000004B  }
0xc9: {  	_ =	swait.ge [sflag:s29], $0x1  }
0xca: {  	[sflag:s29] =	ssyncadd.s32 $0xFFFFFFFF  }
0xcb: {  	_ =	strace $0x9000004B  }
0xcc: {  	_ =	sfence  }
0xcd: {  	s30 =	sld [smem:$0x0];
	_ =	sdelay $0x2  }
0xce: {  	s31 =	sshll.u32 s1, $0xD;
	s1 =	sshrl.u32 s1, $0x2  }
0xcf: {  	s4 =	sand.u32 $0x4000, s31;
	s1 =	sadd.s32 s1, s30  }
0xd0: {  	s0 =	sor.u32 s4, s0;
	s1 =	sshll.u32 s1, $0x11  }
0xd1: {  	s0 =	sor.u32 s1, s0  }
0xd2: {  	s0 =	sadd.s32 $0x8F2B, s0  }
0xd3: {  	[sflag:s0] =	ssyncadd.remote.s32 $0x1  }
0xd4: {  	_ =	sfence.sel $0xFFFF  }
0xd5: {  	[dreg:$0x0] =	wrdreg $0xFFFFFFFF;
	(pc) =	sbr.abs _section_cstart, $3  }
0xd6: {  	[dreg:$0x1] =	wrdreg $0xFFFFFFFF  }
0xd7: {  	_ =	task.clear_ibuf [dreg:s22], $0x2FFFF;
	_ =	strace $0x9FFFFFFF  }
0xd8: {  	(tm) =	ssettm $0x7FFFFFFF  }
0xd9: {  	_ =	shalt  }
tec
execute0_lowered:
.L_overlay_start_1:
0x0: {  	(tag) =	ssettag $0x1  }
0x1: {  	s3 =	rddreg [dreg:$0x0]  }
0x2: {  	s4 =	rddreg [dreg:$0x1]  }
0x3: {  	s6 =	rddreg [dreg:$0x2]  }
0x4: {  	s0 =	rddreg [dreg:$0x3]  }
0x5: {  	s5 =	srdreg.scid;
	s2 =	simm.s32 $0x0;
	s1 =	stileid.u32  }
0x6: {  	s10 =	simm.s32 $0x400;
	s11 =	simm.s32 $0x2;
	s12 =	simm.s32 $0x0  }
0x7: {  	s5 =	sand.u32 $0x1, s5;
	[smem:$0x7FF] =	sst s2;
	s7 =	sshll.u32 s1, $0xA  }
0x8: {  	s3 =	sadd.s32 $0xF41200, s3;
	s8 =	sshll.u32 s5, $0x9;
	s5 =	ssub.s32 $0x2, s5  }
0x9: {  	_ =	strace $0x8000004A;
	s7 =	sor.u32 s8, s7;
	s9 =	sshrl.u32 s5, $0x1  }
0xa: {  	s8 =	sshrl.u32 s7, $0x4;
	s7 =	sshll.u32 s7, $0x3;
	s31 =	ssub.s32 s5, s9  }
0xb: {  	v0 =	vlaneseq.u32;
	s9 =	simm.s32 $0x1;
	s4 =	sadd.s32 s4, s8;
	s6 =	sadd.s32 s6, s7  }
0xc: {  	v0 =	vmul.u32 $0x2, v0;
	s7 =	smax.u32 s31, $0x1;
	s8 =	simm.s32 $0x200;
	s5 =	sadd.s32 $0x400, s4  }
.LBB2_1:
0xd: {  	[tilespmem:s8], [sflag:$0x1] =	stream.linear.gather [hbm4b:s4+s2], $0x100, $0x38;
	[tilespmem:$0x8400] =	vst v63  }
0xe: {  	s13 =	simm.s32 $0x300  }
0xf: {  	[tilespmem:s13], [sflag:$0x1] =	stream.linear.gather [hbm4b:s5+s2], $0x100, $0x38;
	[tilespmem:$0x8400] =	vst v63  }
0x10: {  	_ =	swait.ge [sflag:s9], $0x100  }
0x11: {  	[sflag:s9] =	ssyncset.done $0x0  }
0x12: {  	[sflag:s9] =	ssyncadd.s32 $0xFFFFFF00  }
0x13: {  	_ =	swait.ge [sflag:s9], $0x100  }
0x14: {  	[sflag:s9] =	ssyncset.done $0x0  }
0x15: {  	[sflag:s9] =	ssyncadd.s32 $0xFFFFFF00  }
0x16: {  	v2 =	vld [tilespmem:s13+$0x0]  }
0x17: {  	v1 =	vld [tilespmem:s13+$0xFFFFFF00]  }
0x18: {  	v3 =	vmov s2;
	s14 =	simm.s32 $0x10  }
.LBB2_2:
0x19: {  	p0 =	sne.s32 s14, $0xF0;
	v3 =	vshll.u32 v3, $0x1  }
0x1a: {  	v3 =	vor.u32 v0, v3  }
0x1b: {  	v4 =	vand.u32 $0xFFFFC000, v2;
	v5 =	vor.u32 $0x1, v3  }
0x1c: {  	v7 =	vshrl.u32 v2, $0xD;
	v2 =	vshll.u32 v2, $0x1;
	v6 =	vshll.u32 v1, $0x1  }
0x1d: {  	v8 =	vand.u32 $0xFFFFC000, v1;
	v1 =	vshrl.u32 v1, $0xD;
	v6 =	vand.u32 $0x3FFE, v6  }
0x1e: {  	v2 =	vand.u32 $0x3FFE, v2;
	v1 =	vand.u32 $0x1, v1;
	v6 =	vor.u32 v8, v6  }
0x1f: {  	v2 =	vor.u32 v4, v2;
	v1 =	vor.u32 v1, v6;
	v6 =	vand.u32 $0x1, v7  }
.Ltmp0:
0x20: {  	v2 =	vor.u32 v6, v2;
	[tilespmem:v3+s2+$0x0] =	vst.idx.msk $0xffff, v1;
	(pc) =	sbr.rel @p0 .LBB2_2-.Ltmp0, $4  }
0x21: {  	s13 =	sadd.s32 $0x10, s13;
	[tilespmem:v5+s2+$0x0] =	vst.idx.msk $0xffff, v2  }
0x22: {  	v2 =	vld [tilespmem:s13+$0x0]  }
0x23: {  	v1 =	vld [tilespmem:s13+$0xFFFFFF00]  }
0x24: {  	v3 =	vmov s14;
	s14 =	sadd.s32 $0x10, s14  }
0x25: {  	v3 =	vshll.u32 v3, $0x1  }
0x26: {  	v3 =	vor.u32 v0, v3  }
0x27: {  	v4 =	vand.u32 $0xFFFFC000, v2;
	v5 =	vor.u32 $0x1, v3  }
0x28: {  	v7 =	vshrl.u32 v2, $0xD;
	v2 =	vshll.u32 v2, $0x1;
	v6 =	vshll.u32 v1, $0x1  }
0x29: {  	v8 =	vand.u32 $0xFFFFC000, v1;
	v1 =	vshrl.u32 v1, $0xD;
	v6 =	vand.u32 $0x3FFE, v6  }
0x2a: {  	v2 =	vand.u32 $0x3FFE, v2;
	v1 =	vand.u32 $0x1, v1;
	v6 =	vor.u32 v8, v6  }
0x2b: {  	v63 =	vand.u32 $0x1, v7;
	v2 =	vor.u32 v4, v2;
	v1 =	vor.u32 v1, v6  }
0x2c: {  	v2 =	vor.u32 v63, v2;
	[tilespmem:v3+s2+$0x0] =	vst.idx.msk $0xffff, v1  }
0x2d: {  	[tilespmem:v5+s2+$0x0] =	vst.idx.msk $0xffff, v2  }
0x2e: {  	[tilespmem:s10], [sflag:$0x1] =	stream.indirect.gather [hbm4b:s3+s8], $0x40, s2, s8, $0xb8;
	[tilespmem:$0x8400] =	vst v63  }
0x2f: {  	s12 =	sadd.s32 $0x1, s12;
	_ =	swait.ge [sflag:s9], $0x8000  }
0x30: {  	p0 =	sne.s32 s12, s7;
	[sflag:s9] =	ssyncset.done $0x0  }
.Ltmp1:
0x31: {  	[sflag:s9] =	ssyncadd.s32 $0xFFFF8000;
	(pc) =	sbr.rel @p0 .LBB2_1-.Ltmp1, $4  }
0x32: {  	[hbm4b:s6+s2] =	stream.linear.scatter [tilespmem:s10], [sflag:$0x2], $0x8000, $0x38;
	[tilespmem:$0x8400] =	vst v63  }
0x33: {  	_ =	swait.ge [sflag:s11], $0x8000  }
0x34: {  	[sflag:s11] =	ssyncset.done $0x0  }
0x35: {  	[sflag:s11] =	ssyncadd.s32 $0xFFFF8000  }
0x36: {  	_ =	sfence.sel $0x180000  }
0x37: {  	[bflag:$0x0] =	sbarrier.arrive $0xFFFF  }
0x38: {  	p0 =	sne.s32 s1, $0x0;
	_ =	strace $0x9000004A  }
0x39: {  	s0 =	sadd.s32 @!p0 $0x100000, s0;
	[bflag:$0x2] =	sbarrier.arrive $0xFFFF  }
0x3a: {  	[sflag:s0] =	ssyncadd.tile.s32 @!p0 $0x1;
	_ =	shalt  }
.Lfunc_end2:
_tile_overlayer_lowered:
.L_overlay_start_2:
0x3b: {  	(tag) =	ssettag $0x2  }
0x3c: {  	s0 =	rddreg [dreg:$0x0];
	s2 =	stileid.u32  }
0x3d: {  	s1 =	rddreg [dreg:$0x1];
	p0 =	sne.s32 s2, $0x0  }
0x3e: {  	s3 =	rddreg [dreg:$0x2];
	[bflag:$0x3] =	sbarrier.arrive $0xFFFF;
	s2 =	simm.s32 @!p0 $0x1C02  }
0x3f: {  	[timem:s3], [sflag:s2] =	dma.local @!p0 [hbm:s0], s1  }
0x40: {  	s0 =	simm.s32 @!p0 $0x2  }
0x41: {  	_ =	swait.ge @!p0 [sflag:s0], s1  }
0x42: {  	s1 =	ssub.s32 @!p0 $0x0, s1;
	[sflag:s0] =	ssyncset.done @!p0 $0x0  }
0x43: {  	[sflag:s0] =	ssyncadd.s32 @!p0 s1  }
0x44: {  	[bflag:$0x3] =	sbarrier.arrive $0xFFFF  }
0x45: {  	_ =	shalt  }

</sc_bundles>
